<compile_context>
chip_gen: v7x
topology: tpu7x:2x2x1
jax: 0.10.2.dev20260603
libtpu: 0.0.44.dev20260713+nightly
codegen_flags: <defaults>
</compile_context>

<pallas_src>
import functools

import jax
import jax.numpy as jnp
from jax import lax
from jax.experimental import pallas as pl
from jax.experimental.pallas import tpu as pltpu
from jax.experimental.pallas import tpu_sc as plsc

N = 10000
E = 320000
D = 128
NC, NS, L = 2, 16, 16
NW = NC * NS
NP = 10240
CH = 128
EPW = 10240
NCH = EPW // CH
EPAD = NW * EPW
TCH = EPAD // CH
NBUF = 2
NSS = NCH // NBUF
RPT = NP // NS
K0 = 144
K1 = (TCH - NS * K0) // NS

_mesh = plsc.VectorSubcoreMesh(core_axis_name="c", subcore_axis_name="s")



@functools.partial(
    pl.kernel,
    out_type=jax.ShapeDtypeStruct((NW, NP), jnp.float32),
    mesh=_mesh,
    compiler_params=pltpu.CompilerParams(needs_layout_passes=False),
    scratch_types=[
        pltpu.VMEM((NCH, CH), jnp.int32),
        pltpu.VMEM((NP,), jnp.float32),
    ],
)
def _sc_degrees(src_hbm, out_hbm, idx_v, deg_v):
    w = lax.axis_index("s") * NC + lax.axis_index("c")
    pltpu.sync_copy(src_hbm.at[pl.ds(w * NCH, NCH)], idx_v)
    zeros = jnp.zeros((L,), jnp.float32)
    ones = jnp.ones((L,), jnp.float32)

    def zbody(i, carry):
        deg_v[pl.ds(i * L, L)] = zeros
        return carry

    lax.fori_loop(0, NP // L, zbody, 0)

    def body(r, carry):
        for c in range(CH // L):
            idx = idx_v[r, pl.ds(c * L, L)]
            plsc.addupdate_scatter(deg_v, [idx], ones)
        return carry

    lax.fori_loop(0, NCH, body, 0)
    pltpu.sync_copy(deg_v, out_hbm.at[w])



def _tc_project(featp, degs_part, W):
    def body(f_ref, d_ref, w_ref, o_ref):
        deg = jnp.sum(d_ref[...], axis=0)
        nrm = lax.rsqrt(jnp.maximum(deg, 1.0))
        o_ref[...] = lax.dot_general(
            f_ref[...] * nrm[:, None], w_ref[...],
            (((1,), (1,)), ((), ())), preferred_element_type=jnp.float32)

    RB = 1024
    return pl.pallas_call(
        body,
        grid=(NP // RB,),
        in_specs=[
            pl.BlockSpec((RB, D), lambda i: (i, 0)),
            pl.BlockSpec((NW, RB), lambda i: (0, i)),
            pl.BlockSpec((D, D), lambda i: (0, 0)),
        ],
        out_specs=pl.BlockSpec((RB, D), lambda i: (i, 0)),
        out_shape=jax.ShapeDtypeStruct((NP, D), jnp.float32),
    )(featp, degs_part, W)



@functools.partial(
    pl.kernel,
    out_type=jax.ShapeDtypeStruct((NC, NP, D), jnp.float32),
    mesh=_mesh,
    compiler_params=pltpu.CompilerParams(needs_layout_passes=False),
    scratch_types=[
        pltpu.VMEM((2, NBUF, CH), jnp.int32),
        pltpu.VMEM((2, NBUF, CH), jnp.int32),
        pltpu.VMEM((NBUF, CH, D), jnp.float32),
        pltpu.VMEM_SHARED((NP, D), jnp.float32),
        pltpu.SemaphoreType.DMA((2,)),
        pltpu.SemaphoreType.DMA((NBUF,)),
        pltpu.SemaphoreType.DMA((NBUF,)),
    ],
)
def _sc_aggregate(g_hbm, src_hbm, dst_hbm, out_hbm, si_v, di_v, rows_v, h_sh,
                  isem, gsem, ssem):
    c = lax.axis_index("c")
    s = lax.axis_index("s")
    base = lax.select(c == 0, s * K0,
                      jnp.minimum(NS * K0 + s * K1, TCH - NBUF))
    nss2 = lax.select(c == 0, K0 // (2 * NBUF), K1 // (2 * NBUF))

    def fetch_idx(t, slot):
        a = pltpu.async_copy(
            src_hbm.at[pl.ds(base + t * NBUF, NBUF)], si_v.at[slot],
            isem.at[slot])
        b = pltpu.async_copy(
            dst_hbm.at[pl.ds(base + t * NBUF, NBUF)], di_v.at[slot],
            isem.at[slot])
        return a, b

    i0 = fetch_idx(0, 0)

    with jax.named_scope("agg_zero"):
        zeros = jnp.zeros((L,), jnp.float32)

        def zbody(i, carry):
            for cc in range(D // L):
                rows_v[0, i, pl.ds(cc * L, L)] = zeros
            return carry

        lax.fori_loop(0, CH, zbody, 0)
        for k in range(RPT // CH):
            pltpu.sync_copy(rows_v.at[0], h_sh.at[pl.ds(s * RPT + k * CH, CH)])
        plsc.subcore_barrier()
        for d in i0:
            d.wait()

    def step(t2, carry):
        for slot in range(2):
            t = t2 * 2 + slot
            nxt = 1 - slot

            @pl.when(t + 1 < 2 * nss2)
            def _():
                fetch_idx(t + 1, nxt)

            gds = []
            for b in range(NBUF):
                gds.append(pltpu.async_copy(
                    g_hbm.at[si_v.at[slot, b]], rows_v.at[b], gsem.at[b]))
            sds = []
            for b in range(NBUF):
                gds[b].wait()
                sds.append(pltpu.async_copy(
                    rows_v.at[b], h_sh.at[di_v.at[slot, b]], ssem.at[b],
                    add=True))
            for d in sds:
                d.wait()

            @pl.when(t + 1 < 2 * nss2)
            def _():
                pltpu.make_async_copy(
                    src_hbm.at[pl.ds(0, NBUF)], si_v.at[nxt],
                    isem.at[nxt]).wait()
                pltpu.make_async_copy(
                    dst_hbm.at[pl.ds(0, NBUF)], di_v.at[nxt],
                    isem.at[nxt]).wait()
        return carry

    with jax.named_scope("agg_main"):
        lax.fori_loop(0, nss2, step, 0)
        plsc.subcore_barrier()

    with jax.named_scope("agg_wb"):
        pltpu.sync_copy(h_sh.at[pl.ds(s * RPT, RPT)],
                        out_hbm.at[c, pl.ds(s * RPT, RPT)])



def _tc_finish(hpart, W, b2):
    def body(p_ref, w_ref, b_ref, o_ref):
        bias2 = b_ref[...] + jnp.sum(w_ref[...], axis=1)[None, :]
        o_ref[...] = p_ref[0] + p_ref[1] + bias2

    RB = 1000
    return pl.pallas_call(
        body,
        grid=(N // RB,),
        in_specs=[
            pl.BlockSpec((NC, RB, D), lambda i: (0, i, 0)),
            pl.BlockSpec((D, D), lambda i: (0, 0)),
            pl.BlockSpec((1, D), lambda i: (0, 0)),
        ],
        out_specs=pl.BlockSpec((RB, D), lambda i: (i, 0)),
        out_shape=jax.ShapeDtypeStruct((N, D), jnp.float32),
    )(hpart, W, b2)


def kernel(feature, edge_index, W_lin, b_lin):
    src = edge_index[0].astype(jnp.int32)
    dst = edge_index[1].astype(jnp.int32)
    pad = jnp.full((EPAD - E,), N, dtype=jnp.int32)
    srcc = jnp.concatenate([src, pad]).reshape(TCH, CH)
    dstc = jnp.concatenate([dst, pad]).reshape(TCH, CH)
    featp = jnp.pad(feature, ((0, NP - N), (0, 0)))

    degs_part = _sc_degrees(srcc)
    g = _tc_project(featp, degs_part, W_lin)
    hpart = _sc_aggregate(g, srcc, dstc)
    return _tc_finish(hpart, W_lin, jnp.reshape(b_lin, (1, D)))

# --- scband reference (transcript-rebuilt; emitter-appended) ---
"""Pipeline reference for scband-gnnlayer-41893111005363 (READ-ONLY COPY).

The authoritative reference and input builder live on the scoring server;
editing this copy changes nothing except your own understanding.
"""

import jax, jax.numpy as jnp
import numpy as np

N_NODES = 10000
N_EDGES = 320000
D_IN = 128
D_OUT = 128

def setup_inputs(seed: int = 0) -> dict:
    key = jax.random.key(seed)
    k1, k2, k3, k4, k5 = jax.random.split(key, 5)
    feature = jax.random.normal(k1, (N_NODES, D_IN), dtype=jnp.float32)
    edge_index = jax.random.randint(k2, (2, N_EDGES), 0, N_NODES, dtype=jnp.int64)
    # learned params of nn.Linear(in_size, out_size)
    lim = 1.0 / np.sqrt(D_IN)
    W_lin = jax.random.uniform(k3, (D_OUT, D_IN), minval=-lim, maxval=lim, dtype=jnp.float32)
    b_lin = jax.random.uniform(k4, (D_OUT,), minval=-lim, maxval=lim, dtype=jnp.float32)
    return {"feature": feature, "edge_index": edge_index, "W_lin": W_lin, "b_lin": b_lin}

def reference(feature, edge_index, W_lin, b_lin):
    N = feature.shape[0]
    src = edge_index[0]
    dst = edge_index[1]
    # norm == 'both': out-degree based symmetric-ish normalization on src side
    degs = jnp.maximum(jnp.bincount(src, length=N).astype(jnp.float32), 1.0)
    norm = jnp.power(degs, -0.5)
    feat = feature * norm[:, None]
    # update_all(copy_src -> sum): scatter-add messages from src features into dst nodes
    msgs = jnp.take(feat, src, axis=0)
    h = jax.ops.segment_sum(msgs, dst, num_segments=N)
    # original code does `feat += self.bias` where self.bias is bool True -> adds 1.0
    h = h + 1.0
    # final linear projection
    return h @ W_lin.T + b_lin

if __name__ == "__main__":
    import jax
    _d = setup_inputs()
    print(jax.jit(kernel)(*tuple(_d.values())))

</pallas_src>

<mosaic_0001>
#map = affine_map<(d0, d1) -> (0, 0)>
#map1 = affine_map<(d0, d1) -> (0, 0, 0)>
module attributes {stable_mosaic.version = 14 : i64} {
  func.func @_sc_aggregate(%arg0: i32, %arg1: i32, %arg2: memref<10240x128xf32, #tpu.memory_space<hbm>>, %arg3: memref<2560x128xi32, #tpu.memory_space<hbm>>, %arg4: memref<2560x128xi32, #tpu.memory_space<hbm>>, %arg5: memref<2x10240x128xf32, #tpu.memory_space<hbm>>, %arg6: memref<2x2x128xi32, #tpu.memory_space<vmem>>, %arg7: memref<2x2x128xi32, #tpu.memory_space<vmem>>, %arg8: memref<2x128x128xf32, #tpu.memory_space<vmem>>, %arg9: memref<10240x128xf32, #tpu.memory_space<vmem_shared>>, %arg10: memref<2x!tpu.dma_semaphore, #tpu.memory_space<semaphore_mem>>, %arg11: memref<2x!tpu.dma_semaphore, #tpu.memory_space<semaphore_mem>>, %arg12: memref<2x!tpu.dma_semaphore, #tpu.memory_space<semaphore_mem>>) attributes {dimension_semantics = [#tpu.dimension_semantics<core_parallel>, #tpu.dimension_semantics<subcore_parallel>], iteration_bounds = array<i64: 2, 16>, scalar_prefetch = 0 : i64, scratch_operands = 7 : i64, tpu.core_type = #tpu.core_type<sc_vector_subcore>, window_params = [{transform_indices = #map}, {transform_indices = #map}, {transform_indices = #map}, {transform_indices = #map1}]} {
    %eq3A = arith.constant 0 : i32
    %eq3A_0 = arith.cmpi eq, %arg0, %eq3A : i32
    %mul3A = arith.constant 144 : i32
    %mul3A_1 = arith.muli %arg1, %mul3A : i32
    %mul3A_2 = arith.constant 16 : i32
    %mul3A_3 = arith.muli %arg1, %mul3A_2 : i32
    %add3A = arith.constant 2304 : i32
    %add3A_4 = arith.addi %add3A, %mul3A_3 : i32
    %min3A = arith.constant 2558 : i32
    %min3A_5 = arith.minsi %add3A_4, %min3A : i32
    %select_n3A = arith.select %eq3A_0, %mul3A_1, %min3A_5 : i32
    %eq3A_6 = arith.constant 0 : i32
    %eq3A_7 = arith.cmpi eq, %arg0, %eq3A_6 : i32
    %select_n3A_8 = arith.constant 4 : i32
    %select_n3A_9 = arith.constant 36 : i32
    %select_n3A_10 = arith.select %eq3A_7, %select_n3A_9, %select_n3A_8 : i32
    %add3A_11 = arith.constant 0 : i32
    %add3A_12 = arith.addi %select_n3A, %add3A_11 : i32
    %dma_start3A = arith.constant 0 : i32
    %dma_start3A_13 = arith.constant 0 : i32
    %dma_start3A_14 = arith.constant 0 : i32
    %dma_start3A_15 = arith.constant 0 : i32
    %dma_start3A_16 = tpu.memref_slice %arg6[%dma_start3A, %dma_start3A_14, %dma_start3A_15] : memref<2x2x128xi32, #tpu.memory_space<vmem>> -> memref<1x2x128xi32, #tpu.memory_space<vmem>>
    %dma_start3A_17 = tpu.memref_squeeze %dma_start3A_16 : memref<1x2x128xi32, #tpu.memory_space<vmem>> -> memref<2x128xi32, #tpu.memory_space<vmem>>
    %dma_start3A_18 = arith.constant 0 : i32
    %dma_start3A_19 = tpu.memref_slice %arg3[%add3A_12, %dma_start3A_18] : memref<2560x128xi32, #tpu.memory_space<hbm>> -> memref<2x128xi32, #tpu.memory_space<hbm>>
    %dma_start3A_20 = tpu.memref_slice %arg10[%dma_start3A_13] : memref<2x!tpu.dma_semaphore, #tpu.memory_space<semaphore_mem>> -> memref<1x!tpu.dma_semaphore, #tpu.memory_space<semaphore_mem>>
    %dma_start3A_21 = tpu.memref_squeeze %dma_start3A_20 : memref<1x!tpu.dma_semaphore, #tpu.memory_space<semaphore_mem>> -> memref<!tpu.dma_semaphore, #tpu.memory_space<semaphore_mem>>
    %dma_start3A_22 = arith.constant 0 : i32
    %dma_start3A_23 = arith.constant 0 : i32
    %dma_start3A_24 = tpu.memref_slice %arg6[%dma_start3A, %dma_start3A_22, %dma_start3A_23] : memref<2x2x128xi32, #tpu.memory_space<vmem>> -> memref<1x2x128xi32, #tpu.memory_space<vmem>>
    %dma_start3A_25 = tpu.memref_squeeze %dma_start3A_24 : memref<1x2x128xi32, #tpu.memory_space<vmem>> -> memref<2x128xi32, #tpu.memory_space<vmem>>
    %dma_start3A_26 = arith.constant 0 : i32
    %dma_start3A_27 = tpu.memref_slice %arg3[%add3A_12, %dma_start3A_26] : memref<2560x128xi32, #tpu.memory_space<hbm>> -> memref<2x128xi32, #tpu.memory_space<hbm>>
    tpu.enqueue_dma source(%dma_start3A_27 : memref<2x128xi32, #tpu.memory_space<hbm>>) target(%dma_start3A_25 : memref<2x128xi32, #tpu.memory_space<vmem>>) target_semaphore(%dma_start3A_21 : memref<!tpu.dma_semaphore, #tpu.memory_space<semaphore_mem>>)
    %add3A_28 = arith.constant 0 : i32
    %add3A_29 = arith.addi %select_n3A, %add3A_28 : i32
    %dma_start3A_30 = arith.constant 0 : i32
    %dma_start3A_31 = arith.constant 0 : i32
    %dma_start3A_32 = arith.constant 0 : i32
    %dma_start3A_33 = arith.constant 0 : i32
    %dma_start3A_34 = tpu.memref_slice %arg7[%dma_start3A_30, %dma_start3A_32, %dma_start3A_33] : memref<2x2x128xi32, #tpu.memory_space<vmem>> -> memref<1x2x128xi32, #tpu.memory_space<vmem>>
    %dma_start3A_35 = tpu.memref_squeeze %dma_start3A_34 : memref<1x2x128xi32, #tpu.memory_space<vmem>> -> memref<2x128xi32, #tpu.memory_space<vmem>>
    %dma_start3A_36 = arith.constant 0 : i32
    %dma_start3A_37 = tpu.memref_slice %arg4[%add3A_29, %dma_start3A_36] : memref<2560x128xi32, #tpu.memory_space<hbm>> -> memref<2x128xi32, #tpu.memory_space<hbm>>
    %dma_start3A_38 = tpu.memref_slice %arg10[%dma_start3A_31] : memref<2x!tpu.dma_semaphore, #tpu.memory_space<semaphore_mem>> -> memref<1x!tpu.dma_semaphore, #tpu.memory_space<semaphore_mem>>
    %dma_start3A_39 = tpu.memref_squeeze %dma_start3A_38 : memref<1x!tpu.dma_semaphore, #tpu.memory_space<semaphore_mem>> -> memref<!tpu.dma_semaphore, #tpu.memory_space<semaphore_mem>>
    %dma_start3A_40 = arith.constant 0 : i32
    %dma_start3A_41 = arith.constant 0 : i32
    %dma_start3A_42 = tpu.memref_slice %arg7[%dma_start3A_30, %dma_start3A_40, %dma_start3A_41] : memref<2x2x128xi32, #tpu.memory_space<vmem>> -> memref<1x2x128xi32, #tpu.memory_space<vmem>>
    %dma_start3A_43 = tpu.memref_squeeze %dma_start3A_42 : memref<1x2x128xi32, #tpu.memory_space<vmem>> -> memref<2x128xi32, #tpu.memory_space<vmem>>
    %dma_start3A_44 = arith.constant 0 : i32
    %dma_start3A_45 = tpu.memref_slice %arg4[%add3A_29, %dma_start3A_44] : memref<2560x128xi32, #tpu.memory_space<hbm>> -> memref<2x128xi32, #tpu.memory_space<hbm>>
    tpu.enqueue_dma source(%dma_start3A_45 : memref<2x128xi32, #tpu.memory_space<hbm>>) target(%dma_start3A_43 : memref<2x128xi32, #tpu.memory_space<vmem>>) target_semaphore(%dma_start3A_39 : memref<!tpu.dma_semaphore, #tpu.memory_space<semaphore_mem>>)
    %broadcast_in_dim3A = arith.constant 0.000000e+00 : f32
    "tpu.trace_start"() <{level = 10 : i32, message = "agg_zero"}> : () -> ()
    %broadcast_in_dim3A_46 = vector.broadcast %broadcast_in_dim3A : f32 to vector<16xf32>
    %scan3A = arith.constant 0 : i32
    %scan3A_47 = arith.constant 0 : i32
    %scan3A_48 = arith.constant 128 : i32
    %scan3A_49 = arith.addi %scan3A_47, %scan3A_48 : i32
    %scan3A_50 = arith.constant 1 : i32
    scf.for %scan3A_121 = %scan3A_47 to %scan3A_49 step %scan3A_50  : i32 {
      %swap3A = arith.constant 0 : i32
      %swap3A_122 = arith.index_cast %swap3A : i32 to index
      %swap3A_123 = arith.index_cast %scan3A_121 : i32 to index
      %swap3A_124 = arith.constant 0 : index
      %swap3A_125 = tpu.vector_load %arg8[%swap3A_122, %swap3A_123, %swap3A_124] {strides = array<i32>} : memref<2x128x128xf32, #tpu.memory_space<vmem>>, vector<16xf32>,
      tpu.vector_store %arg8[%swap3A_122, %swap3A_123, %swap3A_124], %broadcast_in_dim3A_46 {strides = array<i32>} : memref<2x128x128xf32, #tpu.memory_space<vmem>>, vector<16xf32>,
      %swap3A_126 = arith.constant 0 : i32
      %swap3A_127 = arith.index_cast %swap3A_126 : i32 to index
      %swap3A_128 = arith.index_cast %scan3A_121 : i32 to index
      %swap3A_129 = arith.constant 16 : index
      %swap3A_130 = tpu.vector_load %arg8[%swap3A_127, %swap3A_128, %swap3A_129] {strides = array<i32>} : memref<2x128x128xf32, #tpu.memory_space<vmem>>, vector<16xf32>,
      tpu.vector_store %arg8[%swap3A_127, %swap3A_128, %swap3A_129], %broadcast_in_dim3A_46 {strides = array<i32>} : memref<2x128x128xf32, #tpu.memory_space<vmem>>, vector<16xf32>,
      %swap3A_131 = arith.constant 0 : i32
      %swap3A_132 = arith.index_cast %swap3A_131 : i32 to index
      %swap3A_133 = arith.index_cast %scan3A_121 : i32 to index
      %swap3A_134 = arith.constant 32 : index
      %swap3A_135 = tpu.vector_load %arg8[%swap3A_132, %swap3A_133, %swap3A_134] {strides = array<i32>} : memref<2x128x128xf32, #tpu.memory_space<vmem>>, vector<16xf32>,
      tpu.vector_store %arg8[%swap3A_132, %swap3A_133, %swap3A_134], %broadcast_in_dim3A_46 {strides = array<i32>} : memref<2x128x128xf32, #tpu.memory_space<vmem>>, vector<16xf32>,
      %swap3A_136 = arith.constant 0 : i32
      %swap3A_137 = arith.index_cast %swap3A_136 : i32 to index
      %swap3A_138 = arith.index_cast %scan3A_121 : i32 to index
      %swap3A_139 = arith.constant 48 : index
      %swap3A_140 = tpu.vector_load %arg8[%swap3A_137, %swap3A_138, %swap3A_139] {strides = array<i32>} : memref<2x128x128xf32, #tpu.memory_space<vmem>>, vector<16xf32>,
      tpu.vector_store %arg8[%swap3A_137, %swap3A_138, %swap3A_139], %broadcast_in_dim3A_46 {strides = array<i32>} : memref<2x128x128xf32, #tpu.memory_space<vmem>>, vector<16xf32>,
      %swap3A_141 = arith.constant 0 : i32
      %swap3A_142 = arith.index_cast %swap3A_141 : i32 to index
      %swap3A_143 = arith.index_cast %scan3A_121 : i32 to index
      %swap3A_144 = arith.constant 64 : index
      %swap3A_145 = tpu.vector_load %arg8[%swap3A_142, %swap3A_143, %swap3A_144] {strides = array<i32>} : memref<2x128x128xf32, #tpu.memory_space<vmem>>, vector<16xf32>,
      tpu.vector_store %arg8[%swap3A_142, %swap3A_143, %swap3A_144], %broadcast_in_dim3A_46 {strides = array<i32>} : memref<2x128x128xf32, #tpu.memory_space<vmem>>, vector<16xf32>,
      %swap3A_146 = arith.constant 0 : i32
      %swap3A_147 = arith.index_cast %swap3A_146 : i32 to index
      %swap3A_148 = arith.index_cast %scan3A_121 : i32 to index
      %swap3A_149 = arith.constant 80 : index
      %swap3A_150 = tpu.vector_load %arg8[%swap3A_147, %swap3A_148, %swap3A_149] {strides = array<i32>} : memref<2x128x128xf32, #tpu.memory_space<vmem>>, vector<16xf32>,
      tpu.vector_store %arg8[%swap3A_147, %swap3A_148, %swap3A_149], %broadcast_in_dim3A_46 {strides = array<i32>} : memref<2x128x128xf32, #tpu.memory_space<vmem>>, vector<16xf32>,
      %swap3A_151 = arith.constant 0 : i32
      %swap3A_152 = arith.index_cast %swap3A_151 : i32 to index
      %swap3A_153 = arith.index_cast %scan3A_121 : i32 to index
      %swap3A_154 = arith.constant 96 : index
      %swap3A_155 = tpu.vector_load %arg8[%swap3A_152, %swap3A_153, %swap3A_154] {strides = array<i32>} : memref<2x128x128xf32, #tpu.memory_space<vmem>>, vector<16xf32>,
      tpu.vector_store %arg8[%swap3A_152, %swap3A_153, %swap3A_154], %broadcast_in_dim3A_46 {strides = array<i32>} : memref<2x128x128xf32, #tpu.memory_space<vmem>>, vector<16xf32>,
      %swap3A_156 = arith.constant 0 : i32
      %swap3A_157 = arith.index_cast %swap3A_156 : i32 to index
      %swap3A_158 = arith.index_cast %scan3A_121 : i32 to index
      %swap3A_159 = arith.constant 112 : index
      %swap3A_160 = tpu.vector_load %arg8[%swap3A_157, %swap3A_158, %swap3A_159] {strides = array<i32>} : memref<2x128x128xf32, #tpu.memory_space<vmem>>, vector<16xf32>,
      tpu.vector_store %arg8[%swap3A_157, %swap3A_158, %swap3A_159], %broadcast_in_dim3A_46 {strides = array<i32>} : memref<2x128x128xf32, #tpu.memory_space<vmem>>, vector<16xf32>,
    }
    %scan3A_51 = arith.constant 128 : i32
    %mul3A_52 = arith.constant 640 : i32
    %mul3A_53 = arith.muli %arg1, %mul3A_52 : i32
    %add3A_54 = arith.constant 0 : i32
    %add3A_55 = arith.addi %mul3A_53, %add3A_54 : i32
    %run_scoped3A = arith.constant 0 : i32
    "tpu.region"() ({
      %run_scoped3A_121 = tpu.sem_alloc : memref<!tpu.dma_semaphore, #tpu.memory_space<semaphore_mem>>
      %dma_start3A_122 = arith.constant 0 : i32
      %dma_start3A_123 = arith.constant 0 : i32
      %dma_start3A_124 = tpu.memref_slice %arg8[%run_scoped3A, %dma_start3A_122, %dma_start3A_123] : memref<2x128x128xf32, #tpu.memory_space<vmem>> -> memref<1x128x128xf32, #tpu.memory_space<vmem>>
      %dma_start3A_125 = tpu.memref_squeeze %dma_start3A_124 : memref<1x128x128xf32, #tpu.memory_space<vmem>> -> memref<128x128xf32, #tpu.memory_space<vmem>>
      %dma_start3A_126 = arith.constant 0 : i32
      %dma_start3A_127 = tpu.memref_slice %arg9[%add3A_55, %dma_start3A_126] : memref<10240x128xf32, #tpu.memory_space<vmem_shared>> -> memref<128x128xf32, #tpu.memory_space<vmem_shared>>
      %dma_start3A_128 = arith.constant 0 : i32
      %dma_start3A_129 = tpu.memref_slice %arg9[%add3A_55, %dma_start3A_128] : memref<10240x128xf32, #tpu.memory_space<vmem_shared>> -> memref<128x128xf32, #tpu.memory_space<vmem_shared>>
      %dma_start3A_130 = arith.constant 0 : i32
      %dma_start3A_131 = arith.constant 0 : i32
      %dma_start3A_132 = tpu.memref_slice %arg8[%run_scoped3A, %dma_start3A_130, %dma_start3A_131] : memref<2x128x128xf32, #tpu.memory_space<vmem>> -> memref<1x128x128xf32, #tpu.memory_space<vmem>>
      %dma_start3A_133 = tpu.memref_squeeze %dma_start3A_132 : memref<1x128x128xf32, #tpu.memory_space<vmem>> -> memref<128x128xf32, #tpu.memory_space<vmem>>
      tpu.enqueue_dma source(%dma_start3A_133 : memref<128x128xf32, #tpu.memory_space<vmem>>) target(%dma_start3A_129 : memref<128x128xf32, #tpu.memory_space<vmem_shared>>) target_semaphore(%run_scoped3A_121 : memref<!tpu.dma_semaphore, #tpu.memory_space<semaphore_mem>>)
      %dma_wait3A_134 = arith.constant 0 : i32
      %dma_wait3A_135 = arith.constant 0 : i32
      %dma_wait3A_136 = tpu.memref_slice %arg8[%run_scoped3A, %dma_wait3A_134, %dma_wait3A_135] : memref<2x128x128xf32, #tpu.memory_space<vmem>> -> memref<1x128x128xf32, #tpu.memory_space<vmem>>
      %dma_wait3A_137 = tpu.memref_squeeze %dma_wait3A_136 : memref<1x128x128xf32, #tpu.memory_space<vmem>> -> memref<128x128xf32, #tpu.memory_space<vmem>>
      %dma_wait3A_138 = arith.constant 0 : i32
      %dma_wait3A_139 = tpu.memref_slice %arg9[%add3A_55, %dma_wait3A_138] : memref<10240x128xf32, #tpu.memory_space<vmem_shared>> -> memref<128x128xf32, #tpu.memory_space<vmem_shared>>
      %dma_wait3A_140 = arith.constant 0 : i32
      %dma_wait3A_141 = tpu.memref_slice %arg9[%add3A_55, %dma_wait3A_140] : memref<10240x128xf32, #tpu.memory_space<vmem_shared>> -> memref<128x128xf32, #tpu.memory_space<vmem_shared>>
      %dma_wait3A_142 = arith.constant 0 : i32
      %dma_wait3A_143 = arith.constant 0 : i32
      %dma_wait3A_144 = tpu.memref_slice %arg8[%run_scoped3A, %dma_wait3A_142, %dma_wait3A_143] : memref<2x128x128xf32, #tpu.memory_space<vmem>> -> memref<1x128x128xf32, #tpu.memory_space<vmem>>
      %dma_wait3A_145 = tpu.memref_squeeze %dma_wait3A_144 : memref<1x128x128xf32, #tpu.memory_space<vmem>> -> memref<128x128xf32, #tpu.memory_space<vmem>>
      tpu.wait_dma2 semaphore(%run_scoped3A_121 : memref<!tpu.dma_semaphore, #tpu.memory_space<semaphore_mem>>) src(%dma_wait3A_145 : memref<128x128xf32, #tpu.memory_space<vmem>>) dst(%dma_wait3A_141 : memref<128x128xf32, #tpu.memory_space<vmem_shared>>)
      tpu.yield
    }) : () -> ()
    %mul3A_56 = arith.constant 640 : i32
    %mul3A_57 = arith.muli %arg1, %mul3A_56 : i32
    %add3A_58 = arith.constant 128 : i32
    %add3A_59 = arith.addi %mul3A_57, %add3A_58 : i32
    %run_scoped3A_60 = arith.constant 0 : i32
    "tpu.region"() ({
      %run_scoped3A_121 = tpu.sem_alloc : memref<!tpu.dma_semaphore, #tpu.memory_space<semaphore_mem>>
      %dma_start3A_122 = arith.constant 0 : i32
      %dma_start3A_123 = arith.constant 0 : i32
      %dma_start3A_124 = tpu.memref_slice %arg8[%run_scoped3A_60, %dma_start3A_122, %dma_start3A_123] : memref<2x128x128xf32, #tpu.memory_space<vmem>> -> memref<1x128x128xf32, #tpu.memory_space<vmem>>
      %dma_start3A_125 = tpu.memref_squeeze %dma_start3A_124 : memref<1x128x128xf32, #tpu.memory_space<vmem>> -> memref<128x128xf32, #tpu.memory_space<vmem>>
      %dma_start3A_126 = arith.constant 0 : i32
      %dma_start3A_127 = tpu.memref_slice %arg9[%add3A_59, %dma_start3A_126] : memref<10240x128xf32, #tpu.memory_space<vmem_shared>> -> memref<128x128xf32, #tpu.memory_space<vmem_shared>>
      %dma_start3A_128 = arith.constant 0 : i32
      %dma_start3A_129 = tpu.memref_slice %arg9[%add3A_59, %dma_start3A_128] : memref<10240x128xf32, #tpu.memory_space<vmem_shared>> -> memref<128x128xf32, #tpu.memory_space<vmem_shared>>
      %dma_start3A_130 = arith.constant 0 : i32
      %dma_start3A_131 = arith.constant 0 : i32
      %dma_start3A_132 = tpu.memref_slice %arg8[%run_scoped3A_60, %dma_start3A_130, %dma_start3A_131] : memref<2x128x128xf32, #tpu.memory_space<vmem>> -> memref<1x128x128xf32, #tpu.memory_space<vmem>>
      %dma_start3A_133 = tpu.memref_squeeze %dma_start3A_132 : memref<1x128x128xf32, #tpu.memory_space<vmem>> -> memref<128x128xf32, #tpu.memory_space<vmem>>
      tpu.enqueue_dma source(%dma_start3A_133 : memref<128x128xf32, #tpu.memory_space<vmem>>) target(%dma_start3A_129 : memref<128x128xf32, #tpu.memory_space<vmem_shared>>) target_semaphore(%run_scoped3A_121 : memref<!tpu.dma_semaphore, #tpu.memory_space<semaphore_mem>>)
      %dma_wait3A_134 = arith.constant 0 : i32
      %dma_wait3A_135 = arith.constant 0 : i32
      %dma_wait3A_136 = tpu.memref_slice %arg8[%run_scoped3A_60, %dma_wait3A_134, %dma_wait3A_135] : memref<2x128x128xf32, #tpu.memory_space<vmem>> -> memref<1x128x128xf32, #tpu.memory_space<vmem>>
      %dma_wait3A_137 = tpu.memref_squeeze %dma_wait3A_136 : memref<1x128x128xf32, #tpu.memory_space<vmem>> -> memref<128x128xf32, #tpu.memory_space<vmem>>
      %dma_wait3A_138 = arith.constant 0 : i32
      %dma_wait3A_139 = tpu.memref_slice %arg9[%add3A_59, %dma_wait3A_138] : memref<10240x128xf32, #tpu.memory_space<vmem_shared>> -> memref<128x128xf32, #tpu.memory_space<vmem_shared>>
      %dma_wait3A_140 = arith.constant 0 : i32
      %dma_wait3A_141 = tpu.memref_slice %arg9[%add3A_59, %dma_wait3A_140] : memref<10240x128xf32, #tpu.memory_space<vmem_shared>> -> memref<128x128xf32, #tpu.memory_space<vmem_shared>>
      %dma_wait3A_142 = arith.constant 0 : i32
      %dma_wait3A_143 = arith.constant 0 : i32
      %dma_wait3A_144 = tpu.memref_slice %arg8[%run_scoped3A_60, %dma_wait3A_142, %dma_wait3A_143] : memref<2x128x128xf32, #tpu.memory_space<vmem>> -> memref<1x128x128xf32, #tpu.memory_space<vmem>>
      %dma_wait3A_145 = tpu.memref_squeeze %dma_wait3A_144 : memref<1x128x128xf32, #tpu.memory_space<vmem>> -> memref<128x128xf32, #tpu.memory_space<vmem>>
      tpu.wait_dma2 semaphore(%run_scoped3A_121 : memref<!tpu.dma_semaphore, #tpu.memory_space<semaphore_mem>>) src(%dma_wait3A_145 : memref<128x128xf32, #tpu.memory_space<vmem>>) dst(%dma_wait3A_141 : memref<128x128xf32, #tpu.memory_space<vmem_shared>>)
      tpu.yield
    }) : () -> ()
    %mul3A_61 = arith.constant 640 : i32
    %mul3A_62 = arith.muli %arg1, %mul3A_61 : i32
    %add3A_63 = arith.constant 256 : i32
    %add3A_64 = arith.addi %mul3A_62, %add3A_63 : i32
    %run_scoped3A_65 = arith.constant 0 : i32
    "tpu.region"() ({
      %run_scoped3A_121 = tpu.sem_alloc : memref<!tpu.dma_semaphore, #tpu.memory_space<semaphore_mem>>
      %dma_start3A_122 = arith.constant 0 : i32
      %dma_start3A_123 = arith.constant 0 : i32
      %dma_start3A_124 = tpu.memref_slice %arg8[%run_scoped3A_65, %dma_start3A_122, %dma_start3A_123] : memref<2x128x128xf32, #tpu.memory_space<vmem>> -> memref<1x128x128xf32, #tpu.memory_space<vmem>>
      %dma_start3A_125 = tpu.memref_squeeze %dma_start3A_124 : memref<1x128x128xf32, #tpu.memory_space<vmem>> -> memref<128x128xf32, #tpu.memory_space<vmem>>
      %dma_start3A_126 = arith.constant 0 : i32
      %dma_start3A_127 = tpu.memref_slice %arg9[%add3A_64, %dma_start3A_126] : memref<10240x128xf32, #tpu.memory_space<vmem_shared>> -> memref<128x128xf32, #tpu.memory_space<vmem_shared>>
      %dma_start3A_128 = arith.constant 0 : i32
      %dma_start3A_129 = tpu.memref_slice %arg9[%add3A_64, %dma_start3A_128] : memref<10240x128xf32, #tpu.memory_space<vmem_shared>> -> memref<128x128xf32, #tpu.memory_space<vmem_shared>>
      %dma_start3A_130 = arith.constant 0 : i32
      %dma_start3A_131 = arith.constant 0 : i32
      %dma_start3A_132 = tpu.memref_slice %arg8[%run_scoped3A_65, %dma_start3A_130, %dma_start3A_131] : memref<2x128x128xf32, #tpu.memory_space<vmem>> -> memref<1x128x128xf32, #tpu.memory_space<vmem>>
      %dma_start3A_133 = tpu.memref_squeeze %dma_start3A_132 : memref<1x128x128xf32, #tpu.memory_space<vmem>> -> memref<128x128xf32, #tpu.memory_space<vmem>>
      tpu.enqueue_dma source(%dma_start3A_133 : memref<128x128xf32, #tpu.memory_space<vmem>>) target(%dma_start3A_129 : memref<128x128xf32, #tpu.memory_space<vmem_shared>>) target_semaphore(%run_scoped3A_121 : memref<!tpu.dma_semaphore, #tpu.memory_space<semaphore_mem>>)
      %dma_wait3A_134 = arith.constant 0 : i32
      %dma_wait3A_135 = arith.constant 0 : i32
      %dma_wait3A_136 = tpu.memref_slice %arg8[%run_scoped3A_65, %dma_wait3A_134, %dma_wait3A_135] : memref<2x128x128xf32, #tpu.memory_space<vmem>> -> memref<1x128x128xf32, #tpu.memory_space<vmem>>
      %dma_wait3A_137 = tpu.memref_squeeze %dma_wait3A_136 : memref<1x128x128xf32, #tpu.memory_space<vmem>> -> memref<128x128xf32, #tpu.memory_space<vmem>>
      %dma_wait3A_138 = arith.constant 0 : i32
      %dma_wait3A_139 = tpu.memref_slice %arg9[%add3A_64, %dma_wait3A_138] : memref<10240x128xf32, #tpu.memory_space<vmem_shared>> -> memref<128x128xf32, #tpu.memory_space<vmem_shared>>
      %dma_wait3A_140 = arith.constant 0 : i32
      %dma_wait3A_141 = tpu.memref_slice %arg9[%add3A_64, %dma_wait3A_140] : memref<10240x128xf32, #tpu.memory_space<vmem_shared>> -> memref<128x128xf32, #tpu.memory_space<vmem_shared>>
      %dma_wait3A_142 = arith.constant 0 : i32
      %dma_wait3A_143 = arith.constant 0 : i32
      %dma_wait3A_144 = tpu.memref_slice %arg8[%run_scoped3A_65, %dma_wait3A_142, %dma_wait3A_143] : memref<2x128x128xf32, #tpu.memory_space<vmem>> -> memref<1x128x128xf32, #tpu.memory_space<vmem>>
      %dma_wait3A_145 = tpu.memref_squeeze %dma_wait3A_144 : memref<1x128x128xf32, #tpu.memory_space<vmem>> -> memref<128x128xf32, #tpu.memory_space<vmem>>
      tpu.wait_dma2 semaphore(%run_scoped3A_121 : memref<!tpu.dma_semaphore, #tpu.memory_space<semaphore_mem>>) src(%dma_wait3A_145 : memref<128x128xf32, #tpu.memory_space<vmem>>) dst(%dma_wait3A_141 : memref<128x128xf32, #tpu.memory_space<vmem_shared>>)
      tpu.yield
    }) : () -> ()
    %mul3A_66 = arith.constant 640 : i32
    %mul3A_67 = arith.muli %arg1, %mul3A_66 : i32
    %add3A_68 = arith.constant 384 : i32
    %add3A_69 = arith.addi %mul3A_67, %add3A_68 : i32
    %run_scoped3A_70 = arith.constant 0 : i32
    "tpu.region"() ({
      %run_scoped3A_121 = tpu.sem_alloc : memref<!tpu.dma_semaphore, #tpu.memory_space<semaphore_mem>>
      %dma_start3A_122 = arith.constant 0 : i32
      %dma_start3A_123 = arith.constant 0 : i32
      %dma_start3A_124 = tpu.memref_slice %arg8[%run_scoped3A_70, %dma_start3A_122, %dma_start3A_123] : memref<2x128x128xf32, #tpu.memory_space<vmem>> -> memref<1x128x128xf32, #tpu.memory_space<vmem>>
      %dma_start3A_125 = tpu.memref_squeeze %dma_start3A_124 : memref<1x128x128xf32, #tpu.memory_space<vmem>> -> memref<128x128xf32, #tpu.memory_space<vmem>>
      %dma_start3A_126 = arith.constant 0 : i32
      %dma_start3A_127 = tpu.memref_slice %arg9[%add3A_69, %dma_start3A_126] : memref<10240x128xf32, #tpu.memory_space<vmem_shared>> -> memref<128x128xf32, #tpu.memory_space<vmem_shared>>
      %dma_start3A_128 = arith.constant 0 : i32
      %dma_start3A_129 = tpu.memref_slice %arg9[%add3A_69, %dma_start3A_128] : memref<10240x128xf32, #tpu.memory_space<vmem_shared>> -> memref<128x128xf32, #tpu.memory_space<vmem_shared>>
      %dma_start3A_130 = arith.constant 0 : i32
      %dma_start3A_131 = arith.constant 0 : i32
      %dma_start3A_132 = tpu.memref_slice %arg8[%run_scoped3A_70, %dma_start3A_130, %dma_start3A_131] : memref<2x128x128xf32, #tpu.memory_space<vmem>> -> memref<1x128x128xf32, #tpu.memory_space<vmem>>
      %dma_start3A_133 = tpu.memref_squeeze %dma_start3A_132 : memref<1x128x128xf32, #tpu.memory_space<vmem>> -> memref<128x128xf32, #tpu.memory_space<vmem>>
      tpu.enqueue_dma source(%dma_start3A_133 : memref<128x128xf32, #tpu.memory_space<vmem>>) target(%dma_start3A_129 : memref<128x128xf32, #tpu.memory_space<vmem_shared>>) target_semaphore(%run_scoped3A_121 : memref<!tpu.dma_semaphore, #tpu.memory_space<semaphore_mem>>)
      %dma_wait3A_134 = arith.constant 0 : i32
      %dma_wait3A_135 = arith.constant 0 : i32
      %dma_wait3A_136 = tpu.memref_slice %arg8[%run_scoped3A_70, %dma_wait3A_134, %dma_wait3A_135] : memref<2x128x128xf32, #tpu.memory_space<vmem>> -> memref<1x128x128xf32, #tpu.memory_space<vmem>>
      %dma_wait3A_137 = tpu.memref_squeeze %dma_wait3A_136 : memref<1x128x128xf32, #tpu.memory_space<vmem>> -> memref<128x128xf32, #tpu.memory_space<vmem>>
      %dma_wait3A_138 = arith.constant 0 : i32
      %dma_wait3A_139 = tpu.memref_slice %arg9[%add3A_69, %dma_wait3A_138] : memref<10240x128xf32, #tpu.memory_space<vmem_shared>> -> memref<128x128xf32, #tpu.memory_space<vmem_shared>>
      %dma_wait3A_140 = arith.constant 0 : i32
      %dma_wait3A_141 = tpu.memref_slice %arg9[%add3A_69, %dma_wait3A_140] : memref<10240x128xf32, #tpu.memory_space<vmem_shared>> -> memref<128x128xf32, #tpu.memory_space<vmem_shared>>
      %dma_wait3A_142 = arith.constant 0 : i32
      %dma_wait3A_143 = arith.constant 0 : i32
      %dma_wait3A_144 = tpu.memref_slice %arg8[%run_scoped3A_70, %dma_wait3A_142, %dma_wait3A_143] : memref<2x128x128xf32, #tpu.memory_space<vmem>> -> memref<1x128x128xf32, #tpu.memory_space<vmem>>
      %dma_wait3A_145 = tpu.memref_squeeze %dma_wait3A_144 : memref<1x128x128xf32, #tpu.memory_space<vmem>> -> memref<128x128xf32, #tpu.memory_space<vmem>>
      tpu.wait_dma2 semaphore(%run_scoped3A_121 : memref<!tpu.dma_semaphore, #tpu.memory_space<semaphore_mem>>) src(%dma_wait3A_145 : memref<128x128xf32, #tpu.memory_space<vmem>>) dst(%dma_wait3A_141 : memref<128x128xf32, #tpu.memory_space<vmem_shared>>)
      tpu.yield
    }) : () -> ()
    %mul3A_71 = arith.constant 640 : i32
    %mul3A_72 = arith.muli %arg1, %mul3A_71 : i32
    %add3A_73 = arith.constant 512 : i32
    %add3A_74 = arith.addi %mul3A_72, %add3A_73 : i32
    %run_scoped3A_75 = arith.constant 0 : i32
    "tpu.region"() ({
      %run_scoped3A_121 = tpu.sem_alloc : memref<!tpu.dma_semaphore, #tpu.memory_space<semaphore_mem>>
      %dma_start3A_122 = arith.constant 0 : i32
      %dma_start3A_123 = arith.constant 0 : i32
      %dma_start3A_124 = tpu.memref_slice %arg8[%run_scoped3A_75, %dma_start3A_122, %dma_start3A_123] : memref<2x128x128xf32, #tpu.memory_space<vmem>> -> memref<1x128x128xf32, #tpu.memory_space<vmem>>
      %dma_start3A_125 = tpu.memref_squeeze %dma_start3A_124 : memref<1x128x128xf32, #tpu.memory_space<vmem>> -> memref<128x128xf32, #tpu.memory_space<vmem>>
      %dma_start3A_126 = arith.constant 0 : i32
      %dma_start3A_127 = tpu.memref_slice %arg9[%add3A_74, %dma_start3A_126] : memref<10240x128xf32, #tpu.memory_space<vmem_shared>> -> memref<128x128xf32, #tpu.memory_space<vmem_shared>>
      %dma_start3A_128 = arith.constant 0 : i32
      %dma_start3A_129 = tpu.memref_slice %arg9[%add3A_74, %dma_start3A_128] : memref<10240x128xf32, #tpu.memory_space<vmem_shared>> -> memref<128x128xf32, #tpu.memory_space<vmem_shared>>
      %dma_start3A_130 = arith.constant 0 : i32
      %dma_start3A_131 = arith.constant 0 : i32
      %dma_start3A_132 = tpu.memref_slice %arg8[%run_scoped3A_75, %dma_start3A_130, %dma_start3A_131] : memref<2x128x128xf32, #tpu.memory_space<vmem>> -> memref<1x128x128xf32, #tpu.memory_space<vmem>>
      %dma_start3A_133 = tpu.memref_squeeze %dma_start3A_132 : memref<1x128x128xf32, #tpu.memory_space<vmem>> -> memref<128x128xf32, #tpu.memory_space<vmem>>
      tpu.enqueue_dma source(%dma_start3A_133 : memref<128x128xf32, #tpu.memory_space<vmem>>) target(%dma_start3A_129 : memref<128x128xf32, #tpu.memory_space<vmem_shared>>) target_semaphore(%run_scoped3A_121 : memref<!tpu.dma_semaphore, #tpu.memory_space<semaphore_mem>>)
      %dma_wait3A_134 = arith.constant 0 : i32
      %dma_wait3A_135 = arith.constant 0 : i32
      %dma_wait3A_136 = tpu.memref_slice %arg8[%run_scoped3A_75, %dma_wait3A_134, %dma_wait3A_135] : memref<2x128x128xf32, #tpu.memory_space<vmem>> -> memref<1x128x128xf32, #tpu.memory_space<vmem>>
      %dma_wait3A_137 = tpu.memref_squeeze %dma_wait3A_136 : memref<1x128x128xf32, #tpu.memory_space<vmem>> -> memref<128x128xf32, #tpu.memory_space<vmem>>
      %dma_wait3A_138 = arith.constant 0 : i32
      %dma_wait3A_139 = tpu.memref_slice %arg9[%add3A_74, %dma_wait3A_138] : memref<10240x128xf32, #tpu.memory_space<vmem_shared>> -> memref<128x128xf32, #tpu.memory_space<vmem_shared>>
      %dma_wait3A_140 = arith.constant 0 : i32
      %dma_wait3A_141 = tpu.memref_slice %arg9[%add3A_74, %dma_wait3A_140] : memref<10240x128xf32, #tpu.memory_space<vmem_shared>> -> memref<128x128xf32, #tpu.memory_space<vmem_shared>>
      %dma_wait3A_142 = arith.constant 0 : i32
      %dma_wait3A_143 = arith.constant 0 : i32
      %dma_wait3A_144 = tpu.memref_slice %arg8[%run_scoped3A_75, %dma_wait3A_142, %dma_wait3A_143] : memref<2x128x128xf32, #tpu.memory_space<vmem>> -> memref<1x128x128xf32, #tpu.memory_space<vmem>>
      %dma_wait3A_145 = tpu.memref_squeeze %dma_wait3A_144 : memref<1x128x128xf32, #tpu.memory_space<vmem>> -> memref<128x128xf32, #tpu.memory_space<vmem>>
      tpu.wait_dma2 semaphore(%run_scoped3A_121 : memref<!tpu.dma_semaphore, #tpu.memory_space<semaphore_mem>>) src(%dma_wait3A_145 : memref<128x128xf32, #tpu.memory_space<vmem>>) dst(%dma_wait3A_141 : memref<128x128xf32, #tpu.memory_space<vmem_shared>>)
      tpu.yield
    }) : () -> ()
    %barrier3A = arith.constant 0 : index
    tpu.barrier barrier_id(%barrier3A)
    %dma_wait3A = arith.constant 0 : i32
    %dma_wait3A_76 = arith.constant 0 : i32
    %dma_wait3A_77 = arith.constant 0 : i32
    %dma_wait3A_78 = arith.constant 0 : i32
    %dma_wait3A_79 = tpu.memref_slice %arg6[%dma_wait3A, %dma_wait3A_77, %dma_wait3A_78] : memref<2x2x128xi32, #tpu.memory_space<vmem>> -> memref<1x2x128xi32, #tpu.memory_space<vmem>>
    %dma_wait3A_80 = tpu.memref_squeeze %dma_wait3A_79 : memref<1x2x128xi32, #tpu.memory_space<vmem>> -> memref<2x128xi32, #tpu.memory_space<vmem>>
    %dma_wait3A_81 = arith.constant 0 : i32
    %dma_wait3A_82 = tpu.memref_slice %arg3[%add3A_12, %dma_wait3A_81] : memref<2560x128xi32, #tpu.memory_space<hbm>> -> memref<2x128xi32, #tpu.memory_space<hbm>>
    %dma_wait3A_83 = tpu.memref_slice %arg10[%dma_wait3A_76] : memref<2x!tpu.dma_semaphore, #tpu.memory_space<semaphore_mem>> -> memref<1x!tpu.dma_semaphore, #tpu.memory_space<semaphore_mem>>
    %dma_wait3A_84 = tpu.memref_squeeze %dma_wait3A_83 : memref<1x!tpu.dma_semaphore, #tpu.memory_space<semaphore_mem>> -> memref<!tpu.dma_semaphore, #tpu.memory_space<semaphore_mem>>
    %dma_wait3A_85 = arith.constant 0 : i32
    %dma_wait3A_86 = arith.constant 0 : i32
    %dma_wait3A_87 = tpu.memref_slice %arg6[%dma_wait3A, %dma_wait3A_85, %dma_wait3A_86] : memref<2x2x128xi32, #tpu.memory_space<vmem>> -> memref<1x2x128xi32, #tpu.memory_space<vmem>>
    %dma_wait3A_88 = tpu.memref_squeeze %dma_wait3A_87 : memref<1x2x128xi32, #tpu.memory_space<vmem>> -> memref<2x128xi32, #tpu.memory_space<vmem>>
    %dma_wait3A_89 = arith.constant 0 : i32
    %dma_wait3A_90 = tpu.memref_slice %arg3[%add3A_12, %dma_wait3A_89] : memref<2560x128xi32, #tpu.memory_space<hbm>> -> memref<2x128xi32, #tpu.memory_space<hbm>>
    tpu.wait_dma2 semaphore(%dma_wait3A_84 : memref<!tpu.dma_semaphore, #tpu.memory_space<semaphore_mem>>) src(%dma_wait3A_90 : memref<2x128xi32, #tpu.memory_space<hbm>>) dst(%dma_wait3A_88 : memref<2x128xi32, #tpu.memory_space<vmem>>)
    %dma_wait3A_91 = arith.constant 0 : i32
    %dma_wait3A_92 = arith.constant 0 : i32
    %dma_wait3A_93 = arith.constant 0 : i32
    %dma_wait3A_94 = arith.constant 0 : i32
    %dma_wait3A_95 = tpu.memref_slice %arg7[%dma_wait3A_91, %dma_wait3A_93, %dma_wait3A_94] : memref<2x2x128xi32, #tpu.memory_space<vmem>> -> memref<1x2x128xi32, #tpu.memory_space<vmem>>
    %dma_wait3A_96 = tpu.memref_squeeze %dma_wait3A_95 : memref<1x2x128xi32, #tpu.memory_space<vmem>> -> memref<2x128xi32, #tpu.memory_space<vmem>>
    %dma_wait3A_97 = arith.constant 0 : i32
    %dma_wait3A_98 = tpu.memref_slice %arg4[%add3A_29, %dma_wait3A_97] : memref<2560x128xi32, #tpu.memory_space<hbm>> -> memref<2x128xi32, #tpu.memory_space<hbm>>
    %dma_wait3A_99 = tpu.memref_slice %arg10[%dma_wait3A_92] : memref<2x!tpu.dma_semaphore, #tpu.memory_space<semaphore_mem>> -> memref<1x!tpu.dma_semaphore, #tpu.memory_space<semaphore_mem>>
    %dma_wait3A_100 = tpu.memref_squeeze %dma_wait3A_99 : memref<1x!tpu.dma_semaphore, #tpu.memory_space<semaphore_mem>> -> memref<!tpu.dma_semaphore, #tpu.memory_space<semaphore_mem>>
    %dma_wait3A_101 = arith.constant 0 : i32
    %dma_wait3A_102 = arith.constant 0 : i32
    %dma_wait3A_103 = tpu.memref_slice %arg7[%dma_wait3A_91, %dma_wait3A_101, %dma_wait3A_102] : memref<2x2x128xi32, #tpu.memory_space<vmem>> -> memref<1x2x128xi32, #tpu.memory_space<vmem>>
    %dma_wait3A_104 = tpu.memref_squeeze %dma_wait3A_103 : memref<1x2x128xi32, #tpu.memory_space<vmem>> -> memref<2x128xi32, #tpu.memory_space<vmem>>
    %dma_wait3A_105 = arith.constant 0 : i32
    %dma_wait3A_106 = tpu.memref_slice %arg4[%add3A_29, %dma_wait3A_105] : memref<2560x128xi32, #tpu.memory_space<hbm>> -> memref<2x128xi32, #tpu.memory_space<hbm>>
    tpu.wait_dma2 semaphore(%dma_wait3A_100 : memref<!tpu.dma_semaphore, #tpu.memory_space<semaphore_mem>>) src(%dma_wait3A_106 : memref<2x128xi32, #tpu.memory_space<hbm>>) dst(%dma_wait3A_104 : memref<2x128xi32, #tpu.memory_space<vmem>>)
    %while3A = arith.constant 0 : i32
    %while3A_107 = arith.constant 0 : i32
    "tpu.trace_stop"() : () -> ()
    "tpu.trace_start"() <{level = 10 : i32, message = "agg_main"}> : () -> ()
    %while3A_108 = arith.subi %select_n3A_10, %while3A_107 : i32
    %while3A_109 = arith.addi %while3A_107, %while3A_108 : i32
    %while3A_110 = arith.constant 1 : i32
    %while3A_111 = arith.divsi %while3A_108, %while3A_110 : i32
    %while3A_112 = arith.muli %while3A_111, %while3A_110 : i32
    %while3A_113 = arith.addi %while3A_107, %while3A_112 : i32
    %while3A_114 = arith.constant 1 : i32
    scf.for %while3A_121 = %while3A_107 to %while3A_113 step %while3A_114  : i32 {
      %mul3A_122 = arith.constant 2 : i32
      %mul3A_123 = arith.muli %while3A_121, %mul3A_122 : i32
      %add3A_124 = arith.constant 0 : i32
      %add3A_125 = arith.addi %mul3A_123, %add3A_124 : i32
      %add3A_126 = arith.constant 1 : i32
      %add3A_127 = arith.addi %add3A_125, %add3A_126 : i32
      %mul3A_128 = arith.constant 2 : i32
      %mul3A_129 = arith.muli %mul3A_128, %select_n3A_10 : i32
      %lt3A = arith.cmpi slt, %add3A_127, %mul3A_129 : i32
      %convert_element_type3A = arith.extui %lt3A : i1 to i32
      %cond3A = arith.constant 0 : i32
      %cond3A_130 = arith.cmpi ne, %convert_element_type3A, %cond3A : i32
      scf.if %cond3A_130 {
        %add3A_415 = arith.constant 1 : i32
        %add3A_416 = arith.addi %add3A_125, %add3A_415 : i32
        %mul3A_417 = arith.constant 2 : i32
        %mul3A_418 = arith.muli %add3A_416, %mul3A_417 : i32
        %add3A_419 = arith.addi %select_n3A, %mul3A_418 : i32
        %dma_start3A_420 = arith.constant 1 : i32
        %dma_start3A_421 = arith.constant 1 : i32
        %dma_start3A_422 = arith.constant 0 : i32
        %dma_start3A_423 = arith.constant 0 : i32
        %dma_start3A_424 = tpu.memref_slice %arg6[%dma_start3A_420, %dma_start3A_422, %dma_start3A_423] : memref<2x2x128xi32, #tpu.memory_space<vmem>> -> memref<1x2x128xi32, #tpu.memory_space<vmem>>
        %dma_start3A_425 = tpu.memref_squeeze %dma_start3A_424 : memref<1x2x128xi32, #tpu.memory_space<vmem>> -> memref<2x128xi32, #tpu.memory_space<vmem>>
        %dma_start3A_426 = arith.constant 0 : i32
        %dma_start3A_427 = tpu.memref_slice %arg3[%add3A_419, %dma_start3A_426] : memref<2560x128xi32, #tpu.memory_space<hbm>> -> memref<2x128xi32, #tpu.memory_space<hbm>>
        %dma_start3A_428 = tpu.memref_slice %arg10[%dma_start3A_421] : memref<2x!tpu.dma_semaphore, #tpu.memory_space<semaphore_mem>> -> memref<1x!tpu.dma_semaphore, #tpu.memory_space<semaphore_mem>>
        %dma_start3A_429 = tpu.memref_squeeze %dma_start3A_428 : memref<1x!tpu.dma_semaphore, #tpu.memory_space<semaphore_mem>> -> memref<!tpu.dma_semaphore, #tpu.memory_space<semaphore_mem>>
        %dma_start3A_430 = arith.constant 0 : i32
        %dma_start3A_431 = arith.constant 0 : i32
        %dma_start3A_432 = tpu.memref_slice %arg6[%dma_start3A_420, %dma_start3A_430, %dma_start3A_431] : memref<2x2x128xi32, #tpu.memory_space<vmem>> -> memref<1x2x128xi32, #tpu.memory_space<vmem>>
        %dma_start3A_433 = tpu.memref_squeeze %dma_start3A_432 : memref<1x2x128xi32, #tpu.memory_space<vmem>> -> memref<2x128xi32, #tpu.memory_space<vmem>>
        %dma_start3A_434 = arith.constant 0 : i32
        %dma_start3A_435 = tpu.memref_slice %arg3[%add3A_419, %dma_start3A_434] : memref<2560x128xi32, #tpu.memory_space<hbm>> -> memref<2x128xi32, #tpu.memory_space<hbm>>
        tpu.enqueue_dma source(%dma_start3A_435 : memref<2x128xi32, #tpu.memory_space<hbm>>) target(%dma_start3A_433 : memref<2x128xi32, #tpu.memory_space<vmem>>) target_semaphore(%dma_start3A_429 : memref<!tpu.dma_semaphore, #tpu.memory_space<semaphore_mem>>)
        %mul3A_436 = arith.constant 2 : i32
        %mul3A_437 = arith.muli %add3A_416, %mul3A_436 : i32
        %add3A_438 = arith.addi %select_n3A, %mul3A_437 : i32
        %dma_start3A_439 = arith.constant 1 : i32
        %dma_start3A_440 = arith.constant 1 : i32
        %dma_start3A_441 = arith.constant 0 : i32
        %dma_start3A_442 = arith.constant 0 : i32
        %dma_start3A_443 = tpu.memref_slice %arg7[%dma_start3A_439, %dma_start3A_441, %dma_start3A_442] : memref<2x2x128xi32, #tpu.memory_space<vmem>> -> memref<1x2x128xi32, #tpu.memory_space<vmem>>
        %dma_start3A_444 = tpu.memref_squeeze %dma_start3A_443 : memref<1x2x128xi32, #tpu.memory_space<vmem>> -> memref<2x128xi32, #tpu.memory_space<vmem>>
        %dma_start3A_445 = arith.constant 0 : i32
        %dma_start3A_446 = tpu.memref_slice %arg4[%add3A_438, %dma_start3A_445] : memref<2560x128xi32, #tpu.memory_space<hbm>> -> memref<2x128xi32, #tpu.memory_space<hbm>>
        %dma_start3A_447 = tpu.memref_slice %arg10[%dma_start3A_440] : memref<2x!tpu.dma_semaphore, #tpu.memory_space<semaphore_mem>> -> memref<1x!tpu.dma_semaphore, #tpu.memory_space<semaphore_mem>>
        %dma_start3A_448 = tpu.memref_squeeze %dma_start3A_447 : memref<1x!tpu.dma_semaphore, #tpu.memory_space<semaphore_mem>> -> memref<!tpu.dma_semaphore, #tpu.memory_space<semaphore_mem>>
        %dma_start3A_449 = arith.constant 0 : i32
        %dma_start3A_450 = arith.constant 0 : i32
        %dma_start3A_451 = tpu.memref_slice %arg7[%dma_start3A_439, %dma_start3A_449, %dma_start3A_450] : memref<2x2x128xi32, #tpu.memory_space<vmem>> -> memref<1x2x128xi32, #tpu.memory_space<vmem>>
        %dma_start3A_452 = tpu.memref_squeeze %dma_start3A_451 : memref<1x2x128xi32, #tpu.memory_space<vmem>> -> memref<2x128xi32, #tpu.memory_space<vmem>>
        %dma_start3A_453 = arith.constant 0 : i32
        %dma_start3A_454 = tpu.memref_slice %arg4[%add3A_438, %dma_start3A_453] : memref<2560x128xi32, #tpu.memory_space<hbm>> -> memref<2x128xi32, #tpu.memory_space<hbm>>
        tpu.enqueue_dma source(%dma_start3A_454 : memref<2x128xi32, #tpu.memory_space<hbm>>) target(%dma_start3A_452 : memref<2x128xi32, #tpu.memory_space<vmem>>) target_semaphore(%dma_start3A_448 : memref<!tpu.dma_semaphore, #tpu.memory_space<semaphore_mem>>)
      } else {
      }
      %dma_start3A_131 = arith.constant 0 : i32
      %dma_start3A_132 = arith.constant 0 : i32
      %dma_start3A_133 = arith.constant 0 : i32
      %dma_start3A_134 = arith.constant 0 : i32
      %dma_start3A_135 = arith.constant 0 : i32
      %dma_start3A_136 = arith.constant 0 : i32
      %dma_start3A_137 = tpu.memref_slice %arg8[%dma_start3A_133, %dma_start3A_135, %dma_start3A_136] : memref<2x128x128xf32, #tpu.memory_space<vmem>> -> memref<1x128x128xf32, #tpu.memory_space<vmem>>
      %dma_start3A_138 = tpu.memref_squeeze %dma_start3A_137 : memref<1x128x128xf32, #tpu.memory_space<vmem>> -> memref<128x128xf32, #tpu.memory_space<vmem>>
      %dma_start3A_139 = arith.constant 0 : i32
      %dma_start3A_140 = tpu.memref_slice %arg6[%dma_start3A_131, %dma_start3A_132, %dma_start3A_139] : memref<2x2x128xi32, #tpu.memory_space<vmem>> -> memref<1x1x128xi32, #tpu.memory_space<vmem>>
      %dma_start3A_141 = tpu.memref_squeeze %dma_start3A_140 : memref<1x1x128xi32, #tpu.memory_space<vmem>> -> memref<128xi32, #tpu.memory_space<vmem>>
      %dma_start3A_142 = arith.constant 0 : i32
      %dma_start3A_143 = arith.constant 0 : i32
      %dma_start3A_144 = tpu.memref_slice %arg2[%dma_start3A_142, %dma_start3A_143] : memref<10240x128xf32, #tpu.memory_space<hbm>> -> memref<10240x128xf32, #tpu.memory_space<hbm>>
      %dma_start3A_145 = tpu.memref_slice %arg11[%dma_start3A_134] : memref<2x!tpu.dma_semaphore, #tpu.memory_space<semaphore_mem>> -> memref<1x!tpu.dma_semaphore, #tpu.memory_space<semaphore_mem>>
      %dma_start3A_146 = tpu.memref_squeeze %dma_start3A_145 : memref<1x!tpu.dma_semaphore, #tpu.memory_space<semaphore_mem>> -> memref<!tpu.dma_semaphore, #tpu.memory_space<semaphore_mem>>
      tpu.enqueue_indirect_dma source(%dma_start3A_144 : memref<10240x128xf32, #tpu.memory_space<hbm>>) target(%dma_start3A_138 : memref<128x128xf32, #tpu.memory_space<vmem>>) offsets(%dma_start3A_141 : memref<128xi32, #tpu.memory_space<vmem>>) semaphore(%dma_start3A_146 : memref<!tpu.dma_semaphore, #tpu.memory_space<semaphore_mem>>)
      %dma_start3A_147 = arith.constant 0 : i32
      %dma_start3A_148 = arith.constant 1 : i32
      %dma_start3A_149 = arith.constant 1 : i32
      %dma_start3A_150 = arith.constant 1 : i32
      %dma_start3A_151 = arith.constant 0 : i32
      %dma_start3A_152 = arith.constant 0 : i32
      %dma_start3A_153 = tpu.memref_slice %arg8[%dma_start3A_149, %dma_start3A_151, %dma_start3A_152] : memref<2x128x128xf32, #tpu.memory_space<vmem>> -> memref<1x128x128xf32, #tpu.memory_space<vmem>>
      %dma_start3A_154 = tpu.memref_squeeze %dma_start3A_153 : memref<1x128x128xf32, #tpu.memory_space<vmem>> -> memref<128x128xf32, #tpu.memory_space<vmem>>
      %dma_start3A_155 = arith.constant 0 : i32
      %dma_start3A_156 = tpu.memref_slice %arg6[%dma_start3A_147, %dma_start3A_148, %dma_start3A_155] : memref<2x2x128xi32, #tpu.memory_space<vmem>> -> memref<1x1x128xi32, #tpu.memory_space<vmem>>
      %dma_start3A_157 = tpu.memref_squeeze %dma_start3A_156 : memref<1x1x128xi32, #tpu.memory_space<vmem>> -> memref<128xi32, #tpu.memory_space<vmem>>
      %dma_start3A_158 = arith.constant 0 : i32
      %dma_start3A_159 = arith.constant 0 : i32
      %dma_start3A_160 = tpu.memref_slice %arg2[%dma_start3A_158, %dma_start3A_159] : memref<10240x128xf32, #tpu.memory_space<hbm>> -> memref<10240x128xf32, #tpu.memory_space<hbm>>
      %dma_start3A_161 = tpu.memref_slice %arg11[%dma_start3A_150] : memref<2x!tpu.dma_semaphore, #tpu.memory_space<semaphore_mem>> -> memref<1x!tpu.dma_semaphore, #tpu.memory_space<semaphore_mem>>
      %dma_start3A_162 = tpu.memref_squeeze %dma_start3A_161 : memref<1x!tpu.dma_semaphore, #tpu.memory_space<semaphore_mem>> -> memref<!tpu.dma_semaphore, #tpu.memory_space<semaphore_mem>>
      tpu.enqueue_indirect_dma source(%dma_start3A_160 : memref<10240x128xf32, #tpu.memory_space<hbm>>) target(%dma_start3A_154 : memref<128x128xf32, #tpu.memory_space<vmem>>) offsets(%dma_start3A_157 : memref<128xi32, #tpu.memory_space<vmem>>) semaphore(%dma_start3A_162 : memref<!tpu.dma_semaphore, #tpu.memory_space<semaphore_mem>>)
      %dma_wait3A_163 = arith.constant 0 : i32
      %dma_wait3A_164 = arith.constant 0 : i32
      %dma_wait3A_165 = arith.constant 0 : i32
      %dma_wait3A_166 = arith.constant 0 : i32
      %dma_wait3A_167 = arith.constant 0 : i32
      %dma_wait3A_168 = arith.constant 0 : i32
      %dma_wait3A_169 = tpu.memref_slice %arg8[%dma_wait3A_165, %dma_wait3A_167, %dma_wait3A_168] : memref<2x128x128xf32, #tpu.memory_space<vmem>> -> memref<1x128x128xf32, #tpu.memory_space<vmem>>
      %dma_wait3A_170 = tpu.memref_squeeze %dma_wait3A_169 : memref<1x128x128xf32, #tpu.memory_space<vmem>> -> memref<128x128xf32, #tpu.memory_space<vmem>>
      %dma_wait3A_171 = arith.constant 0 : i32
      %dma_wait3A_172 = tpu.memref_slice %arg6[%dma_wait3A_163, %dma_wait3A_164, %dma_wait3A_171] : memref<2x2x128xi32, #tpu.memory_space<vmem>> -> memref<1x1x128xi32, #tpu.memory_space<vmem>>
      %dma_wait3A_173 = tpu.memref_squeeze %dma_wait3A_172 : memref<1x1x128xi32, #tpu.memory_space<vmem>> -> memref<128xi32, #tpu.memory_space<vmem>>
      %dma_wait3A_174 = arith.constant 0 : i32
      %dma_wait3A_175 = arith.constant 0 : i32
      %dma_wait3A_176 = tpu.memref_slice %arg2[%dma_wait3A_174, %dma_wait3A_175] : memref<10240x128xf32, #tpu.memory_space<hbm>> -> memref<10240x128xf32, #tpu.memory_space<hbm>>
      %dma_wait3A_177 = tpu.memref_slice %arg11[%dma_wait3A_166] : memref<2x!tpu.dma_semaphore, #tpu.memory_space<semaphore_mem>> -> memref<1x!tpu.dma_semaphore, #tpu.memory_space<semaphore_mem>>
      %dma_wait3A_178 = tpu.memref_squeeze %dma_wait3A_177 : memref<1x!tpu.dma_semaphore, #tpu.memory_space<semaphore_mem>> -> memref<!tpu.dma_semaphore, #tpu.memory_space<semaphore_mem>>
      tpu.wait_indirect_dma semaphore(%dma_wait3A_178 : memref<!tpu.dma_semaphore, #tpu.memory_space<semaphore_mem>>) src(%dma_wait3A_176 : memref<10240x128xf32, #tpu.memory_space<hbm>>) dst(%dma_wait3A_170 : memref<128x128xf32, #tpu.memory_space<vmem>>)
      %dma_start3A_179 = arith.constant 0 : i32
      %dma_start3A_180 = arith.constant 0 : i32
      %dma_start3A_181 = arith.constant 0 : i32
      %dma_start3A_182 = arith.constant 0 : i32
      %dma_start3A_183 = arith.constant 0 : i32
      %dma_start3A_184 = arith.constant 0 : i32
      %dma_start3A_185 = tpu.memref_slice %arg8[%dma_start3A_179, %dma_start3A_183, %dma_start3A_184] : memref<2x128x128xf32, #tpu.memory_space<vmem>> -> memref<1x128x128xf32, #tpu.memory_space<vmem>>
      %dma_start3A_186 = tpu.memref_squeeze %dma_start3A_185 : memref<1x128x128xf32, #tpu.memory_space<vmem>> -> memref<128x128xf32, #tpu.memory_space<vmem>>
      %dma_start3A_187 = arith.constant 0 : i32
      %dma_start3A_188 = tpu.memref_slice %arg7[%dma_start3A_180, %dma_start3A_181, %dma_start3A_187] : memref<2x2x128xi32, #tpu.memory_space<vmem>> -> memref<1x1x128xi32, #tpu.memory_space<vmem>>
      %dma_start3A_189 = tpu.memref_squeeze %dma_start3A_188 : memref<1x1x128xi32, #tpu.memory_space<vmem>> -> memref<128xi32, #tpu.memory_space<vmem>>
      %dma_start3A_190 = arith.constant 0 : i32
      %dma_start3A_191 = arith.constant 0 : i32
      %dma_start3A_192 = tpu.memref_slice %arg9[%dma_start3A_190, %dma_start3A_191] : memref<10240x128xf32, #tpu.memory_space<vmem_shared>> -> memref<10240x128xf32, #tpu.memory_space<vmem_shared>>
      %dma_start3A_193 = tpu.memref_slice %arg12[%dma_start3A_182] : memref<2x!tpu.dma_semaphore, #tpu.memory_space<semaphore_mem>> -> memref<1x!tpu.dma_semaphore, #tpu.memory_space<semaphore_mem>>
      %dma_start3A_194 = tpu.memref_squeeze %dma_start3A_193 : memref<1x!tpu.dma_semaphore, #tpu.memory_space<semaphore_mem>> -> memref<!tpu.dma_semaphore, #tpu.memory_space<semaphore_mem>>
      tpu.enqueue_indirect_dma source(%dma_start3A_186 : memref<128x128xf32, #tpu.memory_space<vmem>>) target(%dma_start3A_192 : memref<10240x128xf32, #tpu.memory_space<vmem_shared>>) offsets(%dma_start3A_189 : memref<128xi32, #tpu.memory_space<vmem>>) semaphore(%dma_start3A_194 : memref<!tpu.dma_semaphore, #tpu.memory_space<semaphore_mem>>) {add = true}
      %dma_wait3A_195 = arith.constant 0 : i32
      %dma_wait3A_196 = arith.constant 1 : i32
      %dma_wait3A_197 = arith.constant 1 : i32
      %dma_wait3A_198 = arith.constant 1 : i32
      %dma_wait3A_199 = arith.constant 0 : i32
      %dma_wait3A_200 = arith.constant 0 : i32
      %dma_wait3A_201 = tpu.memref_slice %arg8[%dma_wait3A_197, %dma_wait3A_199, %dma_wait3A_200] : memref<2x128x128xf32, #tpu.memory_space<vmem>> -> memref<1x128x128xf32, #tpu.memory_space<vmem>>
      %dma_wait3A_202 = tpu.memref_squeeze %dma_wait3A_201 : memref<1x128x128xf32, #tpu.memory_space<vmem>> -> memref<128x128xf32, #tpu.memory_space<vmem>>
      %dma_wait3A_203 = arith.constant 0 : i32
      %dma_wait3A_204 = tpu.memref_slice %arg6[%dma_wait3A_195, %dma_wait3A_196, %dma_wait3A_203] : memref<2x2x128xi32, #tpu.memory_space<vmem>> -> memref<1x1x128xi32, #tpu.memory_space<vmem>>
      %dma_wait3A_205 = tpu.memref_squeeze %dma_wait3A_204 : memref<1x1x128xi32, #tpu.memory_space<vmem>> -> memref<128xi32, #tpu.memory_space<vmem>>
      %dma_wait3A_206 = arith.constant 0 : i32
      %dma_wait3A_207 = arith.constant 0 : i32
      %dma_wait3A_208 = tpu.memref_slice %arg2[%dma_wait3A_206, %dma_wait3A_207] : memref<10240x128xf32, #tpu.memory_space<hbm>> -> memref<10240x128xf32, #tpu.memory_space<hbm>>
      %dma_wait3A_209 = tpu.memref_slice %arg11[%dma_wait3A_198] : memref<2x!tpu.dma_semaphore, #tpu.memory_space<semaphore_mem>> -> memref<1x!tpu.dma_semaphore, #tpu.memory_space<semaphore_mem>>
      %dma_wait3A_210 = tpu.memref_squeeze %dma_wait3A_209 : memref<1x!tpu.dma_semaphore, #tpu.memory_space<semaphore_mem>> -> memref<!tpu.dma_semaphore, #tpu.memory_space<semaphore_mem>>
      tpu.wait_indirect_dma semaphore(%dma_wait3A_210 : memref<!tpu.dma_semaphore, #tpu.memory_space<semaphore_mem>>) src(%dma_wait3A_208 : memref<10240x128xf32, #tpu.memory_space<hbm>>) dst(%dma_wait3A_202 : memref<128x128xf32, #tpu.memory_space<vmem>>)
      %dma_start3A_211 = arith.constant 1 : i32
      %dma_start3A_212 = arith.constant 0 : i32
      %dma_start3A_213 = arith.constant 1 : i32
      %dma_start3A_214 = arith.constant 1 : i32
      %dma_start3A_215 = arith.constant 0 : i32
      %dma_start3A_216 = arith.constant 0 : i32
      %dma_start3A_217 = tpu.memref_slice %arg8[%dma_start3A_211, %dma_start3A_215, %dma_start3A_216] : memref<2x128x128xf32, #tpu.memory_space<vmem>> -> memref<1x128x128xf32, #tpu.memory_space<vmem>>
      %dma_start3A_218 = tpu.memref_squeeze %dma_start3A_217 : memref<1x128x128xf32, #tpu.memory_space<vmem>> -> memref<128x128xf32, #tpu.memory_space<vmem>>
      %dma_start3A_219 = arith.constant 0 : i32
      %dma_start3A_220 = tpu.memref_slice %arg7[%dma_start3A_212, %dma_start3A_213, %dma_start3A_219] : memref<2x2x128xi32, #tpu.memory_space<vmem>> -> memref<1x1x128xi32, #tpu.memory_space<vmem>>
      %dma_start3A_221 = tpu.memref_squeeze %dma_start3A_220 : memref<1x1x128xi32, #tpu.memory_space<vmem>> -> memref<128xi32, #tpu.memory_space<vmem>>
      %dma_start3A_222 = arith.constant 0 : i32
      %dma_start3A_223 = arith.constant 0 : i32
      %dma_start3A_224 = tpu.memref_slice %arg9[%dma_start3A_222, %dma_start3A_223] : memref<10240x128xf32, #tpu.memory_space<vmem_shared>> -> memref<10240x128xf32, #tpu.memory_space<vmem_shared>>
      %dma_start3A_225 = tpu.memref_slice %arg12[%dma_start3A_214] : memref<2x!tpu.dma_semaphore, #tpu.memory_space<semaphore_mem>> -> memref<1x!tpu.dma_semaphore, #tpu.memory_space<semaphore_mem>>
      %dma_start3A_226 = tpu.memref_squeeze %dma_start3A_225 : memref<1x!tpu.dma_semaphore, #tpu.memory_space<semaphore_mem>> -> memref<!tpu.dma_semaphore, #tpu.memory_space<semaphore_mem>>
      tpu.enqueue_indirect_dma source(%dma_start3A_218 : memref<128x128xf32, #tpu.memory_space<vmem>>) target(%dma_start3A_224 : memref<10240x128xf32, #tpu.memory_space<vmem_shared>>) offsets(%dma_start3A_221 : memref<128xi32, #tpu.memory_space<vmem>>) semaphore(%dma_start3A_226 : memref<!tpu.dma_semaphore, #tpu.memory_space<semaphore_mem>>) {add = true}
      %dma_wait3A_227 = arith.constant 0 : i32
      %dma_wait3A_228 = arith.constant 0 : i32
      %dma_wait3A_229 = arith.constant 0 : i32
      %dma_wait3A_230 = arith.constant 0 : i32
      %dma_wait3A_231 = arith.constant 0 : i32
      %dma_wait3A_232 = arith.constant 0 : i32
      %dma_wait3A_233 = tpu.memref_slice %arg8[%dma_wait3A_227, %dma_wait3A_231, %dma_wait3A_232] : memref<2x128x128xf32, #tpu.memory_space<vmem>> -> memref<1x128x128xf32, #tpu.memory_space<vmem>>
      %dma_wait3A_234 = tpu.memref_squeeze %dma_wait3A_233 : memref<1x128x128xf32, #tpu.memory_space<vmem>> -> memref<128x128xf32, #tpu.memory_space<vmem>>
      %dma_wait3A_235 = arith.constant 0 : i32
      %dma_wait3A_236 = tpu.memref_slice %arg7[%dma_wait3A_228, %dma_wait3A_229, %dma_wait3A_235] : memref<2x2x128xi32, #tpu.memory_space<vmem>> -> memref<1x1x128xi32, #tpu.memory_space<vmem>>
      %dma_wait3A_237 = tpu.memref_squeeze %dma_wait3A_236 : memref<1x1x128xi32, #tpu.memory_space<vmem>> -> memref<128xi32, #tpu.memory_space<vmem>>
      %dma_wait3A_238 = arith.constant 0 : i32
      %dma_wait3A_239 = arith.constant 0 : i32
      %dma_wait3A_240 = tpu.memref_slice %arg9[%dma_wait3A_238, %dma_wait3A_239] : memref<10240x128xf32, #tpu.memory_space<vmem_shared>> -> memref<10240x128xf32, #tpu.memory_space<vmem_shared>>
      %dma_wait3A_241 = tpu.memref_slice %arg12[%dma_wait3A_230] : memref<2x!tpu.dma_semaphore, #tpu.memory_space<semaphore_mem>> -> memref<1x!tpu.dma_semaphore, #tpu.memory_space<semaphore_mem>>
      %dma_wait3A_242 = tpu.memref_squeeze %dma_wait3A_241 : memref<1x!tpu.dma_semaphore, #tpu.memory_space<semaphore_mem>> -> memref<!tpu.dma_semaphore, #tpu.memory_space<semaphore_mem>>
      tpu.wait_indirect_dma semaphore(%dma_wait3A_242 : memref<!tpu.dma_semaphore, #tpu.memory_space<semaphore_mem>>) src(%dma_wait3A_234 : memref<128x128xf32, #tpu.memory_space<vmem>>) dst(%dma_wait3A_240 : memref<10240x128xf32, #tpu.memory_space<vmem_shared>>)
      %dma_wait3A_243 = arith.constant 1 : i32
      %dma_wait3A_244 = arith.constant 0 : i32
      %dma_wait3A_245 = arith.constant 1 : i32
      %dma_wait3A_246 = arith.constant 1 : i32
      %dma_wait3A_247 = arith.constant 0 : i32
      %dma_wait3A_248 = arith.constant 0 : i32
      %dma_wait3A_249 = tpu.memref_slice %arg8[%dma_wait3A_243, %dma_wait3A_247, %dma_wait3A_248] : memref<2x128x128xf32, #tpu.memory_space<vmem>> -> memref<1x128x128xf32, #tpu.memory_space<vmem>>
      %dma_wait3A_250 = tpu.memref_squeeze %dma_wait3A_249 : memref<1x128x128xf32, #tpu.memory_space<vmem>> -> memref<128x128xf32, #tpu.memory_space<vmem>>
      %dma_wait3A_251 = arith.constant 0 : i32
      %dma_wait3A_252 = tpu.memref_slice %arg7[%dma_wait3A_244, %dma_wait3A_245, %dma_wait3A_251] : memref<2x2x128xi32, #tpu.memory_space<vmem>> -> memref<1x1x128xi32, #tpu.memory_space<vmem>>
      %dma_wait3A_253 = tpu.memref_squeeze %dma_wait3A_252 : memref<1x1x128xi32, #tpu.memory_space<vmem>> -> memref<128xi32, #tpu.memory_space<vmem>>
      %dma_wait3A_254 = arith.constant 0 : i32
      %dma_wait3A_255 = arith.constant 0 : i32
      %dma_wait3A_256 = tpu.memref_slice %arg9[%dma_wait3A_254, %dma_wait3A_255] : memref<10240x128xf32, #tpu.memory_space<vmem_shared>> -> memref<10240x128xf32, #tpu.memory_space<vmem_shared>>
      %dma_wait3A_257 = tpu.memref_slice %arg12[%dma_wait3A_246] : memref<2x!tpu.dma_semaphore, #tpu.memory_space<semaphore_mem>> -> memref<1x!tpu.dma_semaphore, #tpu.memory_space<semaphore_mem>>
      %dma_wait3A_258 = tpu.memref_squeeze %dma_wait3A_257 : memref<1x!tpu.dma_semaphore, #tpu.memory_space<semaphore_mem>> -> memref<!tpu.dma_semaphore, #tpu.memory_space<semaphore_mem>>
      tpu.wait_indirect_dma semaphore(%dma_wait3A_258 : memref<!tpu.dma_semaphore, #tpu.memory_space<semaphore_mem>>) src(%dma_wait3A_250 : memref<128x128xf32, #tpu.memory_space<vmem>>) dst(%dma_wait3A_256 : memref<10240x128xf32, #tpu.memory_space<vmem_shared>>)
      %add3A_259 = arith.constant 1 : i32
      %add3A_260 = arith.addi %add3A_125, %add3A_259 : i32
      %mul3A_261 = arith.constant 2 : i32
      %mul3A_262 = arith.muli %mul3A_261, %select_n3A_10 : i32
      %lt3A_263 = arith.cmpi slt, %add3A_260, %mul3A_262 : i32
      %convert_element_type3A_264 = arith.extui %lt3A_263 : i1 to i32
      %cond3A_265 = arith.constant 0 : i32
      %cond3A_266 = arith.cmpi ne, %convert_element_type3A_264, %cond3A_265 : i32
      scf.if %cond3A_266 {
        %dma_wait3A_415 = arith.constant 1 : i32
        %dma_wait3A_416 = arith.constant 1 : i32
        %dma_wait3A_417 = arith.constant 0 : i32
        %dma_wait3A_418 = arith.constant 0 : i32
        %dma_wait3A_419 = tpu.memref_slice %arg6[%dma_wait3A_415, %dma_wait3A_417, %dma_wait3A_418] : memref<2x2x128xi32, #tpu.memory_space<vmem>> -> memref<1x2x128xi32, #tpu.memory_space<vmem>>
        %dma_wait3A_420 = tpu.memref_squeeze %dma_wait3A_419 : memref<1x2x128xi32, #tpu.memory_space<vmem>> -> memref<2x128xi32, #tpu.memory_space<vmem>>
        %dma_wait3A_421 = arith.constant 0 : i32
        %dma_wait3A_422 = arith.constant 0 : i32
        %dma_wait3A_423 = tpu.memref_slice %arg3[%dma_wait3A_421, %dma_wait3A_422] : memref<2560x128xi32, #tpu.memory_space<hbm>> -> memref<2x128xi32, #tpu.memory_space<hbm>>
        %dma_wait3A_424 = tpu.memref_slice %arg10[%dma_wait3A_416] : memref<2x!tpu.dma_semaphore, #tpu.memory_space<semaphore_mem>> -> memref<1x!tpu.dma_semaphore, #tpu.memory_space<semaphore_mem>>
        %dma_wait3A_425 = tpu.memref_squeeze %dma_wait3A_424 : memref<1x!tpu.dma_semaphore, #tpu.memory_space<semaphore_mem>> -> memref<!tpu.dma_semaphore, #tpu.memory_space<semaphore_mem>>
        %dma_wait3A_426 = arith.constant 0 : i32
        %dma_wait3A_427 = arith.constant 0 : i32
        %dma_wait3A_428 = tpu.memref_slice %arg6[%dma_wait3A_415, %dma_wait3A_426, %dma_wait3A_427] : memref<2x2x128xi32, #tpu.memory_space<vmem>> -> memref<1x2x128xi32, #tpu.memory_space<vmem>>
        %dma_wait3A_429 = tpu.memref_squeeze %dma_wait3A_428 : memref<1x2x128xi32, #tpu.memory_space<vmem>> -> memref<2x128xi32, #tpu.memory_space<vmem>>
        %dma_wait3A_430 = arith.constant 0 : i32
        %dma_wait3A_431 = arith.constant 0 : i32
        %dma_wait3A_432 = tpu.memref_slice %arg3[%dma_wait3A_430, %dma_wait3A_431] : memref<2560x128xi32, #tpu.memory_space<hbm>> -> memref<2x128xi32, #tpu.memory_space<hbm>>
        tpu.wait_dma2 semaphore(%dma_wait3A_425 : memref<!tpu.dma_semaphore, #tpu.memory_space<semaphore_mem>>) src(%dma_wait3A_432 : memref<2x128xi32, #tpu.memory_space<hbm>>) dst(%dma_wait3A_429 : memref<2x128xi32, #tpu.memory_space<vmem>>)
        %dma_wait3A_433 = arith.constant 1 : i32
        %dma_wait3A_434 = arith.constant 1 : i32
        %dma_wait3A_435 = arith.constant 0 : i32
        %dma_wait3A_436 = arith.constant 0 : i32
        %dma_wait3A_437 = tpu.memref_slice %arg7[%dma_wait3A_433, %dma_wait3A_435, %dma_wait3A_436] : memref<2x2x128xi32, #tpu.memory_space<vmem>> -> memref<1x2x128xi32, #tpu.memory_space<vmem>>
        %dma_wait3A_438 = tpu.memref_squeeze %dma_wait3A_437 : memref<1x2x128xi32, #tpu.memory_space<vmem>> -> memref<2x128xi32, #tpu.memory_space<vmem>>
        %dma_wait3A_439 = arith.constant 0 : i32
        %dma_wait3A_440 = arith.constant 0 : i32
        %dma_wait3A_441 = tpu.memref_slice %arg4[%dma_wait3A_439, %dma_wait3A_440] : memref<2560x128xi32, #tpu.memory_space<hbm>> -> memref<2x128xi32, #tpu.memory_space<hbm>>
        %dma_wait3A_442 = tpu.memref_slice %arg10[%dma_wait3A_434] : memref<2x!tpu.dma_semaphore, #tpu.memory_space<semaphore_mem>> -> memref<1x!tpu.dma_semaphore, #tpu.memory_space<semaphore_mem>>
        %dma_wait3A_443 = tpu.memref_squeeze %dma_wait3A_442 : memref<1x!tpu.dma_semaphore, #tpu.memory_space<semaphore_mem>> -> memref<!tpu.dma_semaphore, #tpu.memory_space<semaphore_mem>>
        %dma_wait3A_444 = arith.constant 0 : i32
        %dma_wait3A_445 = arith.constant 0 : i32
        %dma_wait3A_446 = tpu.memref_slice %arg7[%dma_wait3A_433, %dma_wait3A_444, %dma_wait3A_445] : memref<2x2x128xi32, #tpu.memory_space<vmem>> -> memref<1x2x128xi32, #tpu.memory_space<vmem>>
        %dma_wait3A_447 = tpu.memref_squeeze %dma_wait3A_446 : memref<1x2x128xi32, #tpu.memory_space<vmem>> -> memref<2x128xi32, #tpu.memory_space<vmem>>
        %dma_wait3A_448 = arith.constant 0 : i32
        %dma_wait3A_449 = arith.constant 0 : i32
        %dma_wait3A_450 = tpu.memref_slice %arg4[%dma_wait3A_448, %dma_wait3A_449] : memref<2560x128xi32, #tpu.memory_space<hbm>> -> memref<2x128xi32, #tpu.memory_space<hbm>>
        tpu.wait_dma2 semaphore(%dma_wait3A_443 : memref<!tpu.dma_semaphore, #tpu.memory_space<semaphore_mem>>) src(%dma_wait3A_450 : memref<2x128xi32, #tpu.memory_space<hbm>>) dst(%dma_wait3A_447 : memref<2x128xi32, #tpu.memory_space<vmem>>)
      } else {
      }
      %mul3A_267 = arith.constant 2 : i32
      %mul3A_268 = arith.muli %while3A_121, %mul3A_267 : i32
      %add3A_269 = arith.constant 1 : i32
      %add3A_270 = arith.addi %mul3A_268, %add3A_269 : i32
      %add3A_271 = arith.constant 1 : i32
      %add3A_272 = arith.addi %add3A_270, %add3A_271 : i32
      %mul3A_273 = arith.constant 2 : i32
      %mul3A_274 = arith.muli %mul3A_273, %select_n3A_10 : i32
      %lt3A_275 = arith.cmpi slt, %add3A_272, %mul3A_274 : i32
      %convert_element_type3A_276 = arith.extui %lt3A_275 : i1 to i32
      %cond3A_277 = arith.constant 0 : i32
      %cond3A_278 = arith.cmpi ne, %convert_element_type3A_276, %cond3A_277 : i32
      scf.if %cond3A_278 {
        %add3A_415 = arith.constant 1 : i32
        %add3A_416 = arith.addi %add3A_270, %add3A_415 : i32
        %mul3A_417 = arith.constant 2 : i32
        %mul3A_418 = arith.muli %add3A_416, %mul3A_417 : i32
        %add3A_419 = arith.addi %select_n3A, %mul3A_418 : i32
        %dma_start3A_420 = arith.constant 0 : i32
        %dma_start3A_421 = arith.constant 0 : i32
        %dma_start3A_422 = arith.constant 0 : i32
        %dma_start3A_423 = arith.constant 0 : i32
        %dma_start3A_424 = tpu.memref_slice %arg6[%dma_start3A_420, %dma_start3A_422, %dma_start3A_423] : memref<2x2x128xi32, #tpu.memory_space<vmem>> -> memref<1x2x128xi32, #tpu.memory_space<vmem>>
        %dma_start3A_425 = tpu.memref_squeeze %dma_start3A_424 : memref<1x2x128xi32, #tpu.memory_space<vmem>> -> memref<2x128xi32, #tpu.memory_space<vmem>>
        %dma_start3A_426 = arith.constant 0 : i32
        %dma_start3A_427 = tpu.memref_slice %arg3[%add3A_419, %dma_start3A_426] : memref<2560x128xi32, #tpu.memory_space<hbm>> -> memref<2x128xi32, #tpu.memory_space<hbm>>
        %dma_start3A_428 = tpu.memref_slice %arg10[%dma_start3A_421] : memref<2x!tpu.dma_semaphore, #tpu.memory_space<semaphore_mem>> -> memref<1x!tpu.dma_semaphore, #tpu.memory_space<semaphore_mem>>
        %dma_start3A_429 = tpu.memref_squeeze %dma_start3A_428 : memref<1x!tpu.dma_semaphore, #tpu.memory_space<semaphore_mem>> -> memref<!tpu.dma_semaphore, #tpu.memory_space<semaphore_mem>>
        %dma_start3A_430 = arith.constant 0 : i32
        %dma_start3A_431 = arith.constant 0 : i32
        %dma_start3A_432 = tpu.memref_slice %arg6[%dma_start3A_420, %dma_start3A_430, %dma_start3A_431] : memref<2x2x128xi32, #tpu.memory_space<vmem>> -> memref<1x2x128xi32, #tpu.memory_space<vmem>>
        %dma_start3A_433 = tpu.memref_squeeze %dma_start3A_432 : memref<1x2x128xi32, #tpu.memory_space<vmem>> -> memref<2x128xi32, #tpu.memory_space<vmem>>
        %dma_start3A_434 = arith.constant 0 : i32
        %dma_start3A_435 = tpu.memref_slice %arg3[%add3A_419, %dma_start3A_434] : memref<2560x128xi32, #tpu.memory_space<hbm>> -> memref<2x128xi32, #tpu.memory_space<hbm>>
        tpu.enqueue_dma source(%dma_start3A_435 : memref<2x128xi32, #tpu.memory_space<hbm>>) target(%dma_start3A_433 : memref<2x128xi32, #tpu.memory_space<vmem>>) target_semaphore(%dma_start3A_429 : memref<!tpu.dma_semaphore, #tpu.memory_space<semaphore_mem>>)
        %mul3A_436 = arith.constant 2 : i32
        %mul3A_437 = arith.muli %add3A_416, %mul3A_436 : i32
        %add3A_438 = arith.addi %select_n3A, %mul3A_437 : i32
        %dma_start3A_439 = arith.constant 0 : i32
        %dma_start3A_440 = arith.constant 0 : i32
        %dma_start3A_441 = arith.constant 0 : i32
        %dma_start3A_442 = arith.constant 0 : i32
        %dma_start3A_443 = tpu.memref_slice %arg7[%dma_start3A_439, %dma_start3A_441, %dma_start3A_442] : memref<2x2x128xi32, #tpu.memory_space<vmem>> -> memref<1x2x128xi32, #tpu.memory_space<vmem>>
        %dma_start3A_444 = tpu.memref_squeeze %dma_start3A_443 : memref<1x2x128xi32, #tpu.memory_space<vmem>> -> memref<2x128xi32, #tpu.memory_space<vmem>>
        %dma_start3A_445 = arith.constant 0 : i32
        %dma_start3A_446 = tpu.memref_slice %arg4[%add3A_438, %dma_start3A_445] : memref<2560x128xi32, #tpu.memory_space<hbm>> -> memref<2x128xi32, #tpu.memory_space<hbm>>
        %dma_start3A_447 = tpu.memref_slice %arg10[%dma_start3A_440] : memref<2x!tpu.dma_semaphore, #tpu.memory_space<semaphore_mem>> -> memref<1x!tpu.dma_semaphore, #tpu.memory_space<semaphore_mem>>
        %dma_start3A_448 = tpu.memref_squeeze %dma_start3A_447 : memref<1x!tpu.dma_semaphore, #tpu.memory_space<semaphore_mem>> -> memref<!tpu.dma_semaphore, #tpu.memory_space<semaphore_mem>>
        %dma_start3A_449 = arith.constant 0 : i32
        %dma_start3A_450 = arith.constant 0 : i32
        %dma_start3A_451 = tpu.memref_slice %arg7[%dma_start3A_439, %dma_start3A_449, %dma_start3A_450] : memref<2x2x128xi32, #tpu.memory_space<vmem>> -> memref<1x2x128xi32, #tpu.memory_space<vmem>>
        %dma_start3A_452 = tpu.memref_squeeze %dma_start3A_451 : memref<1x2x128xi32, #tpu.memory_space<vmem>> -> memref<2x128xi32, #tpu.memory_space<vmem>>
        %dma_start3A_453 = arith.constant 0 : i32
        %dma_start3A_454 = tpu.memref_slice %arg4[%add3A_438, %dma_start3A_453] : memref<2560x128xi32, #tpu.memory_space<hbm>> -> memref<2x128xi32, #tpu.memory_space<hbm>>
        tpu.enqueue_dma source(%dma_start3A_454 : memref<2x128xi32, #tpu.memory_space<hbm>>) target(%dma_start3A_452 : memref<2x128xi32, #tpu.memory_space<vmem>>) target_semaphore(%dma_start3A_448 : memref<!tpu.dma_semaphore, #tpu.memory_space<semaphore_mem>>)
      } else {
      }
      %dma_start3A_279 = arith.constant 1 : i32
      %dma_start3A_280 = arith.constant 0 : i32
      %dma_start3A_281 = arith.constant 0 : i32
      %dma_start3A_282 = arith.constant 0 : i32
      %dma_start3A_283 = arith.constant 0 : i32
      %dma_start3A_284 = arith.constant 0 : i32
      %dma_start3A_285 = tpu.memref_slice %arg8[%dma_start3A_281, %dma_start3A_283, %dma_start3A_284] : memref<2x128x128xf32, #tpu.memory_space<vmem>> -> memref<1x128x128xf32, #tpu.memory_space<vmem>>
      %dma_start3A_286 = tpu.memref_squeeze %dma_start3A_285 : memref<1x128x128xf32, #tpu.memory_space<vmem>> -> memref<128x128xf32, #tpu.memory_space<vmem>>
      %dma_start3A_287 = arith.constant 0 : i32
      %dma_start3A_288 = tpu.memref_slice %arg6[%dma_start3A_279, %dma_start3A_280, %dma_start3A_287] : memref<2x2x128xi32, #tpu.memory_space<vmem>> -> memref<1x1x128xi32, #tpu.memory_space<vmem>>
      %dma_start3A_289 = tpu.memref_squeeze %dma_start3A_288 : memref<1x1x128xi32, #tpu.memory_space<vmem>> -> memref<128xi32, #tpu.memory_space<vmem>>
      %dma_start3A_290 = arith.constant 0 : i32
      %dma_start3A_291 = arith.constant 0 : i32
      %dma_start3A_292 = tpu.memref_slice %arg2[%dma_start3A_290, %dma_start3A_291] : memref<10240x128xf32, #tpu.memory_space<hbm>> -> memref<10240x128xf32, #tpu.memory_space<hbm>>
      %dma_start3A_293 = tpu.memref_slice %arg11[%dma_start3A_282] : memref<2x!tpu.dma_semaphore, #tpu.memory_space<semaphore_mem>> -> memref<1x!tpu.dma_semaphore, #tpu.memory_space<semaphore_mem>>
      %dma_start3A_294 = tpu.memref_squeeze %dma_start3A_293 : memref<1x!tpu.dma_semaphore, #tpu.memory_space<semaphore_mem>> -> memref<!tpu.dma_semaphore, #tpu.memory_space<semaphore_mem>>
      tpu.enqueue_indirect_dma source(%dma_start3A_292 : memref<10240x128xf32, #tpu.memory_space<hbm>>) target(%dma_start3A_286 : memref<128x128xf32, #tpu.memory_space<vmem>>) offsets(%dma_start3A_289 : memref<128xi32, #tpu.memory_space<vmem>>) semaphore(%dma_start3A_294 : memref<!tpu.dma_semaphore, #tpu.memory_space<semaphore_mem>>)
      %dma_start3A_295 = arith.constant 1 : i32
      %dma_start3A_296 = arith.constant 1 : i32
      %dma_start3A_297 = arith.constant 1 : i32
      %dma_start3A_298 = arith.constant 1 : i32
      %dma_start3A_299 = arith.constant 0 : i32
      %dma_start3A_300 = arith.constant 0 : i32
      %dma_start3A_301 = tpu.memref_slice %arg8[%dma_start3A_297, %dma_start3A_299, %dma_start3A_300] : memref<2x128x128xf32, #tpu.memory_space<vmem>> -> memref<1x128x128xf32, #tpu.memory_space<vmem>>
      %dma_start3A_302 = tpu.memref_squeeze %dma_start3A_301 : memref<1x128x128xf32, #tpu.memory_space<vmem>> -> memref<128x128xf32, #tpu.memory_space<vmem>>
      %dma_start3A_303 = arith.constant 0 : i32
      %dma_start3A_304 = tpu.memref_slice %arg6[%dma_start3A_295, %dma_start3A_296, %dma_start3A_303] : memref<2x2x128xi32, #tpu.memory_space<vmem>> -> memref<1x1x128xi32, #tpu.memory_space<vmem>>
      %dma_start3A_305 = tpu.memref_squeeze %dma_start3A_304 : memref<1x1x128xi32, #tpu.memory_space<vmem>> -> memref<128xi32, #tpu.memory_space<vmem>>
      %dma_start3A_306 = arith.constant 0 : i32
      %dma_start3A_307 = arith.constant 0 : i32
      %dma_start3A_308 = tpu.memref_slice %arg2[%dma_start3A_306, %dma_start3A_307] : memref<10240x128xf32, #tpu.memory_space<hbm>> -> memref<10240x128xf32, #tpu.memory_space<hbm>>
      %dma_start3A_309 = tpu.memref_slice %arg11[%dma_start3A_298] : memref<2x!tpu.dma_semaphore, #tpu.memory_space<semaphore_mem>> -> memref<1x!tpu.dma_semaphore, #tpu.memory_space<semaphore_mem>>
      %dma_start3A_310 = tpu.memref_squeeze %dma_start3A_309 : memref<1x!tpu.dma_semaphore, #tpu.memory_space<semaphore_mem>> -> memref<!tpu.dma_semaphore, #tpu.memory_space<semaphore_mem>>
      tpu.enqueue_indirect_dma source(%dma_start3A_308 : memref<10240x128xf32, #tpu.memory_space<hbm>>) target(%dma_start3A_302 : memref<128x128xf32, #tpu.memory_space<vmem>>) offsets(%dma_start3A_305 : memref<128xi32, #tpu.memory_space<vmem>>) semaphore(%dma_start3A_310 : memref<!tpu.dma_semaphore, #tpu.memory_space<semaphore_mem>>)
      %dma_wait3A_311 = arith.constant 1 : i32
      %dma_wait3A_312 = arith.constant 0 : i32
      %dma_wait3A_313 = arith.constant 0 : i32
      %dma_wait3A_314 = arith.constant 0 : i32
      %dma_wait3A_315 = arith.constant 0 : i32
      %dma_wait3A_316 = arith.constant 0 : i32
      %dma_wait3A_317 = tpu.memref_slice %arg8[%dma_wait3A_313, %dma_wait3A_315, %dma_wait3A_316] : memref<2x128x128xf32, #tpu.memory_space<vmem>> -> memref<1x128x128xf32, #tpu.memory_space<vmem>>
      %dma_wait3A_318 = tpu.memref_squeeze %dma_wait3A_317 : memref<1x128x128xf32, #tpu.memory_space<vmem>> -> memref<128x128xf32, #tpu.memory_space<vmem>>
      %dma_wait3A_319 = arith.constant 0 : i32
      %dma_wait3A_320 = tpu.memref_slice %arg6[%dma_wait3A_311, %dma_wait3A_312, %dma_wait3A_319] : memref<2x2x128xi32, #tpu.memory_space<vmem>> -> memref<1x1x128xi32, #tpu.memory_space<vmem>>
      %dma_wait3A_321 = tpu.memref_squeeze %dma_wait3A_320 : memref<1x1x128xi32, #tpu.memory_space<vmem>> -> memref<128xi32, #tpu.memory_space<vmem>>
      %dma_wait3A_322 = arith.constant 0 : i32
      %dma_wait3A_323 = arith.constant 0 : i32
      %dma_wait3A_324 = tpu.memref_slice %arg2[%dma_wait3A_322, %dma_wait3A_323] : memref<10240x128xf32, #tpu.memory_space<hbm>> -> memref<10240x128xf32, #tpu.memory_space<hbm>>
      %dma_wait3A_325 = tpu.memref_slice %arg11[%dma_wait3A_314] : memref<2x!tpu.dma_semaphore, #tpu.memory_space<semaphore_mem>> -> memref<1x!tpu.dma_semaphore, #tpu.memory_space<semaphore_mem>>
      %dma_wait3A_326 = tpu.memref_squeeze %dma_wait3A_325 : memref<1x!tpu.dma_semaphore, #tpu.memory_space<semaphore_mem>> -> memref<!tpu.dma_semaphore, #tpu.memory_space<semaphore_mem>>
      tpu.wait_indirect_dma semaphore(%dma_wait3A_326 : memref<!tpu.dma_semaphore, #tpu.memory_space<semaphore_mem>>) src(%dma_wait3A_324 : memref<10240x128xf32, #tpu.memory_space<hbm>>) dst(%dma_wait3A_318 : memref<128x128xf32, #tpu.memory_space<vmem>>)
      %dma_start3A_327 = arith.constant 0 : i32
      %dma_start3A_328 = arith.constant 1 : i32
      %dma_start3A_329 = arith.constant 0 : i32
      %dma_start3A_330 = arith.constant 0 : i32
      %dma_start3A_331 = arith.constant 0 : i32
      %dma_start3A_332 = arith.constant 0 : i32
      %dma_start3A_333 = tpu.memref_slice %arg8[%dma_start3A_327, %dma_start3A_331, %dma_start3A_332] : memref<2x128x128xf32, #tpu.memory_space<vmem>> -> memref<1x128x128xf32, #tpu.memory_space<vmem>>
      %dma_start3A_334 = tpu.memref_squeeze %dma_start3A_333 : memref<1x128x128xf32, #tpu.memory_space<vmem>> -> memref<128x128xf32, #tpu.memory_space<vmem>>
      %dma_start3A_335 = arith.constant 0 : i32
      %dma_start3A_336 = tpu.memref_slice %arg7[%dma_start3A_328, %dma_start3A_329, %dma_start3A_335] : memref<2x2x128xi32, #tpu.memory_space<vmem>> -> memref<1x1x128xi32, #tpu.memory_space<vmem>>
      %dma_start3A_337 = tpu.memref_squeeze %dma_start3A_336 : memref<1x1x128xi32, #tpu.memory_space<vmem>> -> memref<128xi32, #tpu.memory_space<vmem>>
      %dma_start3A_338 = arith.constant 0 : i32
      %dma_start3A_339 = arith.constant 0 : i32
      %dma_start3A_340 = tpu.memref_slice %arg9[%dma_start3A_338, %dma_start3A_339] : memref<10240x128xf32, #tpu.memory_space<vmem_shared>> -> memref<10240x128xf32, #tpu.memory_space<vmem_shared>>
      %dma_start3A_341 = tpu.memref_slice %arg12[%dma_start3A_330] : memref<2x!tpu.dma_semaphore, #tpu.memory_space<semaphore_mem>> -> memref<1x!tpu.dma_semaphore, #tpu.memory_space<semaphore_mem>>
      %dma_start3A_342 = tpu.memref_squeeze %dma_start3A_341 : memref<1x!tpu.dma_semaphore, #tpu.memory_space<semaphore_mem>> -> memref<!tpu.dma_semaphore, #tpu.memory_space<semaphore_mem>>
      tpu.enqueue_indirect_dma source(%dma_start3A_334 : memref<128x128xf32, #tpu.memory_space<vmem>>) target(%dma_start3A_340 : memref<10240x128xf32, #tpu.memory_space<vmem_shared>>) offsets(%dma_start3A_337 : memref<128xi32, #tpu.memory_space<vmem>>) semaphore(%dma_start3A_342 : memref<!tpu.dma_semaphore, #tpu.memory_space<semaphore_mem>>) {add = true}
      %dma_wait3A_343 = arith.constant 1 : i32
      %dma_wait3A_344 = arith.constant 1 : i32
      %dma_wait3A_345 = arith.constant 1 : i32
      %dma_wait3A_346 = arith.constant 1 : i32
      %dma_wait3A_347 = arith.constant 0 : i32
      %dma_wait3A_348 = arith.constant 0 : i32
      %dma_wait3A_349 = tpu.memref_slice %arg8[%dma_wait3A_345, %dma_wait3A_347, %dma_wait3A_348] : memref<2x128x128xf32, #tpu.memory_space<vmem>> -> memref<1x128x128xf32, #tpu.memory_space<vmem>>
      %dma_wait3A_350 = tpu.memref_squeeze %dma_wait3A_349 : memref<1x128x128xf32, #tpu.memory_space<vmem>> -> memref<128x128xf32, #tpu.memory_space<vmem>>
      %dma_wait3A_351 = arith.constant 0 : i32
      %dma_wait3A_352 = tpu.memref_slice %arg6[%dma_wait3A_343, %dma_wait3A_344, %dma_wait3A_351] : memref<2x2x128xi32, #tpu.memory_space<vmem>> -> memref<1x1x128xi32, #tpu.memory_space<vmem>>
      %dma_wait3A_353 = tpu.memref_squeeze %dma_wait3A_352 : memref<1x1x128xi32, #tpu.memory_space<vmem>> -> memref<128xi32, #tpu.memory_space<vmem>>
      %dma_wait3A_354 = arith.constant 0 : i32
      %dma_wait3A_355 = arith.constant 0 : i32
      %dma_wait3A_356 = tpu.memref_slice %arg2[%dma_wait3A_354, %dma_wait3A_355] : memref<10240x128xf32, #tpu.memory_space<hbm>> -> memref<10240x128xf32, #tpu.memory_space<hbm>>
      %dma_wait3A_357 = tpu.memref_slice %arg11[%dma_wait3A_346] : memref<2x!tpu.dma_semaphore, #tpu.memory_space<semaphore_mem>> -> memref<1x!tpu.dma_semaphore, #tpu.memory_space<semaphore_mem>>
      %dma_wait3A_358 = tpu.memref_squeeze %dma_wait3A_357 : memref<1x!tpu.dma_semaphore, #tpu.memory_space<semaphore_mem>> -> memref<!tpu.dma_semaphore, #tpu.memory_space<semaphore_mem>>
      tpu.wait_indirect_dma semaphore(%dma_wait3A_358 : memref<!tpu.dma_semaphore, #tpu.memory_space<semaphore_mem>>) src(%dma_wait3A_356 : memref<10240x128xf32, #tpu.memory_space<hbm>>) dst(%dma_wait3A_350 : memref<128x128xf32, #tpu.memory_space<vmem>>)
      %dma_start3A_359 = arith.constant 1 : i32
      %dma_start3A_360 = arith.constant 1 : i32
      %dma_start3A_361 = arith.constant 1 : i32
      %dma_start3A_362 = arith.constant 1 : i32
      %dma_start3A_363 = arith.constant 0 : i32
      %dma_start3A_364 = arith.constant 0 : i32
      %dma_start3A_365 = tpu.memref_slice %arg8[%dma_start3A_359, %dma_start3A_363, %dma_start3A_364] : memref<2x128x128xf32, #tpu.memory_space<vmem>> -> memref<1x128x128xf32, #tpu.memory_space<vmem>>
      %dma_start3A_366 = tpu.memref_squeeze %dma_start3A_365 : memref<1x128x128xf32, #tpu.memory_space<vmem>> -> memref<128x128xf32, #tpu.memory_space<vmem>>
      %dma_start3A_367 = arith.constant 0 : i32
      %dma_start3A_368 = tpu.memref_slice %arg7[%dma_start3A_360, %dma_start3A_361, %dma_start3A_367] : memref<2x2x128xi32, #tpu.memory_space<vmem>> -> memref<1x1x128xi32, #tpu.memory_space<vmem>>
      %dma_start3A_369 = tpu.memref_squeeze %dma_start3A_368 : memref<1x1x128xi32, #tpu.memory_space<vmem>> -> memref<128xi32, #tpu.memory_space<vmem>>
      %dma_start3A_370 = arith.constant 0 : i32
      %dma_start3A_371 = arith.constant 0 : i32
      %dma_start3A_372 = tpu.memref_slice %arg9[%dma_start3A_370, %dma_start3A_371] : memref<10240x128xf32, #tpu.memory_space<vmem_shared>> -> memref<10240x128xf32, #tpu.memory_space<vmem_shared>>
      %dma_start3A_373 = tpu.memref_slice %arg12[%dma_start3A_362] : memref<2x!tpu.dma_semaphore, #tpu.memory_space<semaphore_mem>> -> memref<1x!tpu.dma_semaphore, #tpu.memory_space<semaphore_mem>>
      %dma_start3A_374 = tpu.memref_squeeze %dma_start3A_373 : memref<1x!tpu.dma_semaphore, #tpu.memory_space<semaphore_mem>> -> memref<!tpu.dma_semaphore, #tpu.memory_space<semaphore_mem>>
      tpu.enqueue_indirect_dma source(%dma_start3A_366 : memref<128x128xf32, #tpu.memory_space<vmem>>) target(%dma_start3A_372 : memref<10240x128xf32, #tpu.memory_space<vmem_shared>>) offsets(%dma_start3A_369 : memref<128xi32, #tpu.memory_space<vmem>>) semaphore(%dma_start3A_374 : memref<!tpu.dma_semaphore, #tpu.memory_space<semaphore_mem>>) {add = true}
      %dma_wait3A_375 = arith.constant 0 : i32
      %dma_wait3A_376 = arith.constant 1 : i32
      %dma_wait3A_377 = arith.constant 0 : i32
      %dma_wait3A_378 = arith.constant 0 : i32
      %dma_wait3A_379 = arith.constant 0 : i32
      %dma_wait3A_380 = arith.constant 0 : i32
      %dma_wait3A_381 = tpu.memref_slice %arg8[%dma_wait3A_375, %dma_wait3A_379, %dma_wait3A_380] : memref<2x128x128xf32, #tpu.memory_space<vmem>> -> memref<1x128x128xf32, #tpu.memory_space<vmem>>
      %dma_wait3A_382 = tpu.memref_squeeze %dma_wait3A_381 : memref<1x128x128xf32, #tpu.memory_space<vmem>> -> memref<128x128xf32, #tpu.memory_space<vmem>>
      %dma_wait3A_383 = arith.constant 0 : i32
      %dma_wait3A_384 = tpu.memref_slice %arg7[%dma_wait3A_376, %dma_wait3A_377, %dma_wait3A_383] : memref<2x2x128xi32, #tpu.memory_space<vmem>> -> memref<1x1x128xi32, #tpu.memory_space<vmem>>
      %dma_wait3A_385 = tpu.memref_squeeze %dma_wait3A_384 : memref<1x1x128xi32, #tpu.memory_space<vmem>> -> memref<128xi32, #tpu.memory_space<vmem>>
      %dma_wait3A_386 = arith.constant 0 : i32
      %dma_wait3A_387 = arith.constant 0 : i32
      %dma_wait3A_388 = tpu.memref_slice %arg9[%dma_wait3A_386, %dma_wait3A_387] : memref<10240x128xf32, #tpu.memory_space<vmem_shared>> -> memref<10240x128xf32, #tpu.memory_space<vmem_shared>>
      %dma_wait3A_389 = tpu.memref_slice %arg12[%dma_wait3A_378] : memref<2x!tpu.dma_semaphore, #tpu.memory_space<semaphore_mem>> -> memref<1x!tpu.dma_semaphore, #tpu.memory_space<semaphore_mem>>
      %dma_wait3A_390 = tpu.memref_squeeze %dma_wait3A_389 : memref<1x!tpu.dma_semaphore, #tpu.memory_space<semaphore_mem>> -> memref<!tpu.dma_semaphore, #tpu.memory_space<semaphore_mem>>
      tpu.wait_indirect_dma semaphore(%dma_wait3A_390 : memref<!tpu.dma_semaphore, #tpu.memory_space<semaphore_mem>>) src(%dma_wait3A_382 : memref<128x128xf32, #tpu.memory_space<vmem>>) dst(%dma_wait3A_388 : memref<10240x128xf32, #tpu.memory_space<vmem_shared>>)
      %dma_wait3A_391 = arith.constant 1 : i32
      %dma_wait3A_392 = arith.constant 1 : i32
      %dma_wait3A_393 = arith.constant 1 : i32
      %dma_wait3A_394 = arith.constant 1 : i32
      %dma_wait3A_395 = arith.constant 0 : i32
      %dma_wait3A_396 = arith.constant 0 : i32
      %dma_wait3A_397 = tpu.memref_slice %arg8[%dma_wait3A_391, %dma_wait3A_395, %dma_wait3A_396] : memref<2x128x128xf32, #tpu.memory_space<vmem>> -> memref<1x128x128xf32, #tpu.memory_space<vmem>>
      %dma_wait3A_398 = tpu.memref_squeeze %dma_wait3A_397 : memref<1x128x128xf32, #tpu.memory_space<vmem>> -> memref<128x128xf32, #tpu.memory_space<vmem>>
      %dma_wait3A_399 = arith.constant 0 : i32
      %dma_wait3A_400 = tpu.memref_slice %arg7[%dma_wait3A_392, %dma_wait3A_393, %dma_wait3A_399] : memref<2x2x128xi32, #tpu.memory_space<vmem>> -> memref<1x1x128xi32, #tpu.memory_space<vmem>>
      %dma_wait3A_401 = tpu.memref_squeeze %dma_wait3A_400 : memref<1x1x128xi32, #tpu.memory_space<vmem>> -> memref<128xi32, #tpu.memory_space<vmem>>
      %dma_wait3A_402 = arith.constant 0 : i32
      %dma_wait3A_403 = arith.constant 0 : i32
      %dma_wait3A_404 = tpu.memref_slice %arg9[%dma_wait3A_402, %dma_wait3A_403] : memref<10240x128xf32, #tpu.memory_space<vmem_shared>> -> memref<10240x128xf32, #tpu.memory_space<vmem_shared>>
      %dma_wait3A_405 = tpu.memref_slice %arg12[%dma_wait3A_394] : memref<2x!tpu.dma_semaphore, #tpu.memory_space<semaphore_mem>> -> memref<1x!tpu.dma_semaphore, #tpu.memory_space<semaphore_mem>>
      %dma_wait3A_406 = tpu.memref_squeeze %dma_wait3A_405 : memref<1x!tpu.dma_semaphore, #tpu.memory_space<semaphore_mem>> -> memref<!tpu.dma_semaphore, #tpu.memory_space<semaphore_mem>>
      tpu.wait_indirect_dma semaphore(%dma_wait3A_406 : memref<!tpu.dma_semaphore, #tpu.memory_space<semaphore_mem>>) src(%dma_wait3A_398 : memref<128x128xf32, #tpu.memory_space<vmem>>) dst(%dma_wait3A_404 : memref<10240x128xf32, #tpu.memory_space<vmem_shared>>)
      %add3A_407 = arith.constant 1 : i32
      %add3A_408 = arith.addi %add3A_270, %add3A_407 : i32
      %mul3A_409 = arith.constant 2 : i32
      %mul3A_410 = arith.muli %mul3A_409, %select_n3A_10 : i32
      %lt3A_411 = arith.cmpi slt, %add3A_408, %mul3A_410 : i32
      %convert_element_type3A_412 = arith.extui %lt3A_411 : i1 to i32
      %cond3A_413 = arith.constant 0 : i32
      %cond3A_414 = arith.cmpi ne, %convert_element_type3A_412, %cond3A_413 : i32
      scf.if %cond3A_414 {
        %dma_wait3A_415 = arith.constant 0 : i32
        %dma_wait3A_416 = arith.constant 0 : i32
        %dma_wait3A_417 = arith.constant 0 : i32
        %dma_wait3A_418 = arith.constant 0 : i32
        %dma_wait3A_419 = tpu.memref_slice %arg6[%dma_wait3A_415, %dma_wait3A_417, %dma_wait3A_418] : memref<2x2x128xi32, #tpu.memory_space<vmem>> -> memref<1x2x128xi32, #tpu.memory_space<vmem>>
        %dma_wait3A_420 = tpu.memref_squeeze %dma_wait3A_419 : memref<1x2x128xi32, #tpu.memory_space<vmem>> -> memref<2x128xi32, #tpu.memory_space<vmem>>
        %dma_wait3A_421 = arith.constant 0 : i32
        %dma_wait3A_422 = arith.constant 0 : i32
        %dma_wait3A_423 = tpu.memref_slice %arg3[%dma_wait3A_421, %dma_wait3A_422] : memref<2560x128xi32, #tpu.memory_space<hbm>> -> memref<2x128xi32, #tpu.memory_space<hbm>>
        %dma_wait3A_424 = tpu.memref_slice %arg10[%dma_wait3A_416] : memref<2x!tpu.dma_semaphore, #tpu.memory_space<semaphore_mem>> -> memref<1x!tpu.dma_semaphore, #tpu.memory_space<semaphore_mem>>
        %dma_wait3A_425 = tpu.memref_squeeze %dma_wait3A_424 : memref<1x!tpu.dma_semaphore, #tpu.memory_space<semaphore_mem>> -> memref<!tpu.dma_semaphore, #tpu.memory_space<semaphore_mem>>
        %dma_wait3A_426 = arith.constant 0 : i32
        %dma_wait3A_427 = arith.constant 0 : i32
        %dma_wait3A_428 = tpu.memref_slice %arg6[%dma_wait3A_415, %dma_wait3A_426, %dma_wait3A_427] : memref<2x2x128xi32, #tpu.memory_space<vmem>> -> memref<1x2x128xi32, #tpu.memory_space<vmem>>
        %dma_wait3A_429 = tpu.memref_squeeze %dma_wait3A_428 : memref<1x2x128xi32, #tpu.memory_space<vmem>> -> memref<2x128xi32, #tpu.memory_space<vmem>>
        %dma_wait3A_430 = arith.constant 0 : i32
        %dma_wait3A_431 = arith.constant 0 : i32
        %dma_wait3A_432 = tpu.memref_slice %arg3[%dma_wait3A_430, %dma_wait3A_431] : memref<2560x128xi32, #tpu.memory_space<hbm>> -> memref<2x128xi32, #tpu.memory_space<hbm>>
        tpu.wait_dma2 semaphore(%dma_wait3A_425 : memref<!tpu.dma_semaphore, #tpu.memory_space<semaphore_mem>>) src(%dma_wait3A_432 : memref<2x128xi32, #tpu.memory_space<hbm>>) dst(%dma_wait3A_429 : memref<2x128xi32, #tpu.memory_space<vmem>>)
        %dma_wait3A_433 = arith.constant 0 : i32
        %dma_wait3A_434 = arith.constant 0 : i32
        %dma_wait3A_435 = arith.constant 0 : i32
        %dma_wait3A_436 = arith.constant 0 : i32
        %dma_wait3A_437 = tpu.memref_slice %arg7[%dma_wait3A_433, %dma_wait3A_435, %dma_wait3A_436] : memref<2x2x128xi32, #tpu.memory_space<vmem>> -> memref<1x2x128xi32, #tpu.memory_space<vmem>>
        %dma_wait3A_438 = tpu.memref_squeeze %dma_wait3A_437 : memref<1x2x128xi32, #tpu.memory_space<vmem>> -> memref<2x128xi32, #tpu.memory_space<vmem>>
        %dma_wait3A_439 = arith.constant 0 : i32
        %dma_wait3A_440 = arith.constant 0 : i32
        %dma_wait3A_441 = tpu.memref_slice %arg4[%dma_wait3A_439, %dma_wait3A_440] : memref<2560x128xi32, #tpu.memory_space<hbm>> -> memref<2x128xi32, #tpu.memory_space<hbm>>
        %dma_wait3A_442 = tpu.memref_slice %arg10[%dma_wait3A_434] : memref<2x!tpu.dma_semaphore, #tpu.memory_space<semaphore_mem>> -> memref<1x!tpu.dma_semaphore, #tpu.memory_space<semaphore_mem>>
        %dma_wait3A_443 = tpu.memref_squeeze %dma_wait3A_442 : memref<1x!tpu.dma_semaphore, #tpu.memory_space<semaphore_mem>> -> memref<!tpu.dma_semaphore, #tpu.memory_space<semaphore_mem>>
        %dma_wait3A_444 = arith.constant 0 : i32
        %dma_wait3A_445 = arith.constant 0 : i32
        %dma_wait3A_446 = tpu.memref_slice %arg7[%dma_wait3A_433, %dma_wait3A_444, %dma_wait3A_445] : memref<2x2x128xi32, #tpu.memory_space<vmem>> -> memref<1x2x128xi32, #tpu.memory_space<vmem>>
        %dma_wait3A_447 = tpu.memref_squeeze %dma_wait3A_446 : memref<1x2x128xi32, #tpu.memory_space<vmem>> -> memref<2x128xi32, #tpu.memory_space<vmem>>
        %dma_wait3A_448 = arith.constant 0 : i32
        %dma_wait3A_449 = arith.constant 0 : i32
        %dma_wait3A_450 = tpu.memref_slice %arg4[%dma_wait3A_448, %dma_wait3A_449] : memref<2560x128xi32, #tpu.memory_space<hbm>> -> memref<2x128xi32, #tpu.memory_space<hbm>>
        tpu.wait_dma2 semaphore(%dma_wait3A_443 : memref<!tpu.dma_semaphore, #tpu.memory_space<semaphore_mem>>) src(%dma_wait3A_450 : memref<2x128xi32, #tpu.memory_space<hbm>>) dst(%dma_wait3A_447 : memref<2x128xi32, #tpu.memory_space<vmem>>)
      } else {
      }
    }
    %while3A_115 = arith.constant 1 : i32
    scf.for %while3A_121 = %while3A_113 to %while3A_109 step %while3A_115  : i32 {
      %mul3A_122 = arith.constant 2 : i32
      %mul3A_123 = arith.muli %while3A_121, %mul3A_122 : i32
      %add3A_124 = arith.constant 0 : i32
      %add3A_125 = arith.addi %mul3A_123, %add3A_124 : i32
      %add3A_126 = arith.constant 1 : i32
      %add3A_127 = arith.addi %add3A_125, %add3A_126 : i32
      %mul3A_128 = arith.constant 2 : i32
      %mul3A_129 = arith.muli %mul3A_128, %select_n3A_10 : i32
      %lt3A = arith.cmpi slt, %add3A_127, %mul3A_129 : i32
      %convert_element_type3A = arith.extui %lt3A : i1 to i32
      %cond3A = arith.constant 0 : i32
      %cond3A_130 = arith.cmpi ne, %convert_element_type3A, %cond3A : i32
      scf.if %cond3A_130 {
        %add3A_415 = arith.constant 1 : i32
        %add3A_416 = arith.addi %add3A_125, %add3A_415 : i32
        %mul3A_417 = arith.constant 2 : i32
        %mul3A_418 = arith.muli %add3A_416, %mul3A_417 : i32
        %add3A_419 = arith.addi %select_n3A, %mul3A_418 : i32
        %dma_start3A_420 = arith.constant 1 : i32
        %dma_start3A_421 = arith.constant 1 : i32
        %dma_start3A_422 = arith.constant 0 : i32
        %dma_start3A_423 = arith.constant 0 : i32
        %dma_start3A_424 = tpu.memref_slice %arg6[%dma_start3A_420, %dma_start3A_422, %dma_start3A_423] : memref<2x2x128xi32, #tpu.memory_space<vmem>> -> memref<1x2x128xi32, #tpu.memory_space<vmem>>
        %dma_start3A_425 = tpu.memref_squeeze %dma_start3A_424 : memref<1x2x128xi32, #tpu.memory_space<vmem>> -> memref<2x128xi32, #tpu.memory_space<vmem>>
        %dma_start3A_426 = arith.constant 0 : i32
        %dma_start3A_427 = tpu.memref_slice %arg3[%add3A_419, %dma_start3A_426] : memref<2560x128xi32, #tpu.memory_space<hbm>> -> memref<2x128xi32, #tpu.memory_space<hbm>>
        %dma_start3A_428 = tpu.memref_slice %arg10[%dma_start3A_421] : memref<2x!tpu.dma_semaphore, #tpu.memory_space<semaphore_mem>> -> memref<1x!tpu.dma_semaphore, #tpu.memory_space<semaphore_mem>>
        %dma_start3A_429 = tpu.memref_squeeze %dma_start3A_428 : memref<1x!tpu.dma_semaphore, #tpu.memory_space<semaphore_mem>> -> memref<!tpu.dma_semaphore, #tpu.memory_space<semaphore_mem>>
        %dma_start3A_430 = arith.constant 0 : i32
        %dma_start3A_431 = arith.constant 0 : i32
        %dma_start3A_432 = tpu.memref_slice %arg6[%dma_start3A_420, %dma_start3A_430, %dma_start3A_431] : memref<2x2x128xi32, #tpu.memory_space<vmem>> -> memref<1x2x128xi32, #tpu.memory_space<vmem>>
        %dma_start3A_433 = tpu.memref_squeeze %dma_start3A_432 : memref<1x2x128xi32, #tpu.memory_space<vmem>> -> memref<2x128xi32, #tpu.memory_space<vmem>>
        %dma_start3A_434 = arith.constant 0 : i32
        %dma_start3A_435 = tpu.memref_slice %arg3[%add3A_419, %dma_start3A_434] : memref<2560x128xi32, #tpu.memory_space<hbm>> -> memref<2x128xi32, #tpu.memory_space<hbm>>
        tpu.enqueue_dma source(%dma_start3A_435 : memref<2x128xi32, #tpu.memory_space<hbm>>) target(%dma_start3A_433 : memref<2x128xi32, #tpu.memory_space<vmem>>) target_semaphore(%dma_start3A_429 : memref<!tpu.dma_semaphore, #tpu.memory_space<semaphore_mem>>)
        %mul3A_436 = arith.constant 2 : i32
        %mul3A_437 = arith.muli %add3A_416, %mul3A_436 : i32
        %add3A_438 = arith.addi %select_n3A, %mul3A_437 : i32
        %dma_start3A_439 = arith.constant 1 : i32
        %dma_start3A_440 = arith.constant 1 : i32
        %dma_start3A_441 = arith.constant 0 : i32
        %dma_start3A_442 = arith.constant 0 : i32
        %dma_start3A_443 = tpu.memref_slice %arg7[%dma_start3A_439, %dma_start3A_441, %dma_start3A_442] : memref<2x2x128xi32, #tpu.memory_space<vmem>> -> memref<1x2x128xi32, #tpu.memory_space<vmem>>
        %dma_start3A_444 = tpu.memref_squeeze %dma_start3A_443 : memref<1x2x128xi32, #tpu.memory_space<vmem>> -> memref<2x128xi32, #tpu.memory_space<vmem>>
        %dma_start3A_445 = arith.constant 0 : i32
        %dma_start3A_446 = tpu.memref_slice %arg4[%add3A_438, %dma_start3A_445] : memref<2560x128xi32, #tpu.memory_space<hbm>> -> memref<2x128xi32, #tpu.memory_space<hbm>>
        %dma_start3A_447 = tpu.memref_slice %arg10[%dma_start3A_440] : memref<2x!tpu.dma_semaphore, #tpu.memory_space<semaphore_mem>> -> memref<1x!tpu.dma_semaphore, #tpu.memory_space<semaphore_mem>>
        %dma_start3A_448 = tpu.memref_squeeze %dma_start3A_447 : memref<1x!tpu.dma_semaphore, #tpu.memory_space<semaphore_mem>> -> memref<!tpu.dma_semaphore, #tpu.memory_space<semaphore_mem>>
        %dma_start3A_449 = arith.constant 0 : i32
        %dma_start3A_450 = arith.constant 0 : i32
        %dma_start3A_451 = tpu.memref_slice %arg7[%dma_start3A_439, %dma_start3A_449, %dma_start3A_450] : memref<2x2x128xi32, #tpu.memory_space<vmem>> -> memref<1x2x128xi32, #tpu.memory_space<vmem>>
        %dma_start3A_452 = tpu.memref_squeeze %dma_start3A_451 : memref<1x2x128xi32, #tpu.memory_space<vmem>> -> memref<2x128xi32, #tpu.memory_space<vmem>>
        %dma_start3A_453 = arith.constant 0 : i32
        %dma_start3A_454 = tpu.memref_slice %arg4[%add3A_438, %dma_start3A_453] : memref<2560x128xi32, #tpu.memory_space<hbm>> -> memref<2x128xi32, #tpu.memory_space<hbm>>
        tpu.enqueue_dma source(%dma_start3A_454 : memref<2x128xi32, #tpu.memory_space<hbm>>) target(%dma_start3A_452 : memref<2x128xi32, #tpu.memory_space<vmem>>) target_semaphore(%dma_start3A_448 : memref<!tpu.dma_semaphore, #tpu.memory_space<semaphore_mem>>)
      } else {
      }
      %dma_start3A_131 = arith.constant 0 : i32
      %dma_start3A_132 = arith.constant 0 : i32
      %dma_start3A_133 = arith.constant 0 : i32
      %dma_start3A_134 = arith.constant 0 : i32
      %dma_start3A_135 = arith.constant 0 : i32
      %dma_start3A_136 = arith.constant 0 : i32
      %dma_start3A_137 = tpu.memref_slice %arg8[%dma_start3A_133, %dma_start3A_135, %dma_start3A_136] : memref<2x128x128xf32, #tpu.memory_space<vmem>> -> memref<1x128x128xf32, #tpu.memory_space<vmem>>
      %dma_start3A_138 = tpu.memref_squeeze %dma_start3A_137 : memref<1x128x128xf32, #tpu.memory_space<vmem>> -> memref<128x128xf32, #tpu.memory_space<vmem>>
      %dma_start3A_139 = arith.constant 0 : i32
      %dma_start3A_140 = tpu.memref_slice %arg6[%dma_start3A_131, %dma_start3A_132, %dma_start3A_139] : memref<2x2x128xi32, #tpu.memory_space<vmem>> -> memref<1x1x128xi32, #tpu.memory_space<vmem>>
      %dma_start3A_141 = tpu.memref_squeeze %dma_start3A_140 : memref<1x1x128xi32, #tpu.memory_space<vmem>> -> memref<128xi32, #tpu.memory_space<vmem>>
      %dma_start3A_142 = arith.constant 0 : i32
      %dma_start3A_143 = arith.constant 0 : i32
      %dma_start3A_144 = tpu.memref_slice %arg2[%dma_start3A_142, %dma_start3A_143] : memref<10240x128xf32, #tpu.memory_space<hbm>> -> memref<10240x128xf32, #tpu.memory_space<hbm>>
      %dma_start3A_145 = tpu.memref_slice %arg11[%dma_start3A_134] : memref<2x!tpu.dma_semaphore, #tpu.memory_space<semaphore_mem>> -> memref<1x!tpu.dma_semaphore, #tpu.memory_space<semaphore_mem>>
      %dma_start3A_146 = tpu.memref_squeeze %dma_start3A_145 : memref<1x!tpu.dma_semaphore, #tpu.memory_space<semaphore_mem>> -> memref<!tpu.dma_semaphore, #tpu.memory_space<semaphore_mem>>
      tpu.enqueue_indirect_dma source(%dma_start3A_144 : memref<10240x128xf32, #tpu.memory_space<hbm>>) target(%dma_start3A_138 : memref<128x128xf32, #tpu.memory_space<vmem>>) offsets(%dma_start3A_141 : memref<128xi32, #tpu.memory_space<vmem>>) semaphore(%dma_start3A_146 : memref<!tpu.dma_semaphore, #tpu.memory_space<semaphore_mem>>)
      %dma_start3A_147 = arith.constant 0 : i32
      %dma_start3A_148 = arith.constant 1 : i32
      %dma_start3A_149 = arith.constant 1 : i32
      %dma_start3A_150 = arith.constant 1 : i32
      %dma_start3A_151 = arith.constant 0 : i32
      %dma_start3A_152 = arith.constant 0 : i32
      %dma_start3A_153 = tpu.memref_slice %arg8[%dma_start3A_149, %dma_start3A_151, %dma_start3A_152] : memref<2x128x128xf32, #tpu.memory_space<vmem>> -> memref<1x128x128xf32, #tpu.memory_space<vmem>>
      %dma_start3A_154 = tpu.memref_squeeze %dma_start3A_153 : memref<1x128x128xf32, #tpu.memory_space<vmem>> -> memref<128x128xf32, #tpu.memory_space<vmem>>
      %dma_start3A_155 = arith.constant 0 : i32
      %dma_start3A_156 = tpu.memref_slice %arg6[%dma_start3A_147, %dma_start3A_148, %dma_start3A_155] : memref<2x2x128xi32, #tpu.memory_space<vmem>> -> memref<1x1x128xi32, #tpu.memory_space<vmem>>
      %dma_start3A_157 = tpu.memref_squeeze %dma_start3A_156 : memref<1x1x128xi32, #tpu.memory_space<vmem>> -> memref<128xi32, #tpu.memory_space<vmem>>
      %dma_start3A_158 = arith.constant 0 : i32
      %dma_start3A_159 = arith.constant 0 : i32
      %dma_start3A_160 = tpu.memref_slice %arg2[%dma_start3A_158, %dma_start3A_159] : memref<10240x128xf32, #tpu.memory_space<hbm>> -> memref<10240x128xf32, #tpu.memory_space<hbm>>
      %dma_start3A_161 = tpu.memref_slice %arg11[%dma_start3A_150] : memref<2x!tpu.dma_semaphore, #tpu.memory_space<semaphore_mem>> -> memref<1x!tpu.dma_semaphore, #tpu.memory_space<semaphore_mem>>
      %dma_start3A_162 = tpu.memref_squeeze %dma_start3A_161 : memref<1x!tpu.dma_semaphore, #tpu.memory_space<semaphore_mem>> -> memref<!tpu.dma_semaphore, #tpu.memory_space<semaphore_mem>>
      tpu.enqueue_indirect_dma source(%dma_start3A_160 : memref<10240x128xf32, #tpu.memory_space<hbm>>) target(%dma_start3A_154 : memref<128x128xf32, #tpu.memory_space<vmem>>) offsets(%dma_start3A_157 : memref<128xi32, #tpu.memory_space<vmem>>) semaphore(%dma_start3A_162 : memref<!tpu.dma_semaphore, #tpu.memory_space<semaphore_mem>>)
      %dma_wait3A_163 = arith.constant 0 : i32
      %dma_wait3A_164 = arith.constant 0 : i32
      %dma_wait3A_165 = arith.constant 0 : i32
      %dma_wait3A_166 = arith.constant 0 : i32
      %dma_wait3A_167 = arith.constant 0 : i32
      %dma_wait3A_168 = arith.constant 0 : i32
      %dma_wait3A_169 = tpu.memref_slice %arg8[%dma_wait3A_165, %dma_wait3A_167, %dma_wait3A_168] : memref<2x128x128xf32, #tpu.memory_space<vmem>> -> memref<1x128x128xf32, #tpu.memory_space<vmem>>
      %dma_wait3A_170 = tpu.memref_squeeze %dma_wait3A_169 : memref<1x128x128xf32, #tpu.memory_space<vmem>> -> memref<128x128xf32, #tpu.memory_space<vmem>>
      %dma_wait3A_171 = arith.constant 0 : i32
      %dma_wait3A_172 = tpu.memref_slice %arg6[%dma_wait3A_163, %dma_wait3A_164, %dma_wait3A_171] : memref<2x2x128xi32, #tpu.memory_space<vmem>> -> memref<1x1x128xi32, #tpu.memory_space<vmem>>
      %dma_wait3A_173 = tpu.memref_squeeze %dma_wait3A_172 : memref<1x1x128xi32, #tpu.memory_space<vmem>> -> memref<128xi32, #tpu.memory_space<vmem>>
      %dma_wait3A_174 = arith.constant 0 : i32
      %dma_wait3A_175 = arith.constant 0 : i32
      %dma_wait3A_176 = tpu.memref_slice %arg2[%dma_wait3A_174, %dma_wait3A_175] : memref<10240x128xf32, #tpu.memory_space<hbm>> -> memref<10240x128xf32, #tpu.memory_space<hbm>>
      %dma_wait3A_177 = tpu.memref_slice %arg11[%dma_wait3A_166] : memref<2x!tpu.dma_semaphore, #tpu.memory_space<semaphore_mem>> -> memref<1x!tpu.dma_semaphore, #tpu.memory_space<semaphore_mem>>
      %dma_wait3A_178 = tpu.memref_squeeze %dma_wait3A_177 : memref<1x!tpu.dma_semaphore, #tpu.memory_space<semaphore_mem>> -> memref<!tpu.dma_semaphore, #tpu.memory_space<semaphore_mem>>
      tpu.wait_indirect_dma semaphore(%dma_wait3A_178 : memref<!tpu.dma_semaphore, #tpu.memory_space<semaphore_mem>>) src(%dma_wait3A_176 : memref<10240x128xf32, #tpu.memory_space<hbm>>) dst(%dma_wait3A_170 : memref<128x128xf32, #tpu.memory_space<vmem>>)
      %dma_start3A_179 = arith.constant 0 : i32
      %dma_start3A_180 = arith.constant 0 : i32
      %dma_start3A_181 = arith.constant 0 : i32
      %dma_start3A_182 = arith.constant 0 : i32
      %dma_start3A_183 = arith.constant 0 : i32
      %dma_start3A_184 = arith.constant 0 : i32
      %dma_start3A_185 = tpu.memref_slice %arg8[%dma_start3A_179, %dma_start3A_183, %dma_start3A_184] : memref<2x128x128xf32, #tpu.memory_space<vmem>> -> memref<1x128x128xf32, #tpu.memory_space<vmem>>
      %dma_start3A_186 = tpu.memref_squeeze %dma_start3A_185 : memref<1x128x128xf32, #tpu.memory_space<vmem>> -> memref<128x128xf32, #tpu.memory_space<vmem>>
      %dma_start3A_187 = arith.constant 0 : i32
      %dma_start3A_188 = tpu.memref_slice %arg7[%dma_start3A_180, %dma_start3A_181, %dma_start3A_187] : memref<2x2x128xi32, #tpu.memory_space<vmem>> -> memref<1x1x128xi32, #tpu.memory_space<vmem>>
      %dma_start3A_189 = tpu.memref_squeeze %dma_start3A_188 : memref<1x1x128xi32, #tpu.memory_space<vmem>> -> memref<128xi32, #tpu.memory_space<vmem>>
      %dma_start3A_190 = arith.constant 0 : i32
      %dma_start3A_191 = arith.constant 0 : i32
      %dma_start3A_192 = tpu.memref_slice %arg9[%dma_start3A_190, %dma_start3A_191] : memref<10240x128xf32, #tpu.memory_space<vmem_shared>> -> memref<10240x128xf32, #tpu.memory_space<vmem_shared>>
      %dma_start3A_193 = tpu.memref_slice %arg12[%dma_start3A_182] : memref<2x!tpu.dma_semaphore, #tpu.memory_space<semaphore_mem>> -> memref<1x!tpu.dma_semaphore, #tpu.memory_space<semaphore_mem>>
      %dma_start3A_194 = tpu.memref_squeeze %dma_start3A_193 : memref<1x!tpu.dma_semaphore, #tpu.memory_space<semaphore_mem>> -> memref<!tpu.dma_semaphore, #tpu.memory_space<semaphore_mem>>
      tpu.enqueue_indirect_dma source(%dma_start3A_186 : memref<128x128xf32, #tpu.memory_space<vmem>>) target(%dma_start3A_192 : memref<10240x128xf32, #tpu.memory_space<vmem_shared>>) offsets(%dma_start3A_189 : memref<128xi32, #tpu.memory_space<vmem>>) semaphore(%dma_start3A_194 : memref<!tpu.dma_semaphore, #tpu.memory_space<semaphore_mem>>) {add = true}
      %dma_wait3A_195 = arith.constant 0 : i32
      %dma_wait3A_196 = arith.constant 1 : i32
      %dma_wait3A_197 = arith.constant 1 : i32
      %dma_wait3A_198 = arith.constant 1 : i32
      %dma_wait3A_199 = arith.constant 0 : i32
      %dma_wait3A_200 = arith.constant 0 : i32
      %dma_wait3A_201 = tpu.memref_slice %arg8[%dma_wait3A_197, %dma_wait3A_199, %dma_wait3A_200] : memref<2x128x128xf32, #tpu.memory_space<vmem>> -> memref<1x128x128xf32, #tpu.memory_space<vmem>>
      %dma_wait3A_202 = tpu.memref_squeeze %dma_wait3A_201 : memref<1x128x128xf32, #tpu.memory_space<vmem>> -> memref<128x128xf32, #tpu.memory_space<vmem>>
      %dma_wait3A_203 = arith.constant 0 : i32
      %dma_wait3A_204 = tpu.memref_slice %arg6[%dma_wait3A_195, %dma_wait3A_196, %dma_wait3A_203] : memref<2x2x128xi32, #tpu.memory_space<vmem>> -> memref<1x1x128xi32, #tpu.memory_space<vmem>>
      %dma_wait3A_205 = tpu.memref_squeeze %dma_wait3A_204 : memref<1x1x128xi32, #tpu.memory_space<vmem>> -> memref<128xi32, #tpu.memory_space<vmem>>
      %dma_wait3A_206 = arith.constant 0 : i32
      %dma_wait3A_207 = arith.constant 0 : i32
      %dma_wait3A_208 = tpu.memref_slice %arg2[%dma_wait3A_206, %dma_wait3A_207] : memref<10240x128xf32, #tpu.memory_space<hbm>> -> memref<10240x128xf32, #tpu.memory_space<hbm>>
      %dma_wait3A_209 = tpu.memref_slice %arg11[%dma_wait3A_198] : memref<2x!tpu.dma_semaphore, #tpu.memory_space<semaphore_mem>> -> memref<1x!tpu.dma_semaphore, #tpu.memory_space<semaphore_mem>>
      %dma_wait3A_210 = tpu.memref_squeeze %dma_wait3A_209 : memref<1x!tpu.dma_semaphore, #tpu.memory_space<semaphore_mem>> -> memref<!tpu.dma_semaphore, #tpu.memory_space<semaphore_mem>>
      tpu.wait_indirect_dma semaphore(%dma_wait3A_210 : memref<!tpu.dma_semaphore, #tpu.memory_space<semaphore_mem>>) src(%dma_wait3A_208 : memref<10240x128xf32, #tpu.memory_space<hbm>>) dst(%dma_wait3A_202 : memref<128x128xf32, #tpu.memory_space<vmem>>)
      %dma_start3A_211 = arith.constant 1 : i32
      %dma_start3A_212 = arith.constant 0 : i32
      %dma_start3A_213 = arith.constant 1 : i32
      %dma_start3A_214 = arith.constant 1 : i32
      %dma_start3A_215 = arith.constant 0 : i32
      %dma_start3A_216 = arith.constant 0 : i32
      %dma_start3A_217 = tpu.memref_slice %arg8[%dma_start3A_211, %dma_start3A_215, %dma_start3A_216] : memref<2x128x128xf32, #tpu.memory_space<vmem>> -> memref<1x128x128xf32, #tpu.memory_space<vmem>>
      %dma_start3A_218 = tpu.memref_squeeze %dma_start3A_217 : memref<1x128x128xf32, #tpu.memory_space<vmem>> -> memref<128x128xf32, #tpu.memory_space<vmem>>
      %dma_start3A_219 = arith.constant 0 : i32
      %dma_start3A_220 = tpu.memref_slice %arg7[%dma_start3A_212, %dma_start3A_213, %dma_start3A_219] : memref<2x2x128xi32, #tpu.memory_space<vmem>> -> memref<1x1x128xi32, #tpu.memory_space<vmem>>
      %dma_start3A_221 = tpu.memref_squeeze %dma_start3A_220 : memref<1x1x128xi32, #tpu.memory_space<vmem>> -> memref<128xi32, #tpu.memory_space<vmem>>
      %dma_start3A_222 = arith.constant 0 : i32
      %dma_start3A_223 = arith.constant 0 : i32
      %dma_start3A_224 = tpu.memref_slice %arg9[%dma_start3A_222, %dma_start3A_223] : memref<10240x128xf32, #tpu.memory_space<vmem_shared>> -> memref<10240x128xf32, #tpu.memory_space<vmem_shared>>
      %dma_start3A_225 = tpu.memref_slice %arg12[%dma_start3A_214] : memref<2x!tpu.dma_semaphore, #tpu.memory_space<semaphore_mem>> -> memref<1x!tpu.dma_semaphore, #tpu.memory_space<semaphore_mem>>
      %dma_start3A_226 = tpu.memref_squeeze %dma_start3A_225 : memref<1x!tpu.dma_semaphore, #tpu.memory_space<semaphore_mem>> -> memref<!tpu.dma_semaphore, #tpu.memory_space<semaphore_mem>>
      tpu.enqueue_indirect_dma source(%dma_start3A_218 : memref<128x128xf32, #tpu.memory_space<vmem>>) target(%dma_start3A_224 : memref<10240x128xf32, #tpu.memory_space<vmem_shared>>) offsets(%dma_start3A_221 : memref<128xi32, #tpu.memory_space<vmem>>) semaphore(%dma_start3A_226 : memref<!tpu.dma_semaphore, #tpu.memory_space<semaphore_mem>>) {add = true}
      %dma_wait3A_227 = arith.constant 0 : i32
      %dma_wait3A_228 = arith.constant 0 : i32
      %dma_wait3A_229 = arith.constant 0 : i32
      %dma_wait3A_230 = arith.constant 0 : i32
      %dma_wait3A_231 = arith.constant 0 : i32
      %dma_wait3A_232 = arith.constant 0 : i32
      %dma_wait3A_233 = tpu.memref_slice %arg8[%dma_wait3A_227, %dma_wait3A_231, %dma_wait3A_232] : memref<2x128x128xf32, #tpu.memory_space<vmem>> -> memref<1x128x128xf32, #tpu.memory_space<vmem>>
      %dma_wait3A_234 = tpu.memref_squeeze %dma_wait3A_233 : memref<1x128x128xf32, #tpu.memory_space<vmem>> -> memref<128x128xf32, #tpu.memory_space<vmem>>
      %dma_wait3A_235 = arith.constant 0 : i32
      %dma_wait3A_236 = tpu.memref_slice %arg7[%dma_wait3A_228, %dma_wait3A_229, %dma_wait3A_235] : memref<2x2x128xi32, #tpu.memory_space<vmem>> -> memref<1x1x128xi32, #tpu.memory_space<vmem>>
      %dma_wait3A_237 = tpu.memref_squeeze %dma_wait3A_236 : memref<1x1x128xi32, #tpu.memory_space<vmem>> -> memref<128xi32, #tpu.memory_space<vmem>>
      %dma_wait3A_238 = arith.constant 0 : i32
      %dma_wait3A_239 = arith.constant 0 : i32
      %dma_wait3A_240 = tpu.memref_slice %arg9[%dma_wait3A_238, %dma_wait3A_239] : memref<10240x128xf32, #tpu.memory_space<vmem_shared>> -> memref<10240x128xf32, #tpu.memory_space<vmem_shared>>
      %dma_wait3A_241 = tpu.memref_slice %arg12[%dma_wait3A_230] : memref<2x!tpu.dma_semaphore, #tpu.memory_space<semaphore_mem>> -> memref<1x!tpu.dma_semaphore, #tpu.memory_space<semaphore_mem>>
      %dma_wait3A_242 = tpu.memref_squeeze %dma_wait3A_241 : memref<1x!tpu.dma_semaphore, #tpu.memory_space<semaphore_mem>> -> memref<!tpu.dma_semaphore, #tpu.memory_space<semaphore_mem>>
      tpu.wait_indirect_dma semaphore(%dma_wait3A_242 : memref<!tpu.dma_semaphore, #tpu.memory_space<semaphore_mem>>) src(%dma_wait3A_234 : memref<128x128xf32, #tpu.memory_space<vmem>>) dst(%dma_wait3A_240 : memref<10240x128xf32, #tpu.memory_space<vmem_shared>>)
      %dma_wait3A_243 = arith.constant 1 : i32
      %dma_wait3A_244 = arith.constant 0 : i32
      %dma_wait3A_245 = arith.constant 1 : i32
      %dma_wait3A_246 = arith.constant 1 : i32
      %dma_wait3A_247 = arith.constant 0 : i32
      %dma_wait3A_248 = arith.constant 0 : i32
      %dma_wait3A_249 = tpu.memref_slice %arg8[%dma_wait3A_243, %dma_wait3A_247, %dma_wait3A_248] : memref<2x128x128xf32, #tpu.memory_space<vmem>> -> memref<1x128x128xf32, #tpu.memory_space<vmem>>
      %dma_wait3A_250 = tpu.memref_squeeze %dma_wait3A_249 : memref<1x128x128xf32, #tpu.memory_space<vmem>> -> memref<128x128xf32, #tpu.memory_space<vmem>>
      %dma_wait3A_251 = arith.constant 0 : i32
      %dma_wait3A_252 = tpu.memref_slice %arg7[%dma_wait3A_244, %dma_wait3A_245, %dma_wait3A_251] : memref<2x2x128xi32, #tpu.memory_space<vmem>> -> memref<1x1x128xi32, #tpu.memory_space<vmem>>
      %dma_wait3A_253 = tpu.memref_squeeze %dma_wait3A_252 : memref<1x1x128xi32, #tpu.memory_space<vmem>> -> memref<128xi32, #tpu.memory_space<vmem>>
      %dma_wait3A_254 = arith.constant 0 : i32
      %dma_wait3A_255 = arith.constant 0 : i32
      %dma_wait3A_256 = tpu.memref_slice %arg9[%dma_wait3A_254, %dma_wait3A_255] : memref<10240x128xf32, #tpu.memory_space<vmem_shared>> -> memref<10240x128xf32, #tpu.memory_space<vmem_shared>>
      %dma_wait3A_257 = tpu.memref_slice %arg12[%dma_wait3A_246] : memref<2x!tpu.dma_semaphore, #tpu.memory_space<semaphore_mem>> -> memref<1x!tpu.dma_semaphore, #tpu.memory_space<semaphore_mem>>
      %dma_wait3A_258 = tpu.memref_squeeze %dma_wait3A_257 : memref<1x!tpu.dma_semaphore, #tpu.memory_space<semaphore_mem>> -> memref<!tpu.dma_semaphore, #tpu.memory_space<semaphore_mem>>
      tpu.wait_indirect_dma semaphore(%dma_wait3A_258 : memref<!tpu.dma_semaphore, #tpu.memory_space<semaphore_mem>>) src(%dma_wait3A_250 : memref<128x128xf32, #tpu.memory_space<vmem>>) dst(%dma_wait3A_256 : memref<10240x128xf32, #tpu.memory_space<vmem_shared>>)
      %add3A_259 = arith.constant 1 : i32
      %add3A_260 = arith.addi %add3A_125, %add3A_259 : i32
      %mul3A_261 = arith.constant 2 : i32
      %mul3A_262 = arith.muli %mul3A_261, %select_n3A_10 : i32
      %lt3A_263 = arith.cmpi slt, %add3A_260, %mul3A_262 : i32
      %convert_element_type3A_264 = arith.extui %lt3A_263 : i1 to i32
      %cond3A_265 = arith.constant 0 : i32
      %cond3A_266 = arith.cmpi ne, %convert_element_type3A_264, %cond3A_265 : i32
      scf.if %cond3A_266 {
        %dma_wait3A_415 = arith.constant 1 : i32
        %dma_wait3A_416 = arith.constant 1 : i32
        %dma_wait3A_417 = arith.constant 0 : i32
        %dma_wait3A_418 = arith.constant 0 : i32
        %dma_wait3A_419 = tpu.memref_slice %arg6[%dma_wait3A_415, %dma_wait3A_417, %dma_wait3A_418] : memref<2x2x128xi32, #tpu.memory_space<vmem>> -> memref<1x2x128xi32, #tpu.memory_space<vmem>>
        %dma_wait3A_420 = tpu.memref_squeeze %dma_wait3A_419 : memref<1x2x128xi32, #tpu.memory_space<vmem>> -> memref<2x128xi32, #tpu.memory_space<vmem>>
        %dma_wait3A_421 = arith.constant 0 : i32
        %dma_wait3A_422 = arith.constant 0 : i32
        %dma_wait3A_423 = tpu.memref_slice %arg3[%dma_wait3A_421, %dma_wait3A_422] : memref<2560x128xi32, #tpu.memory_space<hbm>> -> memref<2x128xi32, #tpu.memory_space<hbm>>
        %dma_wait3A_424 = tpu.memref_slice %arg10[%dma_wait3A_416] : memref<2x!tpu.dma_semaphore, #tpu.memory_space<semaphore_mem>> -> memref<1x!tpu.dma_semaphore, #tpu.memory_space<semaphore_mem>>
        %dma_wait3A_425 = tpu.memref_squeeze %dma_wait3A_424 : memref<1x!tpu.dma_semaphore, #tpu.memory_space<semaphore_mem>> -> memref<!tpu.dma_semaphore, #tpu.memory_space<semaphore_mem>>
        %dma_wait3A_426 = arith.constant 0 : i32
        %dma_wait3A_427 = arith.constant 0 : i32
        %dma_wait3A_428 = tpu.memref_slice %arg6[%dma_wait3A_415, %dma_wait3A_426, %dma_wait3A_427] : memref<2x2x128xi32, #tpu.memory_space<vmem>> -> memref<1x2x128xi32, #tpu.memory_space<vmem>>
        %dma_wait3A_429 = tpu.memref_squeeze %dma_wait3A_428 : memref<1x2x128xi32, #tpu.memory_space<vmem>> -> memref<2x128xi32, #tpu.memory_space<vmem>>
        %dma_wait3A_430 = arith.constant 0 : i32
        %dma_wait3A_431 = arith.constant 0 : i32
        %dma_wait3A_432 = tpu.memref_slice %arg3[%dma_wait3A_430, %dma_wait3A_431] : memref<2560x128xi32, #tpu.memory_space<hbm>> -> memref<2x128xi32, #tpu.memory_space<hbm>>
        tpu.wait_dma2 semaphore(%dma_wait3A_425 : memref<!tpu.dma_semaphore, #tpu.memory_space<semaphore_mem>>) src(%dma_wait3A_432 : memref<2x128xi32, #tpu.memory_space<hbm>>) dst(%dma_wait3A_429 : memref<2x128xi32, #tpu.memory_space<vmem>>)
        %dma_wait3A_433 = arith.constant 1 : i32
        %dma_wait3A_434 = arith.constant 1 : i32
        %dma_wait3A_435 = arith.constant 0 : i32
        %dma_wait3A_436 = arith.constant 0 : i32
        %dma_wait3A_437 = tpu.memref_slice %arg7[%dma_wait3A_433, %dma_wait3A_435, %dma_wait3A_436] : memref<2x2x128xi32, #tpu.memory_space<vmem>> -> memref<1x2x128xi32, #tpu.memory_space<vmem>>
        %dma_wait3A_438 = tpu.memref_squeeze %dma_wait3A_437 : memref<1x2x128xi32, #tpu.memory_space<vmem>> -> memref<2x128xi32, #tpu.memory_space<vmem>>
        %dma_wait3A_439 = arith.constant 0 : i32
        %dma_wait3A_440 = arith.constant 0 : i32
        %dma_wait3A_441 = tpu.memref_slice %arg4[%dma_wait3A_439, %dma_wait3A_440] : memref<2560x128xi32, #tpu.memory_space<hbm>> -> memref<2x128xi32, #tpu.memory_space<hbm>>
        %dma_wait3A_442 = tpu.memref_slice %arg10[%dma_wait3A_434] : memref<2x!tpu.dma_semaphore, #tpu.memory_space<semaphore_mem>> -> memref<1x!tpu.dma_semaphore, #tpu.memory_space<semaphore_mem>>
        %dma_wait3A_443 = tpu.memref_squeeze %dma_wait3A_442 : memref<1x!tpu.dma_semaphore, #tpu.memory_space<semaphore_mem>> -> memref<!tpu.dma_semaphore, #tpu.memory_space<semaphore_mem>>
        %dma_wait3A_444 = arith.constant 0 : i32
        %dma_wait3A_445 = arith.constant 0 : i32
        %dma_wait3A_446 = tpu.memref_slice %arg7[%dma_wait3A_433, %dma_wait3A_444, %dma_wait3A_445] : memref<2x2x128xi32, #tpu.memory_space<vmem>> -> memref<1x2x128xi32, #tpu.memory_space<vmem>>
        %dma_wait3A_447 = tpu.memref_squeeze %dma_wait3A_446 : memref<1x2x128xi32, #tpu.memory_space<vmem>> -> memref<2x128xi32, #tpu.memory_space<vmem>>
        %dma_wait3A_448 = arith.constant 0 : i32
        %dma_wait3A_449 = arith.constant 0 : i32
        %dma_wait3A_450 = tpu.memref_slice %arg4[%dma_wait3A_448, %dma_wait3A_449] : memref<2560x128xi32, #tpu.memory_space<hbm>> -> memref<2x128xi32, #tpu.memory_space<hbm>>
        tpu.wait_dma2 semaphore(%dma_wait3A_443 : memref<!tpu.dma_semaphore, #tpu.memory_space<semaphore_mem>>) src(%dma_wait3A_450 : memref<2x128xi32, #tpu.memory_space<hbm>>) dst(%dma_wait3A_447 : memref<2x128xi32, #tpu.memory_space<vmem>>)
      } else {
      }
      %mul3A_267 = arith.constant 2 : i32
      %mul3A_268 = arith.muli %while3A_121, %mul3A_267 : i32
      %add3A_269 = arith.constant 1 : i32
      %add3A_270 = arith.addi %mul3A_268, %add3A_269 : i32
      %add3A_271 = arith.constant 1 : i32
      %add3A_272 = arith.addi %add3A_270, %add3A_271 : i32
      %mul3A_273 = arith.constant 2 : i32
      %mul3A_274 = arith.muli %mul3A_273, %select_n3A_10 : i32
      %lt3A_275 = arith.cmpi slt, %add3A_272, %mul3A_274 : i32
      %convert_element_type3A_276 = arith.extui %lt3A_275 : i1 to i32
      %cond3A_277 = arith.constant 0 : i32
      %cond3A_278 = arith.cmpi ne, %convert_element_type3A_276, %cond3A_277 : i32
      scf.if %cond3A_278 {
        %add3A_415 = arith.constant 1 : i32
        %add3A_416 = arith.addi %add3A_270, %add3A_415 : i32
        %mul3A_417 = arith.constant 2 : i32
        %mul3A_418 = arith.muli %add3A_416, %mul3A_417 : i32
        %add3A_419 = arith.addi %select_n3A, %mul3A_418 : i32
        %dma_start3A_420 = arith.constant 0 : i32
        %dma_start3A_421 = arith.constant 0 : i32
        %dma_start3A_422 = arith.constant 0 : i32
        %dma_start3A_423 = arith.constant 0 : i32
        %dma_start3A_424 = tpu.memref_slice %arg6[%dma_start3A_420, %dma_start3A_422, %dma_start3A_423] : memref<2x2x128xi32, #tpu.memory_space<vmem>> -> memref<1x2x128xi32, #tpu.memory_space<vmem>>
        %dma_start3A_425 = tpu.memref_squeeze %dma_start3A_424 : memref<1x2x128xi32, #tpu.memory_space<vmem>> -> memref<2x128xi32, #tpu.memory_space<vmem>>
        %dma_start3A_426 = arith.constant 0 : i32
        %dma_start3A_427 = tpu.memref_slice %arg3[%add3A_419, %dma_start3A_426] : memref<2560x128xi32, #tpu.memory_space<hbm>> -> memref<2x128xi32, #tpu.memory_space<hbm>>
        %dma_start3A_428 = tpu.memref_slice %arg10[%dma_start3A_421] : memref<2x!tpu.dma_semaphore, #tpu.memory_space<semaphore_mem>> -> memref<1x!tpu.dma_semaphore, #tpu.memory_space<semaphore_mem>>
        %dma_start3A_429 = tpu.memref_squeeze %dma_start3A_428 : memref<1x!tpu.dma_semaphore, #tpu.memory_space<semaphore_mem>> -> memref<!tpu.dma_semaphore, #tpu.memory_space<semaphore_mem>>
        %dma_start3A_430 = arith.constant 0 : i32
        %dma_start3A_431 = arith.constant 0 : i32
        %dma_start3A_432 = tpu.memref_slice %arg6[%dma_start3A_420, %dma_start3A_430, %dma_start3A_431] : memref<2x2x128xi32, #tpu.memory_space<vmem>> -> memref<1x2x128xi32, #tpu.memory_space<vmem>>
        %dma_start3A_433 = tpu.memref_squeeze %dma_start3A_432 : memref<1x2x128xi32, #tpu.memory_space<vmem>> -> memref<2x128xi32, #tpu.memory_space<vmem>>
        %dma_start3A_434 = arith.constant 0 : i32
        %dma_start3A_435 = tpu.memref_slice %arg3[%add3A_419, %dma_start3A_434] : memref<2560x128xi32, #tpu.memory_space<hbm>> -> memref<2x128xi32, #tpu.memory_space<hbm>>
        tpu.enqueue_dma source(%dma_start3A_435 : memref<2x128xi32, #tpu.memory_space<hbm>>) target(%dma_start3A_433 : memref<2x128xi32, #tpu.memory_space<vmem>>) target_semaphore(%dma_start3A_429 : memref<!tpu.dma_semaphore, #tpu.memory_space<semaphore_mem>>)
        %mul3A_436 = arith.constant 2 : i32
        %mul3A_437 = arith.muli %add3A_416, %mul3A_436 : i32
        %add3A_438 = arith.addi %select_n3A, %mul3A_437 : i32
        %dma_start3A_439 = arith.constant 0 : i32
        %dma_start3A_440 = arith.constant 0 : i32
        %dma_start3A_441 = arith.constant 0 : i32
        %dma_start3A_442 = arith.constant 0 : i32
        %dma_start3A_443 = tpu.memref_slice %arg7[%dma_start3A_439, %dma_start3A_441, %dma_start3A_442] : memref<2x2x128xi32, #tpu.memory_space<vmem>> -> memref<1x2x128xi32, #tpu.memory_space<vmem>>
        %dma_start3A_444 = tpu.memref_squeeze %dma_start3A_443 : memref<1x2x128xi32, #tpu.memory_space<vmem>> -> memref<2x128xi32, #tpu.memory_space<vmem>>
        %dma_start3A_445 = arith.constant 0 : i32
        %dma_start3A_446 = tpu.memref_slice %arg4[%add3A_438, %dma_start3A_445] : memref<2560x128xi32, #tpu.memory_space<hbm>> -> memref<2x128xi32, #tpu.memory_space<hbm>>
        %dma_start3A_447 = tpu.memref_slice %arg10[%dma_start3A_440] : memref<2x!tpu.dma_semaphore, #tpu.memory_space<semaphore_mem>> -> memref<1x!tpu.dma_semaphore, #tpu.memory_space<semaphore_mem>>
        %dma_start3A_448 = tpu.memref_squeeze %dma_start3A_447 : memref<1x!tpu.dma_semaphore, #tpu.memory_space<semaphore_mem>> -> memref<!tpu.dma_semaphore, #tpu.memory_space<semaphore_mem>>
        %dma_start3A_449 = arith.constant 0 : i32
        %dma_start3A_450 = arith.constant 0 : i32
        %dma_start3A_451 = tpu.memref_slice %arg7[%dma_start3A_439, %dma_start3A_449, %dma_start3A_450] : memref<2x2x128xi32, #tpu.memory_space<vmem>> -> memref<1x2x128xi32, #tpu.memory_space<vmem>>
        %dma_start3A_452 = tpu.memref_squeeze %dma_start3A_451 : memref<1x2x128xi32, #tpu.memory_space<vmem>> -> memref<2x128xi32, #tpu.memory_space<vmem>>
        %dma_start3A_453 = arith.constant 0 : i32
        %dma_start3A_454 = tpu.memref_slice %arg4[%add3A_438, %dma_start3A_453] : memref<2560x128xi32, #tpu.memory_space<hbm>> -> memref<2x128xi32, #tpu.memory_space<hbm>>
        tpu.enqueue_dma source(%dma_start3A_454 : memref<2x128xi32, #tpu.memory_space<hbm>>) target(%dma_start3A_452 : memref<2x128xi32, #tpu.memory_space<vmem>>) target_semaphore(%dma_start3A_448 : memref<!tpu.dma_semaphore, #tpu.memory_space<semaphore_mem>>)
      } else {
      }
      %dma_start3A_279 = arith.constant 1 : i32
      %dma_start3A_280 = arith.constant 0 : i32
      %dma_start3A_281 = arith.constant 0 : i32
      %dma_start3A_282 = arith.constant 0 : i32
      %dma_start3A_283 = arith.constant 0 : i32
      %dma_start3A_284 = arith.constant 0 : i32
      %dma_start3A_285 = tpu.memref_slice %arg8[%dma_start3A_281, %dma_start3A_283, %dma_start3A_284] : memref<2x128x128xf32, #tpu.memory_space<vmem>> -> memref<1x128x128xf32, #tpu.memory_space<vmem>>
      %dma_start3A_286 = tpu.memref_squeeze %dma_start3A_285 : memref<1x128x128xf32, #tpu.memory_space<vmem>> -> memref<128x128xf32, #tpu.memory_space<vmem>>
      %dma_start3A_287 = arith.constant 0 : i32
      %dma_start3A_288 = tpu.memref_slice %arg6[%dma_start3A_279, %dma_start3A_280, %dma_start3A_287] : memref<2x2x128xi32, #tpu.memory_space<vmem>> -> memref<1x1x128xi32, #tpu.memory_space<vmem>>
      %dma_start3A_289 = tpu.memref_squeeze %dma_start3A_288 : memref<1x1x128xi32, #tpu.memory_space<vmem>> -> memref<128xi32, #tpu.memory_space<vmem>>
      %dma_start3A_290 = arith.constant 0 : i32
      %dma_start3A_291 = arith.constant 0 : i32
      %dma_start3A_292 = tpu.memref_slice %arg2[%dma_start3A_290, %dma_start3A_291] : memref<10240x128xf32, #tpu.memory_space<hbm>> -> memref<10240x128xf32, #tpu.memory_space<hbm>>
      %dma_start3A_293 = tpu.memref_slice %arg11[%dma_start3A_282] : memref<2x!tpu.dma_semaphore, #tpu.memory_space<semaphore_mem>> -> memref<1x!tpu.dma_semaphore, #tpu.memory_space<semaphore_mem>>
      %dma_start3A_294 = tpu.memref_squeeze %dma_start3A_293 : memref<1x!tpu.dma_semaphore, #tpu.memory_space<semaphore_mem>> -> memref<!tpu.dma_semaphore, #tpu.memory_space<semaphore_mem>>
      tpu.enqueue_indirect_dma source(%dma_start3A_292 : memref<10240x128xf32, #tpu.memory_space<hbm>>) target(%dma_start3A_286 : memref<128x128xf32, #tpu.memory_space<vmem>>) offsets(%dma_start3A_289 : memref<128xi32, #tpu.memory_space<vmem>>) semaphore(%dma_start3A_294 : memref<!tpu.dma_semaphore, #tpu.memory_space<semaphore_mem>>)
      %dma_start3A_295 = arith.constant 1 : i32
      %dma_start3A_296 = arith.constant 1 : i32
      %dma_start3A_297 = arith.constant 1 : i32
      %dma_start3A_298 = arith.constant 1 : i32
      %dma_start3A_299 = arith.constant 0 : i32
      %dma_start3A_300 = arith.constant 0 : i32
      %dma_start3A_301 = tpu.memref_slice %arg8[%dma_start3A_297, %dma_start3A_299, %dma_start3A_300] : memref<2x128x128xf32, #tpu.memory_space<vmem>> -> memref<1x128x128xf32, #tpu.memory_space<vmem>>
      %dma_start3A_302 = tpu.memref_squeeze %dma_start3A_301 : memref<1x128x128xf32, #tpu.memory_space<vmem>> -> memref<128x128xf32, #tpu.memory_space<vmem>>
      %dma_start3A_303 = arith.constant 0 : i32
      %dma_start3A_304 = tpu.memref_slice %arg6[%dma_start3A_295, %dma_start3A_296, %dma_start3A_303] : memref<2x2x128xi32, #tpu.memory_space<vmem>> -> memref<1x1x128xi32, #tpu.memory_space<vmem>>
      %dma_start3A_305 = tpu.memref_squeeze %dma_start3A_304 : memref<1x1x128xi32, #tpu.memory_space<vmem>> -> memref<128xi32, #tpu.memory_space<vmem>>
      %dma_start3A_306 = arith.constant 0 : i32
      %dma_start3A_307 = arith.constant 0 : i32
      %dma_start3A_308 = tpu.memref_slice %arg2[%dma_start3A_306, %dma_start3A_307] : memref<10240x128xf32, #tpu.memory_space<hbm>> -> memref<10240x128xf32, #tpu.memory_space<hbm>>
      %dma_start3A_309 = tpu.memref_slice %arg11[%dma_start3A_298] : memref<2x!tpu.dma_semaphore, #tpu.memory_space<semaphore_mem>> -> memref<1x!tpu.dma_semaphore, #tpu.memory_space<semaphore_mem>>
      %dma_start3A_310 = tpu.memref_squeeze %dma_start3A_309 : memref<1x!tpu.dma_semaphore, #tpu.memory_space<semaphore_mem>> -> memref<!tpu.dma_semaphore, #tpu.memory_space<semaphore_mem>>
      tpu.enqueue_indirect_dma source(%dma_start3A_308 : memref<10240x128xf32, #tpu.memory_space<hbm>>) target(%dma_start3A_302 : memref<128x128xf32, #tpu.memory_space<vmem>>) offsets(%dma_start3A_305 : memref<128xi32, #tpu.memory_space<vmem>>) semaphore(%dma_start3A_310 : memref<!tpu.dma_semaphore, #tpu.memory_space<semaphore_mem>>)
      %dma_wait3A_311 = arith.constant 1 : i32
      %dma_wait3A_312 = arith.constant 0 : i32
      %dma_wait3A_313 = arith.constant 0 : i32
      %dma_wait3A_314 = arith.constant 0 : i32
      %dma_wait3A_315 = arith.constant 0 : i32
      %dma_wait3A_316 = arith.constant 0 : i32
      %dma_wait3A_317 = tpu.memref_slice %arg8[%dma_wait3A_313, %dma_wait3A_315, %dma_wait3A_316] : memref<2x128x128xf32, #tpu.memory_space<vmem>> -> memref<1x128x128xf32, #tpu.memory_space<vmem>>
      %dma_wait3A_318 = tpu.memref_squeeze %dma_wait3A_317 : memref<1x128x128xf32, #tpu.memory_space<vmem>> -> memref<128x128xf32, #tpu.memory_space<vmem>>
      %dma_wait3A_319 = arith.constant 0 : i32
      %dma_wait3A_320 = tpu.memref_slice %arg6[%dma_wait3A_311, %dma_wait3A_312, %dma_wait3A_319] : memref<2x2x128xi32, #tpu.memory_space<vmem>> -> memref<1x1x128xi32, #tpu.memory_space<vmem>>
      %dma_wait3A_321 = tpu.memref_squeeze %dma_wait3A_320 : memref<1x1x128xi32, #tpu.memory_space<vmem>> -> memref<128xi32, #tpu.memory_space<vmem>>
      %dma_wait3A_322 = arith.constant 0 : i32
      %dma_wait3A_323 = arith.constant 0 : i32
      %dma_wait3A_324 = tpu.memref_slice %arg2[%dma_wait3A_322, %dma_wait3A_323] : memref<10240x128xf32, #tpu.memory_space<hbm>> -> memref<10240x128xf32, #tpu.memory_space<hbm>>
      %dma_wait3A_325 = tpu.memref_slice %arg11[%dma_wait3A_314] : memref<2x!tpu.dma_semaphore, #tpu.memory_space<semaphore_mem>> -> memref<1x!tpu.dma_semaphore, #tpu.memory_space<semaphore_mem>>
      %dma_wait3A_326 = tpu.memref_squeeze %dma_wait3A_325 : memref<1x!tpu.dma_semaphore, #tpu.memory_space<semaphore_mem>> -> memref<!tpu.dma_semaphore, #tpu.memory_space<semaphore_mem>>
      tpu.wait_indirect_dma semaphore(%dma_wait3A_326 : memref<!tpu.dma_semaphore, #tpu.memory_space<semaphore_mem>>) src(%dma_wait3A_324 : memref<10240x128xf32, #tpu.memory_space<hbm>>) dst(%dma_wait3A_318 : memref<128x128xf32, #tpu.memory_space<vmem>>)
      %dma_start3A_327 = arith.constant 0 : i32
      %dma_start3A_328 = arith.constant 1 : i32
      %dma_start3A_329 = arith.constant 0 : i32
      %dma_start3A_330 = arith.constant 0 : i32
      %dma_start3A_331 = arith.constant 0 : i32
      %dma_start3A_332 = arith.constant 0 : i32
      %dma_start3A_333 = tpu.memref_slice %arg8[%dma_start3A_327, %dma_start3A_331, %dma_start3A_332] : memref<2x128x128xf32, #tpu.memory_space<vmem>> -> memref<1x128x128xf32, #tpu.memory_space<vmem>>
      %dma_start3A_334 = tpu.memref_squeeze %dma_start3A_333 : memref<1x128x128xf32, #tpu.memory_space<vmem>> -> memref<128x128xf32, #tpu.memory_space<vmem>>
      %dma_start3A_335 = arith.constant 0 : i32
      %dma_start3A_336 = tpu.memref_slice %arg7[%dma_start3A_328, %dma_start3A_329, %dma_start3A_335] : memref<2x2x128xi32, #tpu.memory_space<vmem>> -> memref<1x1x128xi32, #tpu.memory_space<vmem>>
      %dma_start3A_337 = tpu.memref_squeeze %dma_start3A_336 : memref<1x1x128xi32, #tpu.memory_space<vmem>> -> memref<128xi32, #tpu.memory_space<vmem>>
      %dma_start3A_338 = arith.constant 0 : i32
      %dma_start3A_339 = arith.constant 0 : i32
      %dma_start3A_340 = tpu.memref_slice %arg9[%dma_start3A_338, %dma_start3A_339] : memref<10240x128xf32, #tpu.memory_space<vmem_shared>> -> memref<10240x128xf32, #tpu.memory_space<vmem_shared>>
      %dma_start3A_341 = tpu.memref_slice %arg12[%dma_start3A_330] : memref<2x!tpu.dma_semaphore, #tpu.memory_space<semaphore_mem>> -> memref<1x!tpu.dma_semaphore, #tpu.memory_space<semaphore_mem>>
      %dma_start3A_342 = tpu.memref_squeeze %dma_start3A_341 : memref<1x!tpu.dma_semaphore, #tpu.memory_space<semaphore_mem>> -> memref<!tpu.dma_semaphore, #tpu.memory_space<semaphore_mem>>
      tpu.enqueue_indirect_dma source(%dma_start3A_334 : memref<128x128xf32, #tpu.memory_space<vmem>>) target(%dma_start3A_340 : memref<10240x128xf32, #tpu.memory_space<vmem_shared>>) offsets(%dma_start3A_337 : memref<128xi32, #tpu.memory_space<vmem>>) semaphore(%dma_start3A_342 : memref<!tpu.dma_semaphore, #tpu.memory_space<semaphore_mem>>) {add = true}
      %dma_wait3A_343 = arith.constant 1 : i32
      %dma_wait3A_344 = arith.constant 1 : i32
      %dma_wait3A_345 = arith.constant 1 : i32
      %dma_wait3A_346 = arith.constant 1 : i32
      %dma_wait3A_347 = arith.constant 0 : i32
      %dma_wait3A_348 = arith.constant 0 : i32
      %dma_wait3A_349 = tpu.memref_slice %arg8[%dma_wait3A_345, %dma_wait3A_347, %dma_wait3A_348] : memref<2x128x128xf32, #tpu.memory_space<vmem>> -> memref<1x128x128xf32, #tpu.memory_space<vmem>>
      %dma_wait3A_350 = tpu.memref_squeeze %dma_wait3A_349 : memref<1x128x128xf32, #tpu.memory_space<vmem>> -> memref<128x128xf32, #tpu.memory_space<vmem>>
      %dma_wait3A_351 = arith.constant 0 : i32
      %dma_wait3A_352 = tpu.memref_slice %arg6[%dma_wait3A_343, %dma_wait3A_344, %dma_wait3A_351] : memref<2x2x128xi32, #tpu.memory_space<vmem>> -> memref<1x1x128xi32, #tpu.memory_space<vmem>>
      %dma_wait3A_353 = tpu.memref_squeeze %dma_wait3A_352 : memref<1x1x128xi32, #tpu.memory_space<vmem>> -> memref<128xi32, #tpu.memory_space<vmem>>
      %dma_wait3A_354 = arith.constant 0 : i32
      %dma_wait3A_355 = arith.constant 0 : i32
      %dma_wait3A_356 = tpu.memref_slice %arg2[%dma_wait3A_354, %dma_wait3A_355] : memref<10240x128xf32, #tpu.memory_space<hbm>> -> memref<10240x128xf32, #tpu.memory_space<hbm>>
      %dma_wait3A_357 = tpu.memref_slice %arg11[%dma_wait3A_346] : memref<2x!tpu.dma_semaphore, #tpu.memory_space<semaphore_mem>> -> memref<1x!tpu.dma_semaphore, #tpu.memory_space<semaphore_mem>>
      %dma_wait3A_358 = tpu.memref_squeeze %dma_wait3A_357 : memref<1x!tpu.dma_semaphore, #tpu.memory_space<semaphore_mem>> -> memref<!tpu.dma_semaphore, #tpu.memory_space<semaphore_mem>>
      tpu.wait_indirect_dma semaphore(%dma_wait3A_358 : memref<!tpu.dma_semaphore, #tpu.memory_space<semaphore_mem>>) src(%dma_wait3A_356 : memref<10240x128xf32, #tpu.memory_space<hbm>>) dst(%dma_wait3A_350 : memref<128x128xf32, #tpu.memory_space<vmem>>)
      %dma_start3A_359 = arith.constant 1 : i32
      %dma_start3A_360 = arith.constant 1 : i32
      %dma_start3A_361 = arith.constant 1 : i32
      %dma_start3A_362 = arith.constant 1 : i32
      %dma_start3A_363 = arith.constant 0 : i32
      %dma_start3A_364 = arith.constant 0 : i32
      %dma_start3A_365 = tpu.memref_slice %arg8[%dma_start3A_359, %dma_start3A_363, %dma_start3A_364] : memref<2x128x128xf32, #tpu.memory_space<vmem>> -> memref<1x128x128xf32, #tpu.memory_space<vmem>>
      %dma_start3A_366 = tpu.memref_squeeze %dma_start3A_365 : memref<1x128x128xf32, #tpu.memory_space<vmem>> -> memref<128x128xf32, #tpu.memory_space<vmem>>
      %dma_start3A_367 = arith.constant 0 : i32
      %dma_start3A_368 = tpu.memref_slice %arg7[%dma_start3A_360, %dma_start3A_361, %dma_start3A_367] : memref<2x2x128xi32, #tpu.memory_space<vmem>> -> memref<1x1x128xi32, #tpu.memory_space<vmem>>
      %dma_start3A_369 = tpu.memref_squeeze %dma_start3A_368 : memref<1x1x128xi32, #tpu.memory_space<vmem>> -> memref<128xi32, #tpu.memory_space<vmem>>
      %dma_start3A_370 = arith.constant 0 : i32
      %dma_start3A_371 = arith.constant 0 : i32
      %dma_start3A_372 = tpu.memref_slice %arg9[%dma_start3A_370, %dma_start3A_371] : memref<10240x128xf32, #tpu.memory_space<vmem_shared>> -> memref<10240x128xf32, #tpu.memory_space<vmem_shared>>
      %dma_start3A_373 = tpu.memref_slice %arg12[%dma_start3A_362] : memref<2x!tpu.dma_semaphore, #tpu.memory_space<semaphore_mem>> -> memref<1x!tpu.dma_semaphore, #tpu.memory_space<semaphore_mem>>
      %dma_start3A_374 = tpu.memref_squeeze %dma_start3A_373 : memref<1x!tpu.dma_semaphore, #tpu.memory_space<semaphore_mem>> -> memref<!tpu.dma_semaphore, #tpu.memory_space<semaphore_mem>>
      tpu.enqueue_indirect_dma source(%dma_start3A_366 : memref<128x128xf32, #tpu.memory_space<vmem>>) target(%dma_start3A_372 : memref<10240x128xf32, #tpu.memory_space<vmem_shared>>) offsets(%dma_start3A_369 : memref<128xi32, #tpu.memory_space<vmem>>) semaphore(%dma_start3A_374 : memref<!tpu.dma_semaphore, #tpu.memory_space<semaphore_mem>>) {add = true}
      %dma_wait3A_375 = arith.constant 0 : i32
      %dma_wait3A_376 = arith.constant 1 : i32
      %dma_wait3A_377 = arith.constant 0 : i32
      %dma_wait3A_378 = arith.constant 0 : i32
      %dma_wait3A_379 = arith.constant 0 : i32
      %dma_wait3A_380 = arith.constant 0 : i32
      %dma_wait3A_381 = tpu.memref_slice %arg8[%dma_wait3A_375, %dma_wait3A_379, %dma_wait3A_380] : memref<2x128x128xf32, #tpu.memory_space<vmem>> -> memref<1x128x128xf32, #tpu.memory_space<vmem>>
      %dma_wait3A_382 = tpu.memref_squeeze %dma_wait3A_381 : memref<1x128x128xf32, #tpu.memory_space<vmem>> -> memref<128x128xf32, #tpu.memory_space<vmem>>
      %dma_wait3A_383 = arith.constant 0 : i32
      %dma_wait3A_384 = tpu.memref_slice %arg7[%dma_wait3A_376, %dma_wait3A_377, %dma_wait3A_383] : memref<2x2x128xi32, #tpu.memory_space<vmem>> -> memref<1x1x128xi32, #tpu.memory_space<vmem>>
      %dma_wait3A_385 = tpu.memref_squeeze %dma_wait3A_384 : memref<1x1x128xi32, #tpu.memory_space<vmem>> -> memref<128xi32, #tpu.memory_space<vmem>>
      %dma_wait3A_386 = arith.constant 0 : i32
      %dma_wait3A_387 = arith.constant 0 : i32
      %dma_wait3A_388 = tpu.memref_slice %arg9[%dma_wait3A_386, %dma_wait3A_387] : memref<10240x128xf32, #tpu.memory_space<vmem_shared>> -> memref<10240x128xf32, #tpu.memory_space<vmem_shared>>
      %dma_wait3A_389 = tpu.memref_slice %arg12[%dma_wait3A_378] : memref<2x!tpu.dma_semaphore, #tpu.memory_space<semaphore_mem>> -> memref<1x!tpu.dma_semaphore, #tpu.memory_space<semaphore_mem>>
      %dma_wait3A_390 = tpu.memref_squeeze %dma_wait3A_389 : memref<1x!tpu.dma_semaphore, #tpu.memory_space<semaphore_mem>> -> memref<!tpu.dma_semaphore, #tpu.memory_space<semaphore_mem>>
      tpu.wait_indirect_dma semaphore(%dma_wait3A_390 : memref<!tpu.dma_semaphore, #tpu.memory_space<semaphore_mem>>) src(%dma_wait3A_382 : memref<128x128xf32, #tpu.memory_space<vmem>>) dst(%dma_wait3A_388 : memref<10240x128xf32, #tpu.memory_space<vmem_shared>>)
      %dma_wait3A_391 = arith.constant 1 : i32
      %dma_wait3A_392 = arith.constant 1 : i32
      %dma_wait3A_393 = arith.constant 1 : i32
      %dma_wait3A_394 = arith.constant 1 : i32
      %dma_wait3A_395 = arith.constant 0 : i32
      %dma_wait3A_396 = arith.constant 0 : i32
      %dma_wait3A_397 = tpu.memref_slice %arg8[%dma_wait3A_391, %dma_wait3A_395, %dma_wait3A_396] : memref<2x128x128xf32, #tpu.memory_space<vmem>> -> memref<1x128x128xf32, #tpu.memory_space<vmem>>
      %dma_wait3A_398 = tpu.memref_squeeze %dma_wait3A_397 : memref<1x128x128xf32, #tpu.memory_space<vmem>> -> memref<128x128xf32, #tpu.memory_space<vmem>>
      %dma_wait3A_399 = arith.constant 0 : i32
      %dma_wait3A_400 = tpu.memref_slice %arg7[%dma_wait3A_392, %dma_wait3A_393, %dma_wait3A_399] : memref<2x2x128xi32, #tpu.memory_space<vmem>> -> memref<1x1x128xi32, #tpu.memory_space<vmem>>
      %dma_wait3A_401 = tpu.memref_squeeze %dma_wait3A_400 : memref<1x1x128xi32, #tpu.memory_space<vmem>> -> memref<128xi32, #tpu.memory_space<vmem>>
      %dma_wait3A_402 = arith.constant 0 : i32
      %dma_wait3A_403 = arith.constant 0 : i32
      %dma_wait3A_404 = tpu.memref_slice %arg9[%dma_wait3A_402, %dma_wait3A_403] : memref<10240x128xf32, #tpu.memory_space<vmem_shared>> -> memref<10240x128xf32, #tpu.memory_space<vmem_shared>>
      %dma_wait3A_405 = tpu.memref_slice %arg12[%dma_wait3A_394] : memref<2x!tpu.dma_semaphore, #tpu.memory_space<semaphore_mem>> -> memref<1x!tpu.dma_semaphore, #tpu.memory_space<semaphore_mem>>
      %dma_wait3A_406 = tpu.memref_squeeze %dma_wait3A_405 : memref<1x!tpu.dma_semaphore, #tpu.memory_space<semaphore_mem>> -> memref<!tpu.dma_semaphore, #tpu.memory_space<semaphore_mem>>
      tpu.wait_indirect_dma semaphore(%dma_wait3A_406 : memref<!tpu.dma_semaphore, #tpu.memory_space<semaphore_mem>>) src(%dma_wait3A_398 : memref<128x128xf32, #tpu.memory_space<vmem>>) dst(%dma_wait3A_404 : memref<10240x128xf32, #tpu.memory_space<vmem_shared>>)
      %add3A_407 = arith.constant 1 : i32
      %add3A_408 = arith.addi %add3A_270, %add3A_407 : i32
      %mul3A_409 = arith.constant 2 : i32
      %mul3A_410 = arith.muli %mul3A_409, %select_n3A_10 : i32
      %lt3A_411 = arith.cmpi slt, %add3A_408, %mul3A_410 : i32
      %convert_element_type3A_412 = arith.extui %lt3A_411 : i1 to i32
      %cond3A_413 = arith.constant 0 : i32
      %cond3A_414 = arith.cmpi ne, %convert_element_type3A_412, %cond3A_413 : i32
      scf.if %cond3A_414 {
        %dma_wait3A_415 = arith.constant 0 : i32
        %dma_wait3A_416 = arith.constant 0 : i32
        %dma_wait3A_417 = arith.constant 0 : i32
        %dma_wait3A_418 = arith.constant 0 : i32
        %dma_wait3A_419 = tpu.memref_slice %arg6[%dma_wait3A_415, %dma_wait3A_417, %dma_wait3A_418] : memref<2x2x128xi32, #tpu.memory_space<vmem>> -> memref<1x2x128xi32, #tpu.memory_space<vmem>>
        %dma_wait3A_420 = tpu.memref_squeeze %dma_wait3A_419 : memref<1x2x128xi32, #tpu.memory_space<vmem>> -> memref<2x128xi32, #tpu.memory_space<vmem>>
        %dma_wait3A_421 = arith.constant 0 : i32
        %dma_wait3A_422 = arith.constant 0 : i32
        %dma_wait3A_423 = tpu.memref_slice %arg3[%dma_wait3A_421, %dma_wait3A_422] : memref<2560x128xi32, #tpu.memory_space<hbm>> -> memref<2x128xi32, #tpu.memory_space<hbm>>
        %dma_wait3A_424 = tpu.memref_slice %arg10[%dma_wait3A_416] : memref<2x!tpu.dma_semaphore, #tpu.memory_space<semaphore_mem>> -> memref<1x!tpu.dma_semaphore, #tpu.memory_space<semaphore_mem>>
        %dma_wait3A_425 = tpu.memref_squeeze %dma_wait3A_424 : memref<1x!tpu.dma_semaphore, #tpu.memory_space<semaphore_mem>> -> memref<!tpu.dma_semaphore, #tpu.memory_space<semaphore_mem>>
        %dma_wait3A_426 = arith.constant 0 : i32
        %dma_wait3A_427 = arith.constant 0 : i32
        %dma_wait3A_428 = tpu.memref_slice %arg6[%dma_wait3A_415, %dma_wait3A_426, %dma_wait3A_427] : memref<2x2x128xi32, #tpu.memory_space<vmem>> -> memref<1x2x128xi32, #tpu.memory_space<vmem>>
        %dma_wait3A_429 = tpu.memref_squeeze %dma_wait3A_428 : memref<1x2x128xi32, #tpu.memory_space<vmem>> -> memref<2x128xi32, #tpu.memory_space<vmem>>
        %dma_wait3A_430 = arith.constant 0 : i32
        %dma_wait3A_431 = arith.constant 0 : i32
        %dma_wait3A_432 = tpu.memref_slice %arg3[%dma_wait3A_430, %dma_wait3A_431] : memref<2560x128xi32, #tpu.memory_space<hbm>> -> memref<2x128xi32, #tpu.memory_space<hbm>>
        tpu.wait_dma2 semaphore(%dma_wait3A_425 : memref<!tpu.dma_semaphore, #tpu.memory_space<semaphore_mem>>) src(%dma_wait3A_432 : memref<2x128xi32, #tpu.memory_space<hbm>>) dst(%dma_wait3A_429 : memref<2x128xi32, #tpu.memory_space<vmem>>)
        %dma_wait3A_433 = arith.constant 0 : i32
        %dma_wait3A_434 = arith.constant 0 : i32
        %dma_wait3A_435 = arith.constant 0 : i32
        %dma_wait3A_436 = arith.constant 0 : i32
        %dma_wait3A_437 = tpu.memref_slice %arg7[%dma_wait3A_433, %dma_wait3A_435, %dma_wait3A_436] : memref<2x2x128xi32, #tpu.memory_space<vmem>> -> memref<1x2x128xi32, #tpu.memory_space<vmem>>
        %dma_wait3A_438 = tpu.memref_squeeze %dma_wait3A_437 : memref<1x2x128xi32, #tpu.memory_space<vmem>> -> memref<2x128xi32, #tpu.memory_space<vmem>>
        %dma_wait3A_439 = arith.constant 0 : i32
        %dma_wait3A_440 = arith.constant 0 : i32
        %dma_wait3A_441 = tpu.memref_slice %arg4[%dma_wait3A_439, %dma_wait3A_440] : memref<2560x128xi32, #tpu.memory_space<hbm>> -> memref<2x128xi32, #tpu.memory_space<hbm>>
        %dma_wait3A_442 = tpu.memref_slice %arg10[%dma_wait3A_434] : memref<2x!tpu.dma_semaphore, #tpu.memory_space<semaphore_mem>> -> memref<1x!tpu.dma_semaphore, #tpu.memory_space<semaphore_mem>>
        %dma_wait3A_443 = tpu.memref_squeeze %dma_wait3A_442 : memref<1x!tpu.dma_semaphore, #tpu.memory_space<semaphore_mem>> -> memref<!tpu.dma_semaphore, #tpu.memory_space<semaphore_mem>>
        %dma_wait3A_444 = arith.constant 0 : i32
        %dma_wait3A_445 = arith.constant 0 : i32
        %dma_wait3A_446 = tpu.memref_slice %arg7[%dma_wait3A_433, %dma_wait3A_444, %dma_wait3A_445] : memref<2x2x128xi32, #tpu.memory_space<vmem>> -> memref<1x2x128xi32, #tpu.memory_space<vmem>>
        %dma_wait3A_447 = tpu.memref_squeeze %dma_wait3A_446 : memref<1x2x128xi32, #tpu.memory_space<vmem>> -> memref<2x128xi32, #tpu.memory_space<vmem>>
        %dma_wait3A_448 = arith.constant 0 : i32
        %dma_wait3A_449 = arith.constant 0 : i32
        %dma_wait3A_450 = tpu.memref_slice %arg4[%dma_wait3A_448, %dma_wait3A_449] : memref<2560x128xi32, #tpu.memory_space<hbm>> -> memref<2x128xi32, #tpu.memory_space<hbm>>
        tpu.wait_dma2 semaphore(%dma_wait3A_443 : memref<!tpu.dma_semaphore, #tpu.memory_space<semaphore_mem>>) src(%dma_wait3A_450 : memref<2x128xi32, #tpu.memory_space<hbm>>) dst(%dma_wait3A_447 : memref<2x128xi32, #tpu.memory_space<vmem>>)
      } else {
      }
    }
    %barrier3A_116 = arith.constant 0 : index
    tpu.barrier barrier_id(%barrier3A_116)
    "tpu.trace_stop"() : () -> ()
    "tpu.trace_start"() <{level = 10 : i32, message = "agg_wb"}> : () -> ()
    %mul3A_117 = arith.constant 640 : i32
    %mul3A_118 = arith.muli %arg1, %mul3A_117 : i32
    %mul3A_119 = arith.constant 640 : i32
    %mul3A_120 = arith.muli %arg1, %mul3A_119 : i32
    "tpu.region"() ({
      %run_scoped3A_121 = tpu.sem_alloc : memref<!tpu.dma_semaphore, #tpu.memory_space<semaphore_mem>>
      %dma_start3A_122 = arith.constant 0 : i32
      %dma_start3A_123 = tpu.memref_slice %arg5[%arg0, %mul3A_120, %dma_start3A_122] : memref<2x10240x128xf32, #tpu.memory_space<hbm>> -> memref<1x640x128xf32, #tpu.memory_space<hbm>>
      %dma_start3A_124 = tpu.memref_squeeze %dma_start3A_123 : memref<1x640x128xf32, #tpu.memory_space<hbm>> -> memref<640x128xf32, #tpu.memory_space<hbm>>
      %dma_start3A_125 = arith.constant 0 : i32
      %dma_start3A_126 = tpu.memref_slice %arg9[%mul3A_118, %dma_start3A_125] : memref<10240x128xf32, #tpu.memory_space<vmem_shared>> -> memref<640x128xf32, #tpu.memory_space<vmem_shared>>
      tpu.enqueue_dma source(%dma_start3A_126 : memref<640x128xf32, #tpu.memory_space<vmem_shared>>) target(%dma_start3A_124 : memref<640x128xf32, #tpu.memory_space<hbm>>) target_semaphore(%run_scoped3A_121 : memref<!tpu.dma_semaphore, #tpu.memory_space<semaphore_mem>>)
      %dma_wait3A_127 = arith.constant 0 : i32
      %dma_wait3A_128 = tpu.memref_slice %arg5[%arg0, %mul3A_120, %dma_wait3A_127] : memref<2x10240x128xf32, #tpu.memory_space<hbm>> -> memref<1x640x128xf32, #tpu.memory_space<hbm>>
      %dma_wait3A_129 = tpu.memref_squeeze %dma_wait3A_128 : memref<1x640x128xf32, #tpu.memory_space<hbm>> -> memref<640x128xf32, #tpu.memory_space<hbm>>
      %dma_wait3A_130 = arith.constant 0 : i32
      %dma_wait3A_131 = tpu.memref_slice %arg9[%mul3A_118, %dma_wait3A_130] : memref<10240x128xf32, #tpu.memory_space<vmem_shared>> -> memref<640x128xf32, #tpu.memory_space<vmem_shared>>
      tpu.wait_dma2 semaphore(%run_scoped3A_121 : memref<!tpu.dma_semaphore, #tpu.memory_space<semaphore_mem>>) src(%dma_wait3A_131 : memref<640x128xf32, #tpu.memory_space<vmem_shared>>) dst(%dma_wait3A_129 : memref<640x128xf32, #tpu.memory_space<hbm>>)
      tpu.yield
    }) : () -> ()
    "tpu.trace_stop"() : () -> ()
    return
  }
}

#map = affine_map<(d0, d1) -> (0, 0)>
module attributes {stable_mosaic.version = 14 : i64} {
  func.func @_sc_degrees(%arg0: i32, %arg1: i32, %arg2: memref<2560x128xi32, #tpu.memory_space<hbm>>, %arg3: memref<32x10240xf32, #tpu.memory_space<hbm>>, %arg4: memref<80x128xi32, #tpu.memory_space<vmem>>, %arg5: memref<10240xf32, #tpu.memory_space<vmem>>) attributes {dimension_semantics = [#tpu.dimension_semantics<core_parallel>, #tpu.dimension_semantics<subcore_parallel>], iteration_bounds = array<i64: 2, 16>, scalar_prefetch = 0 : i64, scratch_operands = 2 : i64, tpu.core_type = #tpu.core_type<sc_vector_subcore>, window_params = [{transform_indices = #map}, {transform_indices = #map}]} {
    %mul3A = arith.constant 2 : i32
    %mul3A_0 = arith.muli %arg1, %mul3A : i32
    %add3A = arith.addi %mul3A_0, %arg0 : i32
    %mul3A_1 = arith.constant 80 : i32
    %mul3A_2 = arith.muli %add3A, %mul3A_1 : i32
    "tpu.region"() ({
      %run_scoped3A = tpu.sem_alloc : memref<!tpu.dma_semaphore, #tpu.memory_space<semaphore_mem>>
      %dma_start3A = arith.constant 0 : i32
      %dma_start3A_17 = tpu.memref_slice %arg2[%mul3A_2, %dma_start3A] : memref<2560x128xi32, #tpu.memory_space<hbm>> -> memref<80x128xi32, #tpu.memory_space<hbm>>
      %dma_start3A_18 = arith.constant 0 : i32
      %dma_start3A_19 = tpu.memref_slice %arg2[%mul3A_2, %dma_start3A_18] : memref<2560x128xi32, #tpu.memory_space<hbm>> -> memref<80x128xi32, #tpu.memory_space<hbm>>
      tpu.enqueue_dma source(%dma_start3A_19 : memref<80x128xi32, #tpu.memory_space<hbm>>) target(%arg4 : memref<80x128xi32, #tpu.memory_space<vmem>>) target_semaphore(%run_scoped3A : memref<!tpu.dma_semaphore, #tpu.memory_space<semaphore_mem>>)
      %dma_wait3A = arith.constant 0 : i32
      %dma_wait3A_20 = tpu.memref_slice %arg2[%mul3A_2, %dma_wait3A] : memref<2560x128xi32, #tpu.memory_space<hbm>> -> memref<80x128xi32, #tpu.memory_space<hbm>>
      %dma_wait3A_21 = arith.constant 0 : i32
      %dma_wait3A_22 = tpu.memref_slice %arg2[%mul3A_2, %dma_wait3A_21] : memref<2560x128xi32, #tpu.memory_space<hbm>> -> memref<80x128xi32, #tpu.memory_space<hbm>>
      tpu.wait_dma2 semaphore(%run_scoped3A : memref<!tpu.dma_semaphore, #tpu.memory_space<semaphore_mem>>) src(%dma_wait3A_22 : memref<80x128xi32, #tpu.memory_space<hbm>>) dst(%arg4 : memref<80x128xi32, #tpu.memory_space<vmem>>)
      tpu.yield
    }) : () -> ()
    %broadcast_in_dim3A = arith.constant 0.000000e+00 : f32
    %broadcast_in_dim3A_3 = vector.broadcast %broadcast_in_dim3A : f32 to vector<16xf32>
    %broadcast_in_dim3A_4 = arith.constant 1.000000e+00 : f32
    %broadcast_in_dim3A_5 = vector.broadcast %broadcast_in_dim3A_4 : f32 to vector<16xf32>
    %scan3A = arith.constant 0 : i32
    %scan3A_6 = arith.constant 0 : i32
    %scan3A_7 = arith.constant 640 : i32
    %scan3A_8 = arith.addi %scan3A_6, %scan3A_7 : i32
    %scan3A_9 = arith.constant 1 : i32
    scf.for %scan3A_17 = %scan3A_6 to %scan3A_8 step %scan3A_9  : i32 {
      %mul3A_18 = arith.constant 16 : i32
      %mul3A_19 = arith.muli %scan3A_17, %mul3A_18 : i32
      %swap3A = arith.index_cast %mul3A_19 : i32 to index
      %swap3A_20 = tpu.vector_load %arg5[%swap3A] {strides = array<i32>} : memref<10240xf32, #tpu.memory_space<vmem>>, vector<16xf32>,
      tpu.vector_store %arg5[%swap3A], %broadcast_in_dim3A_3 {strides = array<i32>} : memref<10240xf32, #tpu.memory_space<vmem>>, vector<16xf32>,
    }
    %scan3A_10 = arith.constant 640 : i32
    %scan3A_11 = arith.constant 0 : i32
    %scan3A_12 = arith.constant 0 : i32
    %scan3A_13 = arith.constant 80 : i32
    %scan3A_14 = arith.addi %scan3A_12, %scan3A_13 : i32
    %scan3A_15 = arith.constant 1 : i32
    scf.for %scan3A_17 = %scan3A_12 to %scan3A_14 step %scan3A_15  : i32 {
      %get3A = arith.index_cast %scan3A_17 : i32 to index
      %get3A_18 = arith.constant 0 : index
      %get3A_19 = tpu.vector_load %arg4[%get3A, %get3A_18] {strides = array<i32>} : memref<80x128xi32, #tpu.memory_space<vmem>>, vector<16xi32>,
      tpu.vector_store_idx %arg5[%get3A_19], %broadcast_in_dim3A_5 {add = true} : memref<10240xf32, #tpu.memory_space<vmem>>[vector<16xi32>], vector<16xf32>,
      %get3A_20 = arith.index_cast %scan3A_17 : i32 to index
      %get3A_21 = arith.constant 16 : index
      %get3A_22 = tpu.vector_load %arg4[%get3A_20, %get3A_21] {strides = array<i32>} : memref<80x128xi32, #tpu.memory_space<vmem>>, vector<16xi32>,
      tpu.vector_store_idx %arg5[%get3A_22], %broadcast_in_dim3A_5 {add = true} : memref<10240xf32, #tpu.memory_space<vmem>>[vector<16xi32>], vector<16xf32>,
      %get3A_23 = arith.index_cast %scan3A_17 : i32 to index
      %get3A_24 = arith.constant 32 : index
      %get3A_25 = tpu.vector_load %arg4[%get3A_23, %get3A_24] {strides = array<i32>} : memref<80x128xi32, #tpu.memory_space<vmem>>, vector<16xi32>,
      tpu.vector_store_idx %arg5[%get3A_25], %broadcast_in_dim3A_5 {add = true} : memref<10240xf32, #tpu.memory_space<vmem>>[vector<16xi32>], vector<16xf32>,
      %get3A_26 = arith.index_cast %scan3A_17 : i32 to index
      %get3A_27 = arith.constant 48 : index
      %get3A_28 = tpu.vector_load %arg4[%get3A_26, %get3A_27] {strides = array<i32>} : memref<80x128xi32, #tpu.memory_space<vmem>>, vector<16xi32>,
      tpu.vector_store_idx %arg5[%get3A_28], %broadcast_in_dim3A_5 {add = true} : memref<10240xf32, #tpu.memory_space<vmem>>[vector<16xi32>], vector<16xf32>,
      %get3A_29 = arith.index_cast %scan3A_17 : i32 to index
      %get3A_30 = arith.constant 64 : index
      %get3A_31 = tpu.vector_load %arg4[%get3A_29, %get3A_30] {strides = array<i32>} : memref<80x128xi32, #tpu.memory_space<vmem>>, vector<16xi32>,
      tpu.vector_store_idx %arg5[%get3A_31], %broadcast_in_dim3A_5 {add = true} : memref<10240xf32, #tpu.memory_space<vmem>>[vector<16xi32>], vector<16xf32>,
      %get3A_32 = arith.index_cast %scan3A_17 : i32 to index
      %get3A_33 = arith.constant 80 : index
      %get3A_34 = tpu.vector_load %arg4[%get3A_32, %get3A_33] {strides = array<i32>} : memref<80x128xi32, #tpu.memory_space<vmem>>, vector<16xi32>,
      tpu.vector_store_idx %arg5[%get3A_34], %broadcast_in_dim3A_5 {add = true} : memref<10240xf32, #tpu.memory_space<vmem>>[vector<16xi32>], vector<16xf32>,
      %get3A_35 = arith.index_cast %scan3A_17 : i32 to index
      %get3A_36 = arith.constant 96 : index
      %get3A_37 = tpu.vector_load %arg4[%get3A_35, %get3A_36] {strides = array<i32>} : memref<80x128xi32, #tpu.memory_space<vmem>>, vector<16xi32>,
      tpu.vector_store_idx %arg5[%get3A_37], %broadcast_in_dim3A_5 {add = true} : memref<10240xf32, #tpu.memory_space<vmem>>[vector<16xi32>], vector<16xf32>,
      %get3A_38 = arith.index_cast %scan3A_17 : i32 to index
      %get3A_39 = arith.constant 112 : index
      %get3A_40 = tpu.vector_load %arg4[%get3A_38, %get3A_39] {strides = array<i32>} : memref<80x128xi32, #tpu.memory_space<vmem>>, vector<16xi32>,
      tpu.vector_store_idx %arg5[%get3A_40], %broadcast_in_dim3A_5 {add = true} : memref<10240xf32, #tpu.memory_space<vmem>>[vector<16xi32>], vector<16xf32>,
    }
    %scan3A_16 = arith.constant 80 : i32
    "tpu.region"() ({
      %run_scoped3A = tpu.sem_alloc : memref<!tpu.dma_semaphore, #tpu.memory_space<semaphore_mem>>
      %dma_start3A = arith.constant 0 : i32
      %dma_start3A_17 = tpu.memref_slice %arg3[%add3A, %dma_start3A] : memref<32x10240xf32, #tpu.memory_space<hbm>> -> memref<1x10240xf32, #tpu.memory_space<hbm>>
      %dma_start3A_18 = tpu.memref_squeeze %dma_start3A_17 : memref<1x10240xf32, #tpu.memory_space<hbm>> -> memref<10240xf32, #tpu.memory_space<hbm>>
      %dma_start3A_19 = arith.constant 0 : i32
      %dma_start3A_20 = tpu.memref_slice %arg3[%add3A, %dma_start3A_19] : memref<32x10240xf32, #tpu.memory_space<hbm>> -> memref<1x10240xf32, #tpu.memory_space<hbm>>
      %dma_start3A_21 = tpu.memref_squeeze %dma_start3A_20 : memref<1x10240xf32, #tpu.memory_space<hbm>> -> memref<10240xf32, #tpu.memory_space<hbm>>
      tpu.enqueue_dma source(%arg5 : memref<10240xf32, #tpu.memory_space<vmem>>) target(%dma_start3A_21 : memref<10240xf32, #tpu.memory_space<hbm>>) target_semaphore(%run_scoped3A : memref<!tpu.dma_semaphore, #tpu.memory_space<semaphore_mem>>)
      %dma_wait3A = arith.constant 0 : i32
      %dma_wait3A_22 = tpu.memref_slice %arg3[%add3A, %dma_wait3A] : memref<32x10240xf32, #tpu.memory_space<hbm>> -> memref<1x10240xf32, #tpu.memory_space<hbm>>
      %dma_wait3A_23 = tpu.memref_squeeze %dma_wait3A_22 : memref<1x10240xf32, #tpu.memory_space<hbm>> -> memref<10240xf32, #tpu.memory_space<hbm>>
      %dma_wait3A_24 = arith.constant 0 : i32
      %dma_wait3A_25 = tpu.memref_slice %arg3[%add3A, %dma_wait3A_24] : memref<32x10240xf32, #tpu.memory_space<hbm>> -> memref<1x10240xf32, #tpu.memory_space<hbm>>
      %dma_wait3A_26 = tpu.memref_squeeze %dma_wait3A_25 : memref<1x10240xf32, #tpu.memory_space<hbm>> -> memref<10240xf32, #tpu.memory_space<hbm>>
      tpu.wait_dma2 semaphore(%run_scoped3A : memref<!tpu.dma_semaphore, #tpu.memory_space<semaphore_mem>>) src(%arg5 : memref<10240xf32, #tpu.memory_space<vmem>>) dst(%dma_wait3A_26 : memref<10240xf32, #tpu.memory_space<hbm>>)
      tpu.yield
    }) : () -> ()
    return
  }
}

module attributes {stable_mosaic.version = 14 : i64} {
  func.func @body(%arg0: i32, %arg1: memref<1024x128xf32, #tpu.memory_space<vmem>>, %arg2: memref<32x1024xf32, #tpu.memory_space<vmem>>, %arg3: memref<128x128xf32, #tpu.memory_space<vmem>>, %arg4: memref<1024x128xf32, #tpu.memory_space<vmem>>) attributes {dimension_semantics = [#tpu.dimension_semantics<arbitrary>], iteration_bounds = array<i64: 10>, scalar_prefetch = 0 : i64, scratch_operands = 0 : i64, tpu.core_type = #tpu.core_type<tc>, window_params = [{transform_indices = @transform_0, window_bounds = array<i64: 1024, 128>}, {transform_indices = @transform_1, window_bounds = array<i64: 32, 1024>}, {pipeline_mode = #tpu.pipeline_mode<synchronous>, transform_indices = @transform_2, window_bounds = array<i64: 128, 128>}, {transform_indices = @transform_3, window_bounds = array<i64: 1024, 128>}]} {
    %get3A = arith.constant 0 : index
    %get3A_0 = arith.constant 0 : index
    %get3A_1 = vector.load %arg2[%get3A, %get3A_0] : memref<32x1024xf32, #tpu.memory_space<vmem>>, vector<32x1024xf32>
    %reduce_sum3A = arith.constant dense<0.000000e+00> : vector<1024xf32>
    %reduce_sum3A_2 = vector.multi_reduction <add>, %get3A_1, %reduce_sum3A [0] : vector<32x1024xf32> to vector<1024xf32>
    %max3A = arith.constant 1.000000e+00 : f32
    %max3A_3 = vector.broadcast %max3A : f32 to vector<1024xf32>
    %max3A_4 = arith.maximumf %reduce_sum3A_2, %max3A_3 : vector<1024xf32>
    %rsqrt3A = math.rsqrt %max3A_4 : vector<1024xf32>
    %get3A_5 = arith.constant 0 : index
    %get3A_6 = arith.constant 0 : index
    %get3A_7 = vector.load %arg1[%get3A_5, %get3A_6] : memref<1024x128xf32, #tpu.memory_space<vmem>>, vector<1024x128xf32>
    %broadcast_in_dim3A = vector.shape_cast %rsqrt3A : vector<1024xf32> to vector<1024x1xf32>
    %mul3A = vector.broadcast %broadcast_in_dim3A : vector<1024x1xf32> to vector<1024x128xf32>
    %mul3A_8 = arith.mulf %get3A_7, %mul3A : vector<1024x128xf32>
    %get3A_9 = arith.constant 0 : index
    %get3A_10 = arith.constant 0 : index
    %get3A_11 = vector.load %arg3[%get3A_9, %get3A_10] : memref<128x128xf32, #tpu.memory_space<vmem>>, vector<128x128xf32>
    %dot_general3A = arith.constant dense<0.000000e+00> : vector<1024x128xf32>
    %dot_general3A_12 = tpu.matmul %mul3A_8, %get3A_11, %dot_general3A {dimension_numbers = #tpu.dot_dimension_numbers<[1], [1], [0], [0], [0, 0, 1, 0], [], []>, transpose_lhs_hint = false} : vector<1024x128xf32>, vector<128x128xf32>, vector<1024x128xf32> -> vector<1024x128xf32>
    %swap3A = arith.constant 0 : index
    %swap3A_13 = arith.constant 0 : index
    %swap3A_14 = vector.load %arg4[%swap3A, %swap3A_13] : memref<1024x128xf32, #tpu.memory_space<vmem>>, vector<1024x128xf32>
    tpu.vector_store %arg4[%swap3A, %swap3A_13], %dot_general3A_12 {strides = array<i32>} : memref<1024x128xf32, #tpu.memory_space<vmem>>, vector<1024x128xf32>,
    return
  }
  func.func @transform_0(%arg0: i32) -> (i32, i32) {
    %c0_i32 = arith.constant 0 : i32
    %c0_i32_0 = arith.constant 0 : i32
    return %arg0, %c0_i32 : i32, i32
  }
  func.func @transform_1(%arg0: i32) -> (i32, i32) {
    %c0_i32 = arith.constant 0 : i32
    %c0_i32_0 = arith.constant 0 : i32
    return %c0_i32, %arg0 : i32, i32
  }
  func.func @transform_2(%arg0: i32) -> (i32, i32) {
    %c0_i32 = arith.constant 0 : i32
    %c0_i32_0 = arith.constant 0 : i32
    %c0_i32_1 = arith.constant 0 : i32
    return %c0_i32, %c0_i32_0 : i32, i32
  }
  func.func @transform_3(%arg0: i32) -> (i32, i32) {
    %c0_i32 = arith.constant 0 : i32
    %c0_i32_0 = arith.constant 0 : i32
    return %arg0, %c0_i32 : i32, i32
  }
}

module attributes {stable_mosaic.version = 14 : i64} {
  func.func @body(%arg0: i32, %arg1: memref<2x1000x128xf32, #tpu.memory_space<vmem>>, %arg2: memref<128x128xf32, #tpu.memory_space<vmem>>, %arg3: memref<1x128xf32, #tpu.memory_space<vmem>>, %arg4: memref<1000x128xf32, #tpu.memory_space<vmem>>) attributes {dimension_semantics = [#tpu.dimension_semantics<arbitrary>], iteration_bounds = array<i64: 10>, scalar_prefetch = 0 : i64, scratch_operands = 0 : i64, tpu.core_type = #tpu.core_type<tc>, window_params = [{transform_indices = @transform_0, window_bounds = array<i64: 2, 1000, 128>}, {pipeline_mode = #tpu.pipeline_mode<synchronous>, transform_indices = @transform_1, window_bounds = array<i64: 128, 128>}, {pipeline_mode = #tpu.pipeline_mode<synchronous>, transform_indices = @transform_2, window_bounds = array<i64: 1, 128>}, {transform_indices = @transform_3, window_bounds = array<i64: 1000, 128>}]} {
    %get3A = arith.constant 0 : index
    %get3A_0 = arith.constant 0 : index
    %get3A_1 = vector.load %arg3[%get3A, %get3A_0] : memref<1x128xf32, #tpu.memory_space<vmem>>, vector<1x128xf32>
    %get3A_2 = arith.constant 0 : index
    %get3A_3 = arith.constant 0 : index
    %get3A_4 = vector.load %arg2[%get3A_2, %get3A_3] : memref<128x128xf32, #tpu.memory_space<vmem>>, vector<128x128xf32>
    %reduce_sum3A = arith.constant dense<0.000000e+00> : vector<128xf32>
    %reduce_sum3A_5 = vector.multi_reduction <add>, %get3A_4, %reduce_sum3A [1] : vector<128x128xf32> to vector<128xf32>
    %broadcast_in_dim3A = vector.shape_cast %reduce_sum3A_5 : vector<128xf32> to vector<1x128xf32>
    %add3A = arith.addf %get3A_1, %broadcast_in_dim3A : vector<1x128xf32>
    %get3A_6 = arith.constant 0 : index
    %get3A_7 = arith.constant 0 : index
    %get3A_8 = arith.constant 0 : index
    %get3A_9 = vector.load %arg1[%get3A_6, %get3A_7, %get3A_8] : memref<2x1000x128xf32, #tpu.memory_space<vmem>>, vector<1x1000x128xf32>
    %get3A_10 = vector.shape_cast %get3A_9 : vector<1x1000x128xf32> to vector<1000x128xf32>
    %get3A_11 = arith.constant 1 : index
    %get3A_12 = arith.constant 0 : index
    %get3A_13 = arith.constant 0 : index
    %get3A_14 = vector.load %arg1[%get3A_11, %get3A_12, %get3A_13] : memref<2x1000x128xf32, #tpu.memory_space<vmem>>, vector<1x1000x128xf32>
    %get3A_15 = vector.shape_cast %get3A_14 : vector<1x1000x128xf32> to vector<1000x128xf32>
    %add3A_16 = arith.addf %get3A_10, %get3A_15 : vector<1000x128xf32>
    %add3A_17 = vector.broadcast %add3A : vector<1x128xf32> to vector<1000x128xf32>
    %add3A_18 = arith.addf %add3A_16, %add3A_17 : vector<1000x128xf32>
    %swap3A = arith.constant 0 : index
    %swap3A_19 = arith.constant 0 : index
    %swap3A_20 = vector.load %arg4[%swap3A, %swap3A_19] : memref<1000x128xf32, #tpu.memory_space<vmem>>, vector<1000x128xf32>
    tpu.vector_store %arg4[%swap3A, %swap3A_19], %add3A_18 {strides = array<i32>} : memref<1000x128xf32, #tpu.memory_space<vmem>>, vector<1000x128xf32>,
    return
  }
  func.func @transform_0(%arg0: i32) -> (i32, i32, i32) {
    %c0_i32 = arith.constant 0 : i32
    %c0_i32_0 = arith.constant 0 : i32
    %c0_i32_1 = arith.constant 0 : i32
    return %c0_i32, %arg0, %c0_i32_0 : i32, i32, i32
  }
  func.func @transform_1(%arg0: i32) -> (i32, i32) {
    %c0_i32 = arith.constant 0 : i32
    %c0_i32_0 = arith.constant 0 : i32
    %c0_i32_1 = arith.constant 0 : i32
    return %c0_i32, %c0_i32_0 : i32, i32
  }
  func.func @transform_2(%arg0: i32) -> (i32, i32) {
    %c0_i32 = arith.constant 0 : i32
    %c0_i32_0 = arith.constant 0 : i32
    %c0_i32_1 = arith.constant 0 : i32
    return %c0_i32, %c0_i32_0 : i32, i32
  }
  func.func @transform_3(%arg0: i32) -> (i32, i32) {
    %c0_i32 = arith.constant 0 : i32
    %c0_i32_0 = arith.constant 0 : i32
    return %arg0, %c0_i32 : i32, i32
  }
}

</mosaic_0001>

<sc_bundles>
// kernel: kernel.6.cloned.1.call-start
scs
__scs_entry_jumppad:
0x0: {  	(pc) =	sbr.rel $0x88, $3  }
0x1: {  	(tag) =	ssettag $0x0;
	lr =	simm.s32 $0x1  }
0x2: {  	[smem:$0x3F9D] =	sst lr;
	_ =	strace $0xD0000000  }
0x3: {  	_ = 	snop  }
0x4: {  	_ = 	snop  }
0x5: {  	_ = 	snop  }
0x6: {  	_ = 	snop  }
0x7: {  	_ = 	snop  }
__scs_overlays_trampoline_lowered:
0x8: {  	[smem:$0x3FAC] =	sst s0  }
0x9: {  	[smem:$0x3FAD] =	sst s1  }
0xa: {  	[smem:$0x3FAE] =	sst s2  }
0xb: {  	[smem:$0x3FAF] =	sst s3  }
0xc: {  	[smem:$0x3FB0] =	sst s4  }
0xd: {  	[smem:$0x3FB1] =	sst s5  }
0xe: {  	[smem:$0x3FB2] =	sst s6  }
0xf: {  	[smem:$0x3FB3] =	sst s7  }
0x10: {  	[smem:$0x3FB4] =	sst s8  }
0x11: {  	[smem:$0x3FB5] =	sst s9;
	s0 =	simm.s32 @!p0 $0x0  }
0x12: {  	s1 =	sld [smem:$0x3F9B];
	s0 =	simm.s32 @p0 $0x1  }
0x13: {  	[smem:$0x3FB6] =	sst s0;
	s0 =	simm.s32 @!p1 $0x0  }
0x14: {  	s2 =	sld [smem:$0x3F9A];
	s0 =	simm.s32 @p1 $0x1  }
0x15: {  	[smem:$0x3FB7] =	sst s0;
	s0 =	simm.s32 @!p2 $0x0  }
0x16: {  	s3 =	sld [smem:$0x3FDB];
	s0 =	simm.s32 @p2 $0x1  }
0x17: {  	s4 =	simm.s32 $0x1BF5;
	[smem:$0x3FB9] =	sst s0  }
0x18: {  	s0 =	sld [smem:$0x3F9C];
	_ =	swait.ge [sflag:s4], $0x0  }
0x19: {  	s7 =	sld [smem:$0x3F9D]  }
0x1a: {  	s8 =	sadd.s32 $0xFFFFE003, lr  }
0x1b: {  	s9 =	sadd.s32 $0xFFFFFEF7, lr;
	s5 =	simm.s32 $0xFFFFFFFF;
	p2 =	slt.u32 s8, $0xFFFFF086  }
0x1c: {  	p1 =	slt.u32 s9, $0xF7A;
	s5 =	simm.s32 @!p2 $0x0  }
0x1d: {  	s5 =	simm.s32 @p1 $0x1;
	p0 =	seq.s32 s7, s2  }
0x1e: {  	s7 =	smul.u32 @!p0 $0xF7A, s2;
	p2 =	seq.s32 @!p0 s5, $0x0  }
0x1f: {  	s9 =	smul.u32 $0xF7A, s1;
	s8 =	simm.s32 @!p0 $0x1BF5;
	p2 =	por !p2, p0  }
0x20: {  	[sflag:s8] =	ssyncset.s32 @!p0 $0xFFFFF086;
	s6 =	sadd.s32 @!p0 s3, s7;
	s7 =	simm.s32 @!p0 $0x108  }
0x21: {  	s3 =	sadd.s32 s3, s9;
	s6 =	sadd.s32 @!p0 $0x88, s6;
	s7 =	simm.s32 @p2 $0x1082  }
0x22: {  	[simem:s7], [sflag:s8] =	dma.local @!p0 [hbm:s6], $0xF7A  }
0x23: {  	s9 =	sor.u32 $0xD0000000, s2;
	s6 =	simm.s32 $0x108;
	_ =	swait.ge @!p0 [sflag:s8], $0x0  }
0x24: {  	s3 =	sadd.s32 $0x88, s3;
	s6 =	simm.s32 @!p1 $0x1082;
	[sflag:s4] =	ssyncset.s32 $0xFFFFF086  }
0x25: {  	[simem:s6], [sflag:s4] =	dma.local [hbm:s3], $0xF7A  }
0x26: {  	[smem:$0x3F9D] =	sst s1;
	(tag) =	ssettag s2;
	_ =	strace s9  }
0x27: {  	s1 =	sld [smem:$0x3FAD]  }
0x28: {  	s2 =	sld [smem:$0x3FAE]  }
0x29: {  	s4 =	sld [smem:$0x3FB0]  }
0x2a: {  	p0 =	seq.s32 s5, $0x0;
	s5 =	sld [smem:$0x3FB1]  }
0x2b: {  	s6 =	sld [smem:$0x3FB2]  }
0x2c: {  	s7 =	sld [smem:$0x3FB3]  }
0x2d: {  	s3 =	simm.s32 $0x108;
	s8 =	sld [smem:$0x3FB4]  }
0x2e: {  	s3 =	simm.s32 @!p0 $0x1082;
	s9 =	sld [smem:$0x3FB5]  }
0x2f: {  	lr =	sadd.s32 s0, s3;
	s0 =	sld [smem:$0x3FAC]  }
0x30: {  	s3 =	sld [smem:$0x3FAF]  }
0x31: {  	[smem:$0x3FB8] =	sst s10  }
0x32: {  	s10 =	sld [smem:$0x3FB6];
	_ =	sdelay $0x3  }
0x33: {  	p0 =	seq.s32 s10, $0x1;
	s10 =	sld [smem:$0x3FB8];
	_ =	sdelay $0x3  }
0x34: {  	[smem:$0x3FB8] =	sst s10  }
0x35: {  	s10 =	sld [smem:$0x3FB7];
	_ =	sdelay $0x3  }
0x36: {  	p1 =	seq.s32 s10, $0x1;
	s10 =	sld [smem:$0x3FB8];
	_ =	sdelay $0x3  }
0x37: {  	[smem:$0x3FB8] =	sst s10  }
0x38: {  	s10 =	sld [smem:$0x3FB9]  }
0x39: {  	_ = 	snop;
	(pc) =	sbr.ind lr, $3  }
0x3a: {  	_ = 	snop  }
0x3b: {  	_ = 	snop  }
0x3c: {  	p2 =	seq.s32 s10, $0x1;
	s10 =	sld [smem:$0x3FB8]  }
0x3d: {  	_ =	shalt  }
0x3e: {  	_ =	shalt  }
0x3f: {  	_ =	shalt  }
0x40: {  	_ =	shalt  }
0x41: {  	_ =	shalt  }
0x42: {  	_ =	shalt  }
0x43: {  	_ =	shalt  }
0x44: {  	_ =	shalt  }
0x45: {  	_ =	shalt  }
0x46: {  	_ =	shalt  }
0x47: {  	_ =	shalt  }
0x48: {  	_ =	shalt  }
0x49: {  	_ =	shalt  }
0x4a: {  	_ =	shalt  }
0x4b: {  	_ =	shalt  }
0x4c: {  	_ =	shalt  }
0x4d: {  	_ =	shalt  }
0x4e: {  	_ =	shalt  }
0x4f: {  	_ =	shalt  }
0x50: {  	_ =	shalt  }
0x51: {  	_ =	shalt  }
0x52: {  	_ =	shalt  }
0x53: {  	_ =	shalt  }
0x54: {  	_ =	shalt  }
0x55: {  	_ =	shalt  }
0x56: {  	_ =	shalt  }
0x57: {  	_ =	shalt  }
0x58: {  	_ =	shalt  }
0x59: {  	_ =	shalt  }
0x5a: {  	_ =	shalt  }
0x5b: {  	_ =	shalt  }
0x5c: {  	_ =	shalt  }
0x5d: {  	_ =	shalt  }
0x5e: {  	_ =	shalt  }
0x5f: {  	_ =	shalt  }
0x60: {  	_ =	shalt  }
0x61: {  	_ =	shalt  }
0x62: {  	_ =	shalt  }
0x63: {  	_ =	shalt  }
0x64: {  	_ =	shalt  }
0x65: {  	_ =	shalt  }
0x66: {  	_ =	shalt  }
0x67: {  	_ =	shalt  }
0x68: {  	_ =	shalt  }
0x69: {  	_ =	shalt  }
0x6a: {  	_ =	shalt  }
0x6b: {  	_ =	shalt  }
0x6c: {  	_ =	shalt  }
0x6d: {  	_ =	shalt  }
0x6e: {  	_ =	shalt  }
0x6f: {  	_ =	shalt  }
0x70: {  	_ =	shalt  }
0x71: {  	_ =	shalt  }
0x72: {  	_ =	shalt  }
0x73: {  	_ =	shalt  }
0x74: {  	_ =	shalt  }
0x75: {  	_ =	shalt  }
0x76: {  	_ =	shalt  }
0x77: {  	_ =	shalt  }
0x78: {  	_ =	shalt  }
0x79: {  	_ =	shalt  }
0x7a: {  	_ =	shalt  }
0x7b: {  	_ =	shalt  }
0x7c: {  	_ =	shalt  }
0x7d: {  	_ =	shalt  }
0x7e: {  	_ =	shalt  }
0x7f: {  	_ =	shalt  }
0x80: {  	_ =	shalt  }
0x81: {  	_ =	shalt  }
0x82: {  	_ =	shalt  }
0x83: {  	_ =	shalt  }
0x84: {  	_ =	shalt  }
0x85: {  	_ =	shalt  }
0x86: {  	_ =	shalt  }
0x87: {  	_ =	shalt  }
.Lfunc_end0:
.L_simem_size_0:
called_computation_lowered:
.L_overlay_start_0:
0x88: {  	s2 =	sld [smem:$0x3FD9]  }
0x89: {  	s3 =	sld [smem:$0x3FFE];
	_ =	sdelay $0x1  }
0x8a: {  	s1 =	srdreg.scid  }
0x8b: {  	s0 =	sand.u32 $0x1, s1  }
0x8c: {  	s16 =	sshll.u32 s0, $0xA;
	s2 =	sadd.s32 s3, s2  }
0x8d: {  	s2 =	sadd.s32 s2, s16  }
0x8e: {  	[smem:$0x3FC4] =	sst s2  }
0x8f: {  	_ = 	snop  }
0x90: {  	(tm) =	ssettm $0x1  }
0x91: {  	s17 =	sld [smem:$0x3FFB];
	_ =	sdelay $0x3  }
0x92: {  	_ =	strace s17  }
0x93: {  	s2 =	sld [smem:$0x3FFC];
	_ =	sdelay $0x3  }
0x94: {  	_ =	strace s2  }
0x95: {  	s2 =	sld [smem:$0x3FFD];
	_ =	sdelay $0x3  }
0x96: {  	_ =	strace s2  }
0x97: {  	_ =	strace $0x8FFFFFFF  }
0x98: {  	s18 =	sld [smem:$0x3FDB];
	_ =	sdelay $0x1  }
0x99: {  	s19 =	simm.s32 $_scs_section_size  }
0x9a: {  	s4 =	simm.s32 $_size__tile_overlayer_lowered;
	s5 =	simm.s32 $_tile_overlayer_lowered  }
0x9b: {  	s22 =	simm.s32 $0x1BFF;
	s21 =	sshll.u32 s5, $0x1;
	s2 =	sadd.s32 s19, s18  }
0x9c: {  	s6 =	simm.s32 $0x0;
	s20 =	sshll.u32 s4, $0x1;
	s4 =	sadd.s32 s21, s2  }
0x9d: {  	[timem:s6], [sflag:s22] =	dma.local [hbm:s4], s20  }
0x9e: {  	_ =	swait.ge [sflag:s22], s20  }
0x9f: {  	s3 =	ssub.s32 $0x0, s20;
	[sflag:s22] =	ssyncset.done $0x0  }
0xa0: {  	[sflag:s22] =	ssyncadd.s32 s3;
	_ =	sdelay $0x1  }
0xa1: {  	s23 =	simm.s32 $0x1B8B  }
0xa2: {  	_ =	swait.ge [sflag:s23], $0x1  }
0xa3: {  	[sflag:s23] =	ssyncset.done $0x0  }
0xa4: {  	s25 =	simm.s32 $0x1B8E;
	s24 =	sld [smem:$0x3FFE];
	[sflag:s23] =	ssyncadd.s32 $0xFFFFFFFF  }
0xa5: {  	s26 =	simm.s32 $execute0_lowered;
	[smem:$0x3FD2] =	sst s25  }
0xa6: {  	s4 =	sshll.u32 s26, $0x1;
	_ =	strace $0x80000046;
	[dreg:$0x1] =	wrdreg $0xFFFFFFFF  }
0xa7: {  	s28 =	simm.s32 $_size_execute0_lowered;
	s2 =	sadd.s32 s2, s4;
	[dreg:$0x0] =	wrdreg $0x0  }
0xa8: {  	s4 =	sshll.u32 s28, $0x1;
	[dreg:$0x2] =	wrdreg s2  }
0xa9: {  	[dreg:$0x3] =	wrdreg s4  }
0xaa: {  	[dreg:$0x4] =	wrdreg $0xC0  }
0xab: {  	_ =	task [dreg:s6], $0x5FFFF  }
0xac: {  	[dreg:$0x1] =	wrdreg $0xFFFFFFFF  }
0xad: {  	[dreg:$0x0] =	wrdreg $0x60  }
0xae: {  	[dreg:$0x2] =	wrdreg s24  }
0xaf: {  	[dreg:$0x3] =	wrdreg $0x9  }
0xb0: {  	_ =	task.clear_ibuf [dreg:s6], $0x4FFFF;
	_ =	strace $0x90000046  }
0xb1: {  	s29 =	simm.s32 $0x9;
	_ =	strace $0x80000048  }
0xb2: {  	_ =	swait.ge [sflag:s29], $0x1  }
0xb3: {  	[sflag:s29] =	ssyncadd.s32 $0xFFFFFFFF  }
0xb4: {  	_ =	strace $0x90000048  }
0xb5: {  	_ =	sfence  }
0xb6: {  	s30 =	sld [smem:$0x0];
	_ =	sdelay $0x2  }
0xb7: {  	s31 =	sshll.u32 s1, $0xD;
	s1 =	sshrl.u32 s1, $0x2  }
0xb8: {  	s3 =	sand.u32 $0x4000, s31;
	s1 =	sadd.s32 s1, s30  }
0xb9: {  	s0 =	sor.u32 s3, s0;
	s1 =	sshll.u32 s1, $0x11  }
0xba: {  	s0 =	sor.u32 s1, s0  }
0xbb: {  	s0 =	sadd.s32 $0x8F2B, s0  }
0xbc: {  	[sflag:s0] =	ssyncadd.remote.s32 $0x1  }
0xbd: {  	_ =	sfence.sel $0xFFFF  }
0xbe: {  	[dreg:$0x0] =	wrdreg $0xFFFFFFFF;
	(pc) =	sbr.abs _section_cstart, $3  }
0xbf: {  	[dreg:$0x1] =	wrdreg $0xFFFFFFFF  }
0xc0: {  	_ =	task.clear_ibuf [dreg:s6], $0x2FFFF;
	_ =	strace $0x9FFFFFFF  }
0xc1: {  	(tm) =	ssettm $0x7FFFFFFF  }
tec
execute0_lowered:
.L_overlay_start_1:
0x0: {  	(tag) =	ssettag $0x1  }
0x1: {  	s1 =	srdreg.scid  }
0x2: {  	s0 =	stileid.u32;
	s5 =	rddreg [dreg:$0x0]  }
0x3: {  	s2 =	simm.s32 $0x0;
	s8 =	simm.s32 $0x80;
	s9 =	simm.s32 $0x400  }
0x4: {  	s10 =	simm.s32 $0x0;
	s3 =	sand.u32 $0x1, s1;
	s29 =	sshll.u32 s0, $0x1  }
0x5: {  	s30 =	sshrl.u32 s0, $0x2;
	s1 =	rddreg [dreg:$0x1];
	s4 =	sor.u32 s3, s29  }
0x6: {  	[smem:$0x7FF] =	sst s2;
	s6 =	smul.u32 $0x14000, s30;
	s7 =	sshll.u32 s4, $0x7  }
0x7: {  	s3 =	ssub.s32 $0x2, s3;
	s4 =	smul.u32 $0x500, s4;
	s7 =	sand.u32 $0x380, s7  }
0x8: {  	_ =	strace $0x80000047;
	s31 =	sshrl.u32 s3, $0x1;
	s6 =	sor.u32 s6, s7  }
0x9: {  	s4 =	sadd.s32 s4, s5;
	s7 =	simm.s32 $0x2800;
	s6 =	sshrl.u32 s6, $0x3  }
0xa: {  	s5 =	sadd.s32 s6, s5;
	s6 =	ssub.s32 s3, s31;
	s3 =	sadd.s32 $0x1400, s4  }
0xb: {  	v0 =	vimm.f32 $0.0e+00;
	v1 =	vimm.f32 $1.000000000e+00;
	s4 =	sadd.s32 $0xB400, s5;
	s5 =	smax.u32 s6, $0x1;
	s6 =	simm.s32 $0x1  }
.LBB2_1:
0xc: {  	[tilespmem:s2], [sflag:$0x1] =	stream.linear.gather [hbm4b:s3+s2], $0x2800, $0x38;
	[tilespmem:$0x5000] =	vst v63  }
0xd: {  	_ =	swait.ge [sflag:s6], $0x2800  }
0xe: {  	[sflag:s6] =	ssyncset.done $0x0  }
0xf: {  	s11 =	simm.s32 $0x0;
	[sflag:s6] =	ssyncadd.s32 $0xFFFFD800  }
.LBB2_2:
0x10: {  	p0 =	sne.s32 s11, $0x9FC0  }
.Ltmp0:
0x11: {  	_ = 	snop;
	(pc) =	sbr.rel @p0 .LBB2_2-.Ltmp0, $3  }
0x12: {  	_ =	sdelay $0x1  }
0x13: {  	s12 =	sshra.s32 s11, $0x2  }
0x14: {  	s11 =	sadd.s32 $0x40, s11;
	[tilespmem:s12+$0x2800] =	vst v0  }
0x15: {  	s11 =	simm.s32 $0x0  }
.LBB2_4:
0x16: {  	s12 =	sshra.s32 s11, $0x2  }
0x17: {  	v2 =	vld [tilespmem:s12+$0x0];
	_ =	sdelay $0x7  }
0x18: {  	[tilespmem:v2+s7+$0x0] =	vst.idx.add.f32.msk $0xffff, v1  }
0x19: {  	v2 =	vld [tilespmem:s12+$0x10];
	_ =	sdelay $0x7  }
0x1a: {  	[tilespmem:v2+s7+$0x0] =	vst.idx.add.f32.msk $0xffff, v1  }
0x1b: {  	v2 =	vld [tilespmem:s12+$0x20];
	_ =	sdelay $0x7  }
0x1c: {  	[tilespmem:v2+s7+$0x0] =	vst.idx.add.f32.msk $0xffff, v1  }
0x1d: {  	v2 =	vld [tilespmem:s12+$0x30];
	_ =	sdelay $0x7  }
0x1e: {  	[tilespmem:v2+s7+$0x0] =	vst.idx.add.f32.msk $0xffff, v1  }
0x1f: {  	v2 =	vld [tilespmem:s12+$0x40];
	_ =	sdelay $0x7  }
0x20: {  	[tilespmem:v2+s7+$0x0] =	vst.idx.add.f32.msk $0xffff, v1  }
0x21: {  	v2 =	vld [tilespmem:s12+$0x50];
	_ =	sdelay $0x7  }
0x22: {  	[tilespmem:v2+s7+$0x0] =	vst.idx.add.f32.msk $0xffff, v1  }
0x23: {  	v2 =	vld [tilespmem:s12+$0x60];
	_ =	sdelay $0x7  }
0x24: {  	[tilespmem:v2+s7+$0x0] =	vst.idx.add.f32.msk $0xffff, v1  }
0x25: {  	v2 =	vld [tilespmem:s12+$0x70];
	_ =	sdelay $0x2  }
0x26: {  	p0 =	sne.s32 s11, $0x9E00  }
.Ltmp1:
0x27: {  	_ = 	snop;
	(pc) =	sbr.rel @p0 .LBB2_4-.Ltmp1, $2  }
0x28: {  	_ =	sdelay $0x2  }
0x29: {  	s11 =	sadd.s32 $0x200, s11;
	[tilespmem:v2+s7+$0x0] =	vst.idx.add.f32.msk $0xffff, v1  }
0x2a: {  	s10 =	sadd.s32 $0x1, s10  }
0x2b: {  	p0 =	sne.s32 s10, s5  }
.Ltmp2:
0x2c: {  	_ = 	snop;
	(pc) =	sbr.rel @p0 .LBB2_1-.Ltmp2, $4  }
0x2d: {  	[hbm4b:s4+s8] =	stream.strided.scatter [tilespmem:s7], [sflag:$0x1], $0x2800, s9, s8, $0x38;
	[tilespmem:$0x5000] =	vst v63  }
0x2e: {  	_ =	swait.ge [sflag:s6], $0x2800  }
0x2f: {  	[sflag:s6] =	ssyncset.done $0x0  }
0x30: {  	[sflag:s6] =	ssyncadd.s32 $0xFFFFD800  }
0x31: {  	_ =	sfence.sel $0x180000  }
0x32: {  	[bflag:$0x0] =	sbarrier.arrive $0xFFFF  }
0x33: {  	p0 =	sne.s32 s0, $0x0;
	_ =	strace $0x90000047  }
0x34: {  	s0 =	sadd.s32 @!p0 $0x100000, s1;
	[bflag:$0x2] =	sbarrier.arrive $0xFFFF  }
0x35: {  	[sflag:s0] =	ssyncadd.tile.s32 @!p0 $0x1;
	_ =	shalt  }
.Lfunc_end2:
_tile_overlayer_lowered:
.L_overlay_start_2:
0x36: {  	(tag) =	ssettag $0x2  }
0x37: {  	s0 =	rddreg [dreg:$0x0];
	s2 =	stileid.u32  }
0x38: {  	s1 =	rddreg [dreg:$0x1];
	p0 =	sne.s32 s2, $0x0  }
0x39: {  	s3 =	rddreg [dreg:$0x2];
	[bflag:$0x3] =	sbarrier.arrive $0xFFFF;
	s2 =	simm.s32 @!p0 $0x1C01  }
0x3a: {  	[timem:s3], [sflag:s2] =	dma.local @!p0 [hbm:s0], s1  }
0x3b: {  	s0 =	simm.s32 @!p0 $0x1  }
0x3c: {  	_ =	swait.ge @!p0 [sflag:s0], s1  }
0x3d: {  	s1 =	ssub.s32 @!p0 $0x0, s1;
	[sflag:s0] =	ssyncset.done @!p0 $0x0  }
0x3e: {  	[sflag:s0] =	ssyncadd.s32 @!p0 s1  }
0x3f: {  	[bflag:$0x3] =	sbarrier.arrive $0xFFFF  }
0x40: {  	_ =	shalt  }

// kernel: kernel.9.cloned.1.call-start
scs
__scs_entry_jumppad:
0x0: {  	(pc) =	sbr.rel $0x88, $3  }
0x1: {  	(tag) =	ssettag $0x0;
	lr =	simm.s32 $0x1  }
0x2: {  	[smem:$0x3F9D] =	sst lr;
	_ =	strace $0xD0000000  }
0x3: {  	_ = 	snop  }
0x4: {  	_ = 	snop  }
0x5: {  	_ = 	snop  }
0x6: {  	_ = 	snop  }
0x7: {  	_ = 	snop  }
__scs_overlays_trampoline_lowered:
0x8: {  	[smem:$0x3FAC] =	sst s0  }
0x9: {  	[smem:$0x3FAD] =	sst s1  }
0xa: {  	[smem:$0x3FAE] =	sst s2  }
0xb: {  	[smem:$0x3FAF] =	sst s3  }
0xc: {  	[smem:$0x3FB0] =	sst s4  }
0xd: {  	[smem:$0x3FB1] =	sst s5  }
0xe: {  	[smem:$0x3FB2] =	sst s6  }
0xf: {  	[smem:$0x3FB3] =	sst s7  }
0x10: {  	[smem:$0x3FB4] =	sst s8  }
0x11: {  	[smem:$0x3FB5] =	sst s9;
	s0 =	simm.s32 @!p0 $0x0  }
0x12: {  	s1 =	sld [smem:$0x3F9B];
	s0 =	simm.s32 @p0 $0x1  }
0x13: {  	[smem:$0x3FB6] =	sst s0;
	s0 =	simm.s32 @!p1 $0x0  }
0x14: {  	s2 =	sld [smem:$0x3F9A];
	s0 =	simm.s32 @p1 $0x1  }
0x15: {  	[smem:$0x3FB7] =	sst s0;
	s0 =	simm.s32 @!p2 $0x0  }
0x16: {  	s3 =	sld [smem:$0x3FDB];
	s0 =	simm.s32 @p2 $0x1  }
0x17: {  	s4 =	simm.s32 $0x1BF5;
	[smem:$0x3FB9] =	sst s0  }
0x18: {  	s0 =	sld [smem:$0x3F9C];
	_ =	swait.ge [sflag:s4], $0x0  }
0x19: {  	s7 =	sld [smem:$0x3F9D]  }
0x1a: {  	s8 =	sadd.s32 $0xFFFFE003, lr  }
0x1b: {  	s9 =	sadd.s32 $0xFFFFFEF7, lr;
	s5 =	simm.s32 $0xFFFFFFFF;
	p2 =	slt.u32 s8, $0xFFFFF086  }
0x1c: {  	p1 =	slt.u32 s9, $0xF7A;
	s5 =	simm.s32 @!p2 $0x0  }
0x1d: {  	s5 =	simm.s32 @p1 $0x1;
	p0 =	seq.s32 s7, s2  }
0x1e: {  	s7 =	smul.u32 @!p0 $0xF7A, s2;
	p2 =	seq.s32 @!p0 s5, $0x0  }
0x1f: {  	s9 =	smul.u32 $0xF7A, s1;
	s8 =	simm.s32 @!p0 $0x1BF5;
	p2 =	por !p2, p0  }
0x20: {  	[sflag:s8] =	ssyncset.s32 @!p0 $0xFFFFF086;
	s6 =	sadd.s32 @!p0 s3, s7;
	s7 =	simm.s32 @!p0 $0x108  }
0x21: {  	s3 =	sadd.s32 s3, s9;
	s6 =	sadd.s32 @!p0 $0x88, s6;
	s7 =	simm.s32 @p2 $0x1082  }
0x22: {  	[simem:s7], [sflag:s8] =	dma.local @!p0 [hbm:s6], $0xF7A  }
0x23: {  	s9 =	sor.u32 $0xD0000000, s2;
	s6 =	simm.s32 $0x108;
	_ =	swait.ge @!p0 [sflag:s8], $0x0  }
0x24: {  	s3 =	sadd.s32 $0x88, s3;
	s6 =	simm.s32 @!p1 $0x1082;
	[sflag:s4] =	ssyncset.s32 $0xFFFFF086  }
0x25: {  	[simem:s6], [sflag:s4] =	dma.local [hbm:s3], $0xF7A  }
0x26: {  	[smem:$0x3F9D] =	sst s1;
	(tag) =	ssettag s2;
	_ =	strace s9  }
0x27: {  	s1 =	sld [smem:$0x3FAD]  }
0x28: {  	s2 =	sld [smem:$0x3FAE]  }
0x29: {  	s4 =	sld [smem:$0x3FB0]  }
0x2a: {  	p0 =	seq.s32 s5, $0x0;
	s5 =	sld [smem:$0x3FB1]  }
0x2b: {  	s6 =	sld [smem:$0x3FB2]  }
0x2c: {  	s7 =	sld [smem:$0x3FB3]  }
0x2d: {  	s3 =	simm.s32 $0x108;
	s8 =	sld [smem:$0x3FB4]  }
0x2e: {  	s3 =	simm.s32 @!p0 $0x1082;
	s9 =	sld [smem:$0x3FB5]  }
0x2f: {  	lr =	sadd.s32 s0, s3;
	s0 =	sld [smem:$0x3FAC]  }
0x30: {  	s3 =	sld [smem:$0x3FAF]  }
0x31: {  	[smem:$0x3FB8] =	sst s10  }
0x32: {  	s10 =	sld [smem:$0x3FB6];
	_ =	sdelay $0x3  }
0x33: {  	p0 =	seq.s32 s10, $0x1;
	s10 =	sld [smem:$0x3FB8];
	_ =	sdelay $0x3  }
0x34: {  	[smem:$0x3FB8] =	sst s10  }
0x35: {  	s10 =	sld [smem:$0x3FB7];
	_ =	sdelay $0x3  }
0x36: {  	p1 =	seq.s32 s10, $0x1;
	s10 =	sld [smem:$0x3FB8];
	_ =	sdelay $0x3  }
0x37: {  	[smem:$0x3FB8] =	sst s10  }
0x38: {  	s10 =	sld [smem:$0x3FB9]  }
0x39: {  	_ = 	snop;
	(pc) =	sbr.ind lr, $3  }
0x3a: {  	_ = 	snop  }
0x3b: {  	_ = 	snop  }
0x3c: {  	p2 =	seq.s32 s10, $0x1;
	s10 =	sld [smem:$0x3FB8]  }
0x3d: {  	_ =	shalt  }
0x3e: {  	_ =	shalt  }
0x3f: {  	_ =	shalt  }
0x40: {  	_ =	shalt  }
0x41: {  	_ =	shalt  }
0x42: {  	_ =	shalt  }
0x43: {  	_ =	shalt  }
0x44: {  	_ =	shalt  }
0x45: {  	_ =	shalt  }
0x46: {  	_ =	shalt  }
0x47: {  	_ =	shalt  }
0x48: {  	_ =	shalt  }
0x49: {  	_ =	shalt  }
0x4a: {  	_ =	shalt  }
0x4b: {  	_ =	shalt  }
0x4c: {  	_ =	shalt  }
0x4d: {  	_ =	shalt  }
0x4e: {  	_ =	shalt  }
0x4f: {  	_ =	shalt  }
0x50: {  	_ =	shalt  }
0x51: {  	_ =	shalt  }
0x52: {  	_ =	shalt  }
0x53: {  	_ =	shalt  }
0x54: {  	_ =	shalt  }
0x55: {  	_ =	shalt  }
0x56: {  	_ =	shalt  }
0x57: {  	_ =	shalt  }
0x58: {  	_ =	shalt  }
0x59: {  	_ =	shalt  }
0x5a: {  	_ =	shalt  }
0x5b: {  	_ =	shalt  }
0x5c: {  	_ =	shalt  }
0x5d: {  	_ =	shalt  }
0x5e: {  	_ =	shalt  }
0x5f: {  	_ =	shalt  }
0x60: {  	_ =	shalt  }
0x61: {  	_ =	shalt  }
0x62: {  	_ =	shalt  }
0x63: {  	_ =	shalt  }
0x64: {  	_ =	shalt  }
0x65: {  	_ =	shalt  }
0x66: {  	_ =	shalt  }
0x67: {  	_ =	shalt  }
0x68: {  	_ =	shalt  }
0x69: {  	_ =	shalt  }
0x6a: {  	_ =	shalt  }
0x6b: {  	_ =	shalt  }
0x6c: {  	_ =	shalt  }
0x6d: {  	_ =	shalt  }
0x6e: {  	_ =	shalt  }
0x6f: {  	_ =	shalt  }
0x70: {  	_ =	shalt  }
0x71: {  	_ =	shalt  }
0x72: {  	_ =	shalt  }
0x73: {  	_ =	shalt  }
0x74: {  	_ =	shalt  }
0x75: {  	_ =	shalt  }
0x76: {  	_ =	shalt  }
0x77: {  	_ =	shalt  }
0x78: {  	_ =	shalt  }
0x79: {  	_ =	shalt  }
0x7a: {  	_ =	shalt  }
0x7b: {  	_ =	shalt  }
0x7c: {  	_ =	shalt  }
0x7d: {  	_ =	shalt  }
0x7e: {  	_ =	shalt  }
0x7f: {  	_ =	shalt  }
0x80: {  	_ =	shalt  }
0x81: {  	_ =	shalt  }
0x82: {  	_ =	shalt  }
0x83: {  	_ =	shalt  }
0x84: {  	_ =	shalt  }
0x85: {  	_ =	shalt  }
0x86: {  	_ =	shalt  }
0x87: {  	_ =	shalt  }
.Lfunc_end0:
.L_simem_size_0:
called_computation.1_lowered:
.L_overlay_start_0:
0x88: {  	s2 =	sld [smem:$0x3FD9]  }
0x89: {  	s3 =	sld [smem:$0x3FFE];
	_ =	sdelay $0x1  }
0x8a: {  	s1 =	srdreg.scid  }
0x8b: {  	s0 =	sand.u32 $0x1, s1  }
0x8c: {  	s17 =	sshll.u32 s0, $0xA;
	s2 =	sadd.s32 s3, s2  }
0x8d: {  	s2 =	sadd.s32 s2, s17  }
0x8e: {  	[smem:$0x3FC4] =	sst s2  }
0x8f: {  	_ = 	snop  }
0x90: {  	s2 =	sld [smem:$0x3FD0];
	(tm) =	ssettm $0x1  }
0x91: {  	s18 =	sld [smem:$0x3FFB];
	_ =	sdelay $0x3  }
0x92: {  	_ =	strace s18  }
0x93: {  	s3 =	sld [smem:$0x3FFC];
	_ =	sdelay $0x3  }
0x94: {  	_ =	strace s3  }
0x95: {  	s3 =	sld [smem:$0x3FFD];
	_ =	sdelay $0x3  }
0x96: {  	_ =	strace s3  }
0x97: {  	_ =	strace $0x8FFFFFFF  }
0x98: {  	s19 =	sld [smem:$0x3FDB];
	_ =	sdelay $0x1  }
0x99: {  	s4 =	simm.s32 $_scs_section_size  }
0x9a: {  	s5 =	simm.s32 $_size__tile_overlayer_lowered;
	s6 =	simm.s32 $_tile_overlayer_lowered  }
0x9b: {  	s22 =	simm.s32 $0x1BFF;
	s21 =	sshll.u32 s6, $0x1;
	s3 =	sadd.s32 s4, s19  }
0x9c: {  	s7 =	simm.s32 $0x0;
	s20 =	sshll.u32 s5, $0x1;
	s5 =	sadd.s32 s21, s3  }
0x9d: {  	[timem:s7], [sflag:s22] =	dma.local [hbm:s5], s20  }
0x9e: {  	_ =	swait.ge [sflag:s22], s20  }
0x9f: {  	s4 =	ssub.s32 $0x0, s20;
	[sflag:s22] =	ssyncset.done $0x0  }
0xa0: {  	[sflag:s22] =	ssyncadd.s32 s4;
	_ =	sdelay $0x1  }
0xa1: {  	s23 =	simm.s32 $0x1B8B  }
0xa2: {  	_ =	swait.ge [sflag:s23], $0x1  }
0xa3: {  	[sflag:s23] =	ssyncset.done $0x0  }
0xa4: {  	s25 =	simm.s32 $0x1B8E;
	s24 =	sld [smem:$0x3FFE];
	[sflag:s23] =	ssyncadd.s32 $0xFFFFFFFF  }
0xa5: {  	s26 =	simm.s32 $execute0_lowered;
	[smem:$0x3FD2] =	sst s25  }
0xa6: {  	s5 =	sshll.u32 s26, $0x1;
	_ =	strace $0x80000049;
	[dreg:$0x1] =	wrdreg $0xFFFFFFFF  }
0xa7: {  	s28 =	simm.s32 $_size_execute0_lowered;
	s3 =	sadd.s32 s3, s5;
	[dreg:$0x0] =	wrdreg $0x0  }
0xa8: {  	s5 =	sshll.u32 s28, $0x1;
	[dreg:$0x2] =	wrdreg s3  }
0xa9: {  	[dreg:$0x3] =	wrdreg s5  }
0xaa: {  	[dreg:$0x4] =	wrdreg $0xC0  }
0xab: {  	_ =	task [dreg:s7], $0x5FFFF  }
0xac: {  	[dreg:$0x1] =	wrdreg $0xFFFFFFFF  }
0xad: {  	[dreg:$0x0] =	wrdreg $0x60  }
0xae: {  	[dreg:$0x2] =	wrdreg s24  }
0xaf: {  	[dreg:$0x3] =	wrdreg s2  }
0xb0: {  	[dreg:$0x4] =	wrdreg $0x84000  }
0xb1: {  	[dreg:$0x5] =	wrdreg $0x9  }
0xb2: {  	_ =	task.clear_ibuf [dreg:s7], $0x6FFFF;
	_ =	strace $0x90000049  }
0xb3: {  	s29 =	simm.s32 $0x9;
	_ =	strace $0x8000004E  }
0xb4: {  	_ =	swait.ge [sflag:s29], $0x1  }
0xb5: {  	[sflag:s29] =	ssyncadd.s32 $0xFFFFFFFF  }
0xb6: {  	_ =	strace $0x9000004E  }
0xb7: {  	_ =	sfence  }
0xb8: {  	s30 =	sld [smem:$0x0];
	_ =	sdelay $0x2  }
0xb9: {  	s31 =	sshll.u32 s1, $0xD;
	s1 =	sshrl.u32 s1, $0x2  }
0xba: {  	s3 =	sand.u32 $0x4000, s31;
	s1 =	sadd.s32 s1, s30  }
0xbb: {  	s0 =	sor.u32 s3, s0;
	s1 =	sshll.u32 s1, $0x11  }
0xbc: {  	s0 =	sor.u32 s1, s0  }
0xbd: {  	s0 =	sadd.s32 $0x8F2B, s0  }
0xbe: {  	[sflag:s0] =	ssyncadd.remote.s32 $0x1  }
0xbf: {  	_ =	sfence.sel $0xFFFF  }
0xc0: {  	[dreg:$0x0] =	wrdreg $0xFFFFFFFF;
	(pc) =	sbr.abs _section_cstart, $3  }
0xc1: {  	[dreg:$0x1] =	wrdreg $0xFFFFFFFF  }
0xc2: {  	_ =	task.clear_ibuf [dreg:s7], $0x2FFFF;
	_ =	strace $0x9FFFFFFF  }
0xc3: {  	(tm) =	ssettm $0x7FFFFFFF  }
tec
execute0_lowered:
.L_overlay_start_1:
0x0: {  	(tag) =	ssettag $0x1  }
0x1: {  	s0 =	rddreg [dreg:$0x0]  }
0x2: {  	s2 =	rddreg [dreg:$0x1]  }
0x3: {  	s1 =	srdreg.scid;
	s3 =	rddreg [dreg:$0x2]  }
0x4: {  	s11 =	stileid.u32;
	s4 =	simm.s32 $0x0;
	s24 =	simm.s32 $0x280  }
0x5: {  	s25 =	simm.s32 $0x100;
	s26 =	simm.s32 $0x180;
	s30 =	simm.s32 $0x300  }
0x6: {  	s31 =	simm.s32 $0x380;
	s28 =	simm.s32 $0x6;
	s29 =	simm.s32 $0x0  }
0x7: {  	s1 =	sand.u32 $0x1, s1;
	s6 =	smul.u32 $0x14000, s11;
	[smem:$0x7FF] =	sst s4  }
0x8: {  	s8 =	smul.u32 $0x90, s11;
	_ =	strace $0x8000004A;
	[dreg:$0x4] =	wrdreg s24  }
0x9: {  	s10 =	sshll.u32 s11, $0x4;
	s11 =	smul.u32 $0x50000, s11;
	[dreg:$0x5] =	wrdreg s25  }
0xa: {  	s5 =	smul.u32 $0x140000, s1;
	s18 =	ssub.s32 $0x2, s1;
	[dreg:$0x6] =	wrdreg s26  }
0xb: {  	p0 =	seq.s32 s1, $0x0;
	s1 =	sor.u32 $0x900, s10;
	[dreg:$0x7] =	wrdreg s30  }
0xc: {  	s24 =	simm.s32 $0x3;
	[dreg:$0x8] =	wrdreg s31;
	s25 =	simm.s32 $0x4  }
0xd: {  	s26 =	simm.s32 $0x5;
	s9 =	sshrl.u32 s18, $0x1;
	s1 =	smov.u32 @p0 s8  }
0xe: {  	s19 =	sshrl.u32 s11, $0x2;
	s7 =	sadd.s32 s6, s5;
	s5 =	sadd.s32 $0xB400, s0  }
0xf: {  	s6 =	sadd.s32 $0x1400, s0;
	s9 =	ssub.s32 s18, s9;
	s20 =	sshll.u32 s1, $0x4  }
0x10: {  	s8 =	sadd.s32 s19, s3;
	s15 =	sshll.u32 s1, $0x7;
	s18 =	simm.s32 $0x200  }
0x11: {  	s19 =	simm.s32 $0x400;
	s7 =	sshrl.u32 s7, $0x3;
	s21 =	sadd.s32 s6, s20  }
0x12: {  	s10 =	sadd.s32 s2, s20;
	s22 =	sadd.s32 $0x4000, s8;
	s23 =	sadd.s32 $0x8000, s8  }
0x13: {  	s13 =	sadd.s32 $0xC000, s8;
	s14 =	sadd.s32 $0x10000, s8;
	[dreg:$0x9] =	wrdreg s21  }
0x14: {  	s17 =	smax.u32 s9, $0x1;
	s20 =	simm.s32 $0x7;
	[dreg:$0xa] =	wrdreg s10  }
0x15: {  	s0 =	sadd.s32 s7, s0;
	s7 =	simm.s32 $0x48;
	[dreg:$0xb] =	wrdreg s22  }
0x16: {  	[dreg:$0xc] =	wrdreg s23;
	s21 =	simm.s32 $0x1;
	s22 =	simm.s32 $0x80  }
0x17: {  	v0 =	vimm.f32 $0.0e+00;
	s23 =	simm.s32 $0x4400;
	s7 =	simm.s32 @!p0 $0x8;
	s16 =	sadd.s32 $0x33400, s0  }
.LBB2_1:
0x18: {  	s0 =	rddreg [dreg:$0x9]  }
0x19: {  	[tilespmem:s4], [sflag:$0x1] =	stream.linear.gather [hbm4b:s0+s4], $0x100, $0x38;
	[tilespmem:$0x1C400] =	vst v63  }
0x1a: {  	s31 =	rddreg [dreg:$0xa]  }
0x1b: {  	[tilespmem:s18], [sflag:$0x1] =	stream.linear.gather [hbm4b:s31+s4], $0x100, $0x38;
	[tilespmem:$0x1C400] =	vst v63  }
0x1c: {  	s1 =	simm.s32 $0x200;
	s0 =	simm.s32 $0x0;
	_ =	strace $0x8000004B  }
.LBB2_2:
0x1d: {  	p0 =	sne.s32 s1, $0xFE00;
	[tilespmem:s0+$0x470] =	vst v0  }
0x1e: {  	[tilespmem:s0+$0x400] =	vst v0  }
0x1f: {  	[tilespmem:s0+$0x410] =	vst v0  }
.Ltmp0:
0x20: {  	[tilespmem:s0+$0x420] =	vst v0;
	(pc) =	sbr.rel @p0 .LBB2_2-.Ltmp0, $4  }
0x21: {  	[tilespmem:s0+$0x430] =	vst v0  }
0x22: {  	[tilespmem:s0+$0x440] =	vst v0  }
0x23: {  	[tilespmem:s0+$0x450] =	vst v0  }
0x24: {  	[tilespmem:s0+$0x460] =	vst v0;
	s0 =	sshra.s32 s1, $0x2;
	s1 =	sadd.s32 $0x200, s1  }
0x25: {  	[tilespmem:s0+$0x470] =	vst v0  }
0x26: {  	[tilespmem:s0+$0x400] =	vst v0  }
0x27: {  	[tilespmem:s0+$0x410] =	vst v0  }
0x28: {  	[tilespmem:s0+$0x420] =	vst v0  }
0x29: {  	[tilespmem:s0+$0x430] =	vst v0  }
0x2a: {  	[tilespmem:s0+$0x440] =	vst v0  }
0x2b: {  	[tilespmem:s0+$0x450] =	vst v0  }
0x2c: {  	[tilespmem:s0+$0x460] =	vst v0  }
0x2d: {  	[spmem:s8] =	stream.linear.scatter [tilespmem:s19], [sflag:$0x7], $0x4000, $0x200038;
	[tilespmem:$0x1C400] =	vst v63  }
0x2e: {  	_ =	swait.ge [sflag:s20], $0x4000  }
0x2f: {  	[sflag:s20] =	ssyncset.done $0x0  }
0x30: {  	s11 =	rddreg [dreg:$0xb];
	[sflag:s20] =	ssyncadd.s32 $0xFFFFC000  }
0x31: {  	[spmem:s11] =	stream.linear.scatter [tilespmem:s19], [sflag:$0x7], $0x4000, $0x200038;
	[tilespmem:$0x1C400] =	vst v63  }
0x32: {  	_ =	swait.ge [sflag:s20], $0x4000  }
0x33: {  	[sflag:s20] =	ssyncset.done $0x0  }
0x34: {  	s12 =	rddreg [dreg:$0xc];
	[sflag:s20] =	ssyncadd.s32 $0xFFFFC000  }
0x35: {  	[spmem:s12] =	stream.linear.scatter [tilespmem:s19], [sflag:$0x7], $0x4000, $0x200038;
	[tilespmem:$0x1C400] =	vst v63  }
0x36: {  	_ =	swait.ge [sflag:s20], $0x4000  }
0x37: {  	[sflag:s20] =	ssyncset.done $0x0  }
0x38: {  	[sflag:s20] =	ssyncadd.s32 $0xFFFFC000  }
0x39: {  	[spmem:s13] =	stream.linear.scatter [tilespmem:s19], [sflag:$0x7], $0x4000, $0x200038;
	[tilespmem:$0x1C400] =	vst v63  }
0x3a: {  	_ =	swait.ge [sflag:s20], $0x4000  }
0x3b: {  	[sflag:s20] =	ssyncset.done $0x0  }
0x3c: {  	[sflag:s20] =	ssyncadd.s32 $0xFFFFC000  }
0x3d: {  	[spmem:s14] =	stream.linear.scatter [tilespmem:s19], [sflag:$0x7], $0x4000, $0x200038;
	[tilespmem:$0x1C400] =	vst v63  }
0x3e: {  	_ =	swait.ge [sflag:s20], $0x4000  }
0x3f: {  	[sflag:s20] =	ssyncset.done $0x0  }
0x40: {  	[sflag:s20] =	ssyncadd.s32 $0xFFFFC000  }
0x41: {  	[bflag:$0x0] =	sbarrier.arrive $0xFFFF  }
0x42: {  	_ =	swait.ge [sflag:s21], $0x100  }
0x43: {  	p0 =	sle.u32 s7, $0x1;
	[sflag:s21] =	ssyncset.done $0x0  }
0x44: {  	s30 =	simm.s32 $0x100;
	p1 =	sne.s32 s7, $0x2;
	[sflag:s21] =	ssyncadd.s32 $0xFFFFFF00  }
.Ltmp1:
0x45: {  	s31 =	simm.s32 $0x2;
	_ =	swait.ge [sflag:s21], $0x100;
	(pc) =	sbr.rel @!p1 .LBB2_4-.Ltmp1, $4  }
0x46: {  	p2 =	por $0x0, $0x0;
	s0 =	sadd.s32 @!p0 $0x100, s15;
	[sflag:s21] =	ssyncset.done $0x0  }
0x47: {  	s1 =	sand.u32 @!p0 $0x300, s30;
	s0 =	sand.u32 @!p0 $0x7FFFFC00, s0;
	[sflag:s21] =	ssyncadd.s32 $0xFFFFFF00  }
0x48: {  	s9 =	simm.s32 @!p0 $0x0;
	s0 =	sor.u32 @!p0 s1, s0;
	_ =	strace $0x9000004B  }
0x49: {  	s10 =	simm.s32 @!p0 $0x100;
	s11 =	sshrl.u32 @!p0 s0, $0x3;
	_ =	strace $0x8000004C  }
0x4a: {  	s0 =	sadd.s32 @!p0 s6, s11  }
0x4b: {  	[tilespmem:s10], [sflag:$0x2] =	stream.linear.gather @!p0 [hbm4b:s0+s9], $0x100, $0x200038;
	[tilespmem:$0x1C400] =	vst v63  }
0x4c: {  	s1 =	simm.s32 @!p0 $0x300;
	s0 =	sadd.s32 @!p0 s2, s11  }
0x4d: {  	[tilespmem:s1], [sflag:$0x2] =	stream.linear.gather @!p0 [hbm4b:s0+s9], $0x100, $0x200038;
	[tilespmem:$0x1C400] =	vst v63  }
0x4e: {  	_ = 	snop  }
0x4f: {  	[tilespmem:s19], [sflag:$0x3] =	stream.indirect.gather [hbm4b:s5+s22], $0x80, s4, s22, $0x2000b8;
	[tilespmem:$0x1C400] =	vst v63  }
0x50: {  	_ = 	snop  }
0x51: {  	[tilespmem:s23], [sflag:$0x4] =	stream.indirect.gather [hbm4b:s5+s22], $0x80, s22, s22, $0x2000b8;
	[tilespmem:$0x1C400] =	vst v63  }
0x52: {  	_ =	swait.ge [sflag:s24], $0x4000  }
0x53: {  	[sflag:s24] =	ssyncset.done $0x0  }
0x54: {  	[sflag:s24] =	ssyncadd.s32 $0xFFFFC000  }
0x55: {  	[spmem:s3] =	stream.indirect.scatter.add.f32 [tilespmem:s19], [sflag:$0x5], $0x80, s18, s22, $0x2000b8;
	[tilespmem:$0x1C400] =	vst v63  }
0x56: {  	_ =	swait.ge [sflag:s25], $0x4000  }
0x57: {  	[sflag:s25] =	ssyncset.done $0x0  }
0x58: {  	s11 =	rddreg [dreg:$0x4];
	[sflag:s25] =	ssyncadd.s32 $0xFFFFC000  }
0x59: {  	[spmem:s3] =	stream.indirect.scatter.add.f32 [tilespmem:s23], [sflag:$0x6], $0x80, s11, s22, $0x2000b8;
	[tilespmem:$0x1C400] =	vst v63  }
0x5a: {  	_ =	swait.ge [sflag:s26], $0x4000  }
0x5b: {  	[sflag:s26] =	ssyncset.done $0x0  }
0x5c: {  	[sflag:s26] =	ssyncadd.s32 $0xFFFFC000  }
0x5d: {  	_ =	swait.ge [sflag:s28], $0x4000  }
0x5e: {  	[sflag:s28] =	ssyncset.done $0x0  }
0x5f: {  	s0 =	simm.s32 @!p0 $0x2;
	[sflag:s28] =	ssyncadd.s32 $0xFFFFC000  }
0x60: {  	p1 =	sle.u32 s7, $0x2;
	_ =	swait.ge @!p0 [sflag:s0], $0x100  }
0x61: {  	s1 =	simm.s32 @!p1 $0x200;
	s9 =	sadd.s32 @!p1 $0x200, s15;
	[sflag:s0] =	ssyncset.done @!p0 $0x0  }
0x62: {  	s1 =	sand.u32 @!p1 $0x200, s1;
	s9 =	sand.u32 @!p1 $0x7FFFFC00, s9;
	[sflag:s0] =	ssyncadd.s32 @!p0 $0xFFFFFF00  }
0x63: {  	s1 =	sor.u32 @!p1 s1, s9;
	_ =	swait.ge @!p0 [sflag:s0], $0x100  }
0x64: {  	s1 =	sshrl.u32 @!p1 s1, $0x3;
	[sflag:s0] =	ssyncset.done @!p0 $0x0  }
0x65: {  	s9 =	simm.s32 @!p1 $0x0;
	[sflag:s0] =	ssyncadd.s32 @!p0 $0xFFFFFF00;
	s0 =	sadd.s32 @!p1 s6, s1  }
0x66: {  	[tilespmem:s9], [sflag:$0x1] =	stream.linear.gather @!p1 [hbm4b:s0+s9], $0x100, $0x200038;
	[tilespmem:$0x1C400] =	vst v63  }
0x67: {  	s0 =	sadd.s32 @!p1 s2, s1;
	s1 =	simm.s32 @!p1 $0x200  }
0x68: {  	[tilespmem:s1], [sflag:$0x1] =	stream.linear.gather @!p1 [hbm4b:s0+s9], $0x100, $0x200038;
	[tilespmem:$0x1C400] =	vst v63  }
0x69: {  	s12 =	rddreg [dreg:$0x5]  }
0x6a: {  	[tilespmem:s19], [sflag:$0x3] =	stream.indirect.gather [hbm4b:s5+s22], $0x80, s12, s22, $0x2000b8;
	[tilespmem:$0x1C400] =	vst v63  }
0x6b: {  	s9 =	rddreg [dreg:$0x6]  }
0x6c: {  	[tilespmem:s23], [sflag:$0x4] =	stream.indirect.gather [hbm4b:s5+s22], $0x80, s9, s22, $0x2000b8;
	[tilespmem:$0x1C400] =	vst v63  }
0x6d: {  	_ =	swait.ge [sflag:s24], $0x4000  }
0x6e: {  	[sflag:s24] =	ssyncset.done $0x0  }
0x6f: {  	s11 =	rddreg [dreg:$0x7];
	[sflag:s24] =	ssyncadd.s32 $0xFFFFC000  }
0x70: {  	[spmem:s3] =	stream.indirect.scatter.add.f32 [tilespmem:s19], [sflag:$0x5], $0x80, s11, s22, $0x2000b8;
	[tilespmem:$0x1C400] =	vst v63  }
0x71: {  	_ =	swait.ge [sflag:s25], $0x4000  }
0x72: {  	[sflag:s25] =	ssyncset.done $0x0  }
0x73: {  	s12 =	rddreg [dreg:$0x8];
	[sflag:s25] =	ssyncadd.s32 $0xFFFFC000  }
0x74: {  	[spmem:s3] =	stream.indirect.scatter.add.f32 [tilespmem:s23], [sflag:$0x6], $0x80, s12, s22, $0x2000b8;
	[tilespmem:$0x1C400] =	vst v63  }
0x75: {  	_ =	swait.ge [sflag:s26], $0x4000  }
0x76: {  	[sflag:s26] =	ssyncset.done $0x0  }
0x77: {  	[sflag:s26] =	ssyncadd.s32 $0xFFFFC000  }
0x78: {  	s31 =	simm.s32 $0x4;
	_ =	swait.ge [sflag:s28], $0x4000  }
0x79: {  	p3 =	sne.s32 s7, $0x4;
	s30 =	simm.s32 $0x300;
	[sflag:s28] =	ssyncset.done $0x0  }
0x7a: {  	p0 =	sle.u32 s7, $0x3;
	s1 =	simm.s32 @!p1 $0x1;
	[sflag:s28] =	ssyncadd.s32 $0xFFFFC000  }
.Ltmp2:
0x7b: {  	s0 =	sadd.s32 @!p0 $0x300, s15;
	_ =	swait.ge @!p1 [sflag:s1], $0x100;
	(pc) =	sbr.rel @!p3 .LBB2_7-.Ltmp2, $4  }
0x7c: {  	s10 =	sand.u32 @!p0 $0x300, s30;
	s0 =	sand.u32 @!p0 $0x7FFFFC00, s0;
	[sflag:s1] =	ssyncset.done @!p1 $0x0  }
0x7d: {  	p2 =	por $0x1, $0x1;
	s0 =	sor.u32 @!p0 s10, s0;
	[sflag:s1] =	ssyncadd.s32 @!p1 $0xFFFFFF00  }
0x7e: {  	s10 =	simm.s32 @!p0 $0x100;
	s9 =	simm.s32 @!p0 $0x0;
	_ =	swait.ge @!p1 [sflag:s1], $0x100  }
0x7f: {  	s11 =	sshrl.u32 @!p0 s0, $0x3;
	s0 =	simm.s32 $0x4;
	[sflag:s1] =	ssyncset.done @!p1 $0x0  }
.LBB2_6:
0x80: {  	s12 =	sadd.s32 @!p0 s6, s11;
	[sflag:s1] =	ssyncadd.s32 @!p1 $0xFFFFFF00  }
0x81: {  	[tilespmem:s10], [sflag:$0x2] =	stream.linear.gather @!p0 [hbm4b:s12+s9], $0x100, $0x200038;
	[tilespmem:$0x1C400] =	vst v63  }
0x82: {  	s10 =	sadd.s32 @!p0 s2, s11;
	s11 =	simm.s32 @!p0 $0x300  }
0x83: {  	[tilespmem:s11], [sflag:$0x2] =	stream.linear.gather @!p0 [hbm4b:s10+s9], $0x100, $0x200038;
	[tilespmem:$0x1C400] =	vst v63  }
0x84: {  	_ = 	snop  }
0x85: {  	[tilespmem:s19], [sflag:$0x3] =	stream.indirect.gather [hbm4b:s5+s22], $0x80, s4, s22, $0x2000b8;
	[tilespmem:$0x1C400] =	vst v63  }
0x86: {  	_ = 	snop  }
0x87: {  	[tilespmem:s23], [sflag:$0x4] =	stream.indirect.gather [hbm4b:s5+s22], $0x80, s22, s22, $0x2000b8;
	[tilespmem:$0x1C400] =	vst v63  }
0x88: {  	_ =	swait.ge [sflag:s24], $0x4000  }
0x89: {  	[sflag:s24] =	ssyncset.done $0x0  }
0x8a: {  	[sflag:s24] =	ssyncadd.s32 $0xFFFFC000  }
0x8b: {  	[spmem:s3] =	stream.indirect.scatter.add.f32 [tilespmem:s19], [sflag:$0x5], $0x80, s18, s22, $0x2000b8;
	[tilespmem:$0x1C400] =	vst v63  }
0x8c: {  	_ =	swait.ge [sflag:s25], $0x4000  }
0x8d: {  	[sflag:s25] =	ssyncset.done $0x0  }
0x8e: {  	s10 =	rddreg [dreg:$0x4];
	[sflag:s25] =	ssyncadd.s32 $0xFFFFC000  }
0x8f: {  	[spmem:s3] =	stream.indirect.scatter.add.f32 [tilespmem:s23], [sflag:$0x6], $0x80, s10, s22, $0x2000b8;
	[tilespmem:$0x1C400] =	vst v63  }
0x90: {  	_ =	swait.ge [sflag:s26], $0x4000  }
0x91: {  	[sflag:s26] =	ssyncset.done $0x0  }
0x92: {  	[sflag:s26] =	ssyncadd.s32 $0xFFFFC000  }
0x93: {  	_ =	swait.ge [sflag:s28], $0x4000  }
0x94: {  	[sflag:s28] =	ssyncset.done $0x0  }
0x95: {  	p1 =	sge.u32 s31, s7;
	s9 =	simm.s32 @!p0 $0x2;
	[sflag:s28] =	ssyncadd.s32 $0xFFFFC000  }
0x96: {  	s10 =	sadd.s32 @!p1 $0x100, s30;
	_ =	swait.ge @!p0 [sflag:s9], $0x100  }
0x97: {  	s11 =	sadd.s32 @!p1 s15, s10;
	[sflag:s9] =	ssyncset.done @!p0 $0x0  }
0x98: {  	s10 =	sand.u32 @!p1 $0x200, s10;
	s11 =	sand.u32 @!p1 $0x7FFFFC00, s11;
	[sflag:s9] =	ssyncadd.s32 @!p0 $0xFFFFFF00  }
0x99: {  	s10 =	sor.u32 @!p1 s10, s11;
	_ =	swait.ge @!p0 [sflag:s9], $0x100  }
0x9a: {  	s10 =	sshrl.u32 @!p1 s10, $0x3;
	[sflag:s9] =	ssyncset.done @!p0 $0x0  }
0x9b: {  	s11 =	simm.s32 @!p1 $0x0;
	[sflag:s9] =	ssyncadd.s32 @!p0 $0xFFFFFF00;
	s9 =	sadd.s32 @!p1 s6, s10  }
0x9c: {  	[tilespmem:s11], [sflag:$0x1] =	stream.linear.gather @!p1 [hbm4b:s9+s11], $0x100, $0x200038;
	[tilespmem:$0x1C400] =	vst v63  }
0x9d: {  	s10 =	sadd.s32 @!p1 s2, s10;
	s9 =	simm.s32 @!p1 $0x200  }
0x9e: {  	[tilespmem:s9], [sflag:$0x1] =	stream.linear.gather @!p1 [hbm4b:s10+s11], $0x100, $0x200038;
	[tilespmem:$0x1C400] =	vst v63  }
0x9f: {  	s12 =	rddreg [dreg:$0x5]  }
0xa0: {  	[tilespmem:s19], [sflag:$0x3] =	stream.indirect.gather [hbm4b:s5+s22], $0x80, s12, s22, $0x2000b8;
	[tilespmem:$0x1C400] =	vst v63  }
0xa1: {  	s11 =	rddreg [dreg:$0x6]  }
0xa2: {  	[tilespmem:s23], [sflag:$0x4] =	stream.indirect.gather [hbm4b:s5+s22], $0x80, s11, s22, $0x2000b8;
	[tilespmem:$0x1C400] =	vst v63  }
0xa3: {  	_ =	swait.ge [sflag:s24], $0x4000  }
0xa4: {  	[sflag:s24] =	ssyncset.done $0x0  }
0xa5: {  	s10 =	rddreg [dreg:$0x7];
	[sflag:s24] =	ssyncadd.s32 $0xFFFFC000  }
0xa6: {  	[spmem:s3] =	stream.indirect.scatter.add.f32 [tilespmem:s19], [sflag:$0x5], $0x80, s10, s22, $0x2000b8;
	[tilespmem:$0x1C400] =	vst v63  }
0xa7: {  	_ =	swait.ge [sflag:s25], $0x4000  }
0xa8: {  	[sflag:s25] =	ssyncset.done $0x0  }
0xa9: {  	s11 =	rddreg [dreg:$0x8];
	[sflag:s25] =	ssyncadd.s32 $0xFFFFC000  }
0xaa: {  	[spmem:s3] =	stream.indirect.scatter.add.f32 [tilespmem:s23], [sflag:$0x6], $0x80, s11, s22, $0x2000b8;
	[tilespmem:$0x1C400] =	vst v63  }
0xab: {  	_ =	swait.ge [sflag:s26], $0x4000  }
0xac: {  	[sflag:s26] =	ssyncset.done $0x0  }
0xad: {  	[sflag:s26] =	ssyncadd.s32 $0xFFFFC000  }
0xae: {  	s1 =	smov.u32 s0;
	s0 =	sadd.s32 $0x2, s0;
	_ =	swait.ge [sflag:s28], $0x4000  }
0xaf: {  	p3 =	sne.s32 s7, s0;
	s30 =	sadd.s32 $0x200, s30;
	[sflag:s28] =	ssyncset.done $0x0  }
0xb0: {  	s12 =	sadd.s32 $0x1, s1;
	s1 =	simm.s32 @!p1 $0x1;
	[sflag:s28] =	ssyncadd.s32 $0xFFFFC000  }
.Ltmp3:
0xb1: {  	p0 =	sge.u32 s12, s7;
	_ =	swait.ge @!p1 [sflag:s1], $0x100;
	(pc) =	sbr.rel @p3 .LBB2_6-.Ltmp3, $4  }
0xb2: {  	s31 =	smov.u32 s0;
	s10 =	sadd.s32 @!p0 s30, s15;
	[sflag:s1] =	ssyncset.done @!p1 $0x0  }
0xb3: {  	s10 =	sand.u32 @!p0 $0x7FFFFC00, s10;
	s11 =	sand.u32 @!p0 $0x300, s30;
	[sflag:s1] =	ssyncadd.s32 @!p1 $0xFFFFFF00  }
0xb4: {  	s9 =	simm.s32 @!p0 $0x0;
	s11 =	sor.u32 @!p0 s11, s10;
	_ =	swait.ge @!p1 [sflag:s1], $0x100  }
0xb5: {  	s10 =	simm.s32 @!p0 $0x100;
	s11 =	sshrl.u32 @!p0 s11, $0x3;
	[sflag:s1] =	ssyncset.done @!p1 $0x0  }
.LBB2_7:
0xb6: {  	p1 =	por p1, !p2  }
0xb7: {  	s0 =	sadd.s32 @!p0 s6, s11;
	[sflag:s1] =	ssyncadd.s32 @!p1 $0xFFFFFF00  }
0xb8: {  	[tilespmem:s10], [sflag:$0x2] =	stream.linear.gather @!p0 [hbm4b:s0+s9], $0x100, $0x200038;
	[tilespmem:$0x1C400] =	vst v63  }
0xb9: {  	s1 =	simm.s32 @!p0 $0x300;
	s0 =	sadd.s32 @!p0 s2, s11  }
0xba: {  	[tilespmem:s1], [sflag:$0x2] =	stream.linear.gather @!p0 [hbm4b:s0+s9], $0x100, $0x200038;
	[tilespmem:$0x1C400] =	vst v63  }
0xbb: {  	_ = 	snop  }
0xbc: {  	[tilespmem:s19], [sflag:$0x3] =	stream.indirect.gather [hbm4b:s5+s22], $0x80, s4, s22, $0x2000b8;
	[tilespmem:$0x1C400] =	vst v63  }
0xbd: {  	_ = 	snop  }
0xbe: {  	[tilespmem:s23], [sflag:$0x4] =	stream.indirect.gather [hbm4b:s5+s22], $0x80, s22, s22, $0x2000b8;
	[tilespmem:$0x1C400] =	vst v63  }
0xbf: {  	_ =	swait.ge [sflag:s24], $0x4000  }
0xc0: {  	[sflag:s24] =	ssyncset.done $0x0  }
0xc1: {  	[sflag:s24] =	ssyncadd.s32 $0xFFFFC000  }
0xc2: {  	[spmem:s3] =	stream.indirect.scatter.add.f32 [tilespmem:s19], [sflag:$0x5], $0x80, s18, s22, $0x2000b8;
	[tilespmem:$0x1C400] =	vst v63  }
0xc3: {  	_ =	swait.ge [sflag:s25], $0x4000  }
0xc4: {  	[sflag:s25] =	ssyncset.done $0x0  }
0xc5: {  	s12 =	rddreg [dreg:$0x4];
	[sflag:s25] =	ssyncadd.s32 $0xFFFFC000  }
0xc6: {  	[spmem:s3] =	stream.indirect.scatter.add.f32 [tilespmem:s23], [sflag:$0x6], $0x80, s12, s22, $0x2000b8;
	[tilespmem:$0x1C400] =	vst v63  }
0xc7: {  	_ =	swait.ge [sflag:s26], $0x4000  }
0xc8: {  	[sflag:s26] =	ssyncset.done $0x0  }
0xc9: {  	[sflag:s26] =	ssyncadd.s32 $0xFFFFC000  }
0xca: {  	_ =	swait.ge [sflag:s28], $0x4000  }
0xcb: {  	[sflag:s28] =	ssyncset.done $0x0  }
0xcc: {  	p1 =	sge.u32 s31, s7;
	s0 =	simm.s32 @!p0 $0x2;
	[sflag:s28] =	ssyncadd.s32 $0xFFFFC000  }
0xcd: {  	s1 =	sadd.s32 @!p1 $0x100, s30;
	_ =	swait.ge @!p0 [sflag:s0], $0x100  }
0xce: {  	s9 =	sadd.s32 @!p1 s15, s1;
	[sflag:s0] =	ssyncset.done @!p0 $0x0  }
0xcf: {  	s1 =	sand.u32 @!p1 $0x200, s1;
	s9 =	sand.u32 @!p1 $0x7FFFFC00, s9;
	[sflag:s0] =	ssyncadd.s32 @!p0 $0xFFFFFF00  }
0xd0: {  	s1 =	sor.u32 @!p1 s1, s9;
	_ =	swait.ge @!p0 [sflag:s0], $0x100  }
0xd1: {  	s1 =	sshrl.u32 @!p1 s1, $0x3;
	[sflag:s0] =	ssyncset.done @!p0 $0x0  }
0xd2: {  	s9 =	simm.s32 @!p1 $0x0;
	[sflag:s0] =	ssyncadd.s32 @!p0 $0xFFFFFF00;
	s0 =	sadd.s32 @!p1 s6, s1  }
0xd3: {  	[tilespmem:s9], [sflag:$0x1] =	stream.linear.gather @!p1 [hbm4b:s0+s9], $0x100, $0x200038;
	[tilespmem:$0x1C400] =	vst v63  }
0xd4: {  	s0 =	sadd.s32 @!p1 s2, s1;
	s1 =	simm.s32 @!p1 $0x200  }
0xd5: {  	[tilespmem:s1], [sflag:$0x1] =	stream.linear.gather @!p1 [hbm4b:s0+s9], $0x100, $0x200038;
	[tilespmem:$0x1C400] =	vst v63  }
0xd6: {  	s31 =	rddreg [dreg:$0x5]  }
0xd7: {  	[tilespmem:s19], [sflag:$0x3] =	stream.indirect.gather [hbm4b:s5+s22], $0x80, s31, s22, $0x2000b8;
	[tilespmem:$0x1C400] =	vst v63  }
0xd8: {  	s9 =	rddreg [dreg:$0x6]  }
0xd9: {  	[tilespmem:s23], [sflag:$0x4] =	stream.indirect.gather [hbm4b:s5+s22], $0x80, s9, s22, $0x2000b8;
	[tilespmem:$0x1C400] =	vst v63  }
0xda: {  	_ =	swait.ge [sflag:s24], $0x4000  }
0xdb: {  	[sflag:s24] =	ssyncset.done $0x0  }
0xdc: {  	s11 =	rddreg [dreg:$0x7];
	[sflag:s24] =	ssyncadd.s32 $0xFFFFC000  }
0xdd: {  	[spmem:s3] =	stream.indirect.scatter.add.f32 [tilespmem:s19], [sflag:$0x5], $0x80, s11, s22, $0x2000b8;
	[tilespmem:$0x1C400] =	vst v63  }
0xde: {  	_ =	swait.ge [sflag:s25], $0x4000  }
0xdf: {  	[sflag:s25] =	ssyncset.done $0x0  }
0xe0: {  	s12 =	rddreg [dreg:$0x8];
	[sflag:s25] =	ssyncadd.s32 $0xFFFFC000  }
0xe1: {  	[spmem:s3] =	stream.indirect.scatter.add.f32 [tilespmem:s23], [sflag:$0x6], $0x80, s12, s22, $0x2000b8;
	[tilespmem:$0x1C400] =	vst v63  }
0xe2: {  	_ =	swait.ge [sflag:s26], $0x4000  }
0xe3: {  	[sflag:s26] =	ssyncset.done $0x0  }
0xe4: {  	[sflag:s26] =	ssyncadd.s32 $0xFFFFC000  }
0xe5: {  	_ =	swait.ge [sflag:s28], $0x4000  }
0xe6: {  	[sflag:s28] =	ssyncset.done $0x0  }
0xe7: {  	s0 =	simm.s32 @!p1 $0x1;
	[sflag:s28] =	ssyncadd.s32 $0xFFFFC000  }
0xe8: {  	_ =	swait.ge @!p1 [sflag:s0], $0x100  }
0xe9: {  	[sflag:s0] =	ssyncset.done @!p1 $0x0  }
0xea: {  	[sflag:s0] =	ssyncadd.s32 @!p1 $0xFFFFFF00  }
0xeb: {  	_ =	swait.ge @!p1 [sflag:s0], $0x100  }
0xec: {  	[sflag:s0] =	ssyncset.done @!p1 $0x0  }
0xed: {  	[sflag:s0] =	ssyncadd.s32 @!p1 $0xFFFFFF00  }
0xee: {  	s29 =	sadd.s32 $0x1, s29;
	s30 =	stileid.u32;
	[bflag:$0x0] =	sbarrier.arrive $0xFFFF  }
0xef: {  	p0 =	sne.s32 s29, s17;
	s0 =	sshll.u32 s30, $0x6;
	_ =	strace $0x9000004C  }
0xf0: {  	s31 =	sshrl.u32 s8, $0x3;
	s0 =	sor.u32 $0x1C07, s0;
	_ =	strace $0x8000004D  }
0xf1: {  	[hbm:s16], [sflag:s0] =	dma.local [spmem:s31], $0x2800  }
.Ltmp4:
0xf2: {  	_ = 	snop;
	(pc) =	sbr.rel @p0 .LBB2_1-.Ltmp4, $4  }
.Ltmp5:
0xf3: {  	_ =	swait.ge [sflag:s20], $0x2800;
	(pc) =	sbr.rel @!p0 .LBB2_8-.Ltmp5, $4  }
0xf4: {  	[sflag:s20] =	ssyncset.done $0x0  }
0xf5: {  	[sflag:s20] =	ssyncadd.s32 $0xFFFFD800  }
0xf6: {  	_ =	strace $0x9000004D  }
0xf7: {  	_ = 	snop  }
.LBB2_4:
.Ltmp6:
0xf8: {  	(pc) =	sbr.rel .LBB2_7-.Ltmp6, $2  }
0xf9: {  	_ =	sdelay $0x2  }
0xfa: {  	_ = 	snop  }
.LBB2_8:
0xfb: {  	_ =	sfence.sel $0x180000  }
0xfc: {  	[bflag:$0x0] =	sbarrier.arrive $0xFFFF  }
0xfd: {  	_ =	strace $0x9000004A  }
0xfe: {  	s0 =	stileid.u32;
	[bflag:$0x2] =	sbarrier.arrive $0xFFFF  }
0xff: {  	p0 =	sne.s32 s0, $0x0;
	s0 =	rddreg [dreg:$0x3]  }
0x100: {  	s0 =	sadd.s32 @!p0 $0x100000, s0  }
0x101: {  	[sflag:s0] =	ssyncadd.tile.s32 @!p0 $0x1;
	_ =	shalt  }
.Lfunc_end2:
_tile_overlayer_lowered:
.L_overlay_start_2:
0x102: {  	(tag) =	ssettag $0x2  }
0x103: {  	s0 =	rddreg [dreg:$0x0];
	s2 =	stileid.u32  }
0x104: {  	s1 =	rddreg [dreg:$0x1];
	p0 =	sne.s32 s2, $0x0  }
0x105: {  	s3 =	rddreg [dreg:$0x2];
	[bflag:$0x3] =	sbarrier.arrive $0xFFFF;
	s2 =	simm.s32 @!p0 $0x1C07  }
0x106: {  	[timem:s3], [sflag:s2] =	dma.local @!p0 [hbm:s0], s1  }
0x107: {  	s0 =	simm.s32 @!p0 $0x7  }
0x108: {  	_ =	swait.ge @!p0 [sflag:s0], s1  }
0x109: {  	s1 =	ssub.s32 @!p0 $0x0, s1;
	[sflag:s0] =	ssyncset.done @!p0 $0x0  }
0x10a: {  	[sflag:s0] =	ssyncadd.s32 @!p0 s1  }
0x10b: {  	[bflag:$0x3] =	sbarrier.arrive $0xFFFF  }
0x10c: {  	_ =	shalt  }

</sc_bundles>
